<compile_context>
chip_gen: v7x
topology: tpu7x:2x2x1
jax: 0.10.2.dev20260603
libtpu: 0.0.44.dev20260713+nightly
codegen_flags: <defaults>
</compile_context>

<pallas_src>
import functools

import jax
import jax.numpy as jnp
from jax import lax
from jax.experimental import pallas as pl
from jax.experimental.pallas import tpu as pltpu
from jax.experimental.pallas import tpu_sc as plsc

N = 10000
E = 320000
D = 128

NC = 2
NS = 16
NW = NC * NS
EPW = E // NW
B = 125
NBW = EPW // B

NPH = 2
HALF = 5120
NDUMP = 256
ACC_H = HALF + NDUMP
TPO = HALF // NS
TPZ = ACC_H // NS
ZB = 112

DEG_B = 128
DEG_NB = 79
DEG_PAD = DEG_NB * DEG_B - EPW
DEG_SENT = 10367
DEG_ROWS = 768
DEG_TPT = DEG_ROWS // NS
DEGW = 16

_MESH = plsc.VectorSubcoreMesh(
    core_axis_name="c", subcore_axis_name="s", num_cores=NC, num_subcores=NS)


@functools.partial(
    pl.kernel,
    out_type=jax.ShapeDtypeStruct((NC, DEG_ROWS, DEGW), jnp.float32),
    mesh=_MESH,
    scratch_types=[
        pltpu.VMEM((DEG_NB, DEG_B), jnp.int32),
        pltpu.VMEM((DEG_B, DEGW), jnp.float32),
        pltpu.VMEM_SHARED((DEG_ROWS, DEGW), jnp.float32),
    ],
)
def _deg_kernel(row_hbm, oh_hbm, out_hbm, row_v, blk_v, acc):
    c = lax.axis_index("c")
    s = lax.axis_index("s")
    wid = s * NC + c
    pltpu.sync_copy(row_hbm.at[wid], row_v)

    zero16 = jnp.zeros((DEGW,), jnp.float32)

    def zrow(r, _):
        blk_v[r, :] = zero16
        return 0
    lax.fori_loop(0, DEG_B, zrow, 0)
    pltpu.sync_copy(blk_v.at[pl.ds(0, DEG_TPT)],
                    acc.at[pl.ds(s * DEG_TPT, DEG_TPT)])
    plsc.subcore_barrier()

    def body(j, _):
        pltpu.sync_copy(oh_hbm.at[wid, j], blk_v)
        pltpu.sync_copy(blk_v, acc.at[row_v.at[j]], add=True)
        return 0
    lax.fori_loop(0, DEG_NB, body, 0)

    plsc.subcore_barrier()
    pltpu.sync_copy(acc.at[pl.ds(s * DEG_TPT, DEG_TPT)],
                    out_hbm.at[c, pl.ds(s * DEG_TPT, DEG_TPT)])


@functools.partial(
    pl.kernel,
    out_type=jax.ShapeDtypeStruct((NPH, NC, HALF, D), jnp.float32),
    mesh=_MESH,
    scratch_types=[
        pltpu.VMEM((NBW + 1, B), jnp.int32),
        pltpu.VMEM((NPH, NBW, B), jnp.int32),
        pltpu.VMEM((B, D), jnp.float32),
        pltpu.VMEM((B, D), jnp.float32),
        pltpu.VMEM((ZB, D), jnp.float32),
        pltpu.VMEM_SHARED((ACC_H, D), jnp.float32),
        pltpu.SemaphoreType.DMA,
        pltpu.SemaphoreType.DMA,
    ],
)
def _agg_kernel(y_hbm, src_hbm, dmap_hbm, out_hbm, src_v, dmap_v, buf0, buf1,
                zb_v, acc, sem0, sem1):
    c = lax.axis_index("c")
    s = lax.axis_index("s")
    wid = s * NC + c
    pltpu.sync_copy(src_hbm.at[wid], src_v)
    for p in range(NPH):
        pltpu.sync_copy(dmap_hbm.at[p, wid], dmap_v.at[p])

    zero16 = jnp.zeros((16,), jnp.float32)

    def zrow(r, _):
        for cc in range(D // 16):
            zb_v[r, pl.ds(cc * 16, 16)] = zero16
        return 0
    lax.fori_loop(0, ZB, zrow, 0)

    for p in range(NPH):
        h = (c + p) % NC
        for z in range(TPZ // ZB):
            pltpu.sync_copy(zb_v, acc.at[pl.ds(s * TPZ + z * ZB, ZB)])
        plsc.subcore_barrier()

        def body(g, _):
            j = 2 * g
            h0 = pltpu.async_copy(y_hbm.at[src_v.at[j]], buf0, sem0)
            h1 = pltpu.async_copy(y_hbm.at[src_v.at[j + 1]], buf1, sem1)
            h0.wait()
            pltpu.sync_copy(buf0, acc.at[dmap_v.at[p, j]], add=True)
            h1.wait()
            pltpu.sync_copy(buf1, acc.at[dmap_v.at[p, j + 1]], add=True)
            return 0
        lax.fori_loop(0, NBW // 2, body, 0)

        plsc.subcore_barrier()
        pltpu.sync_copy(acc.at[pl.ds(s * TPO, TPO)],
                        out_hbm.at[p, h, pl.ds(s * TPO, TPO)])
        plsc.subcore_barrier()


def _agg_index_prep(dst):
    dump = HALF + (dst % NDUMP)
    wids = jnp.arange(NW)
    phases = []
    for p in range(NPH):
        maps = []
        for c in range(NC):
            h = (c + p) % NC
            r = dst - h * HALF
            ok = (r >= 0) & (r < HALF)
            maps.append(jnp.where(ok, r, dump))
        m = jnp.stack(maps).reshape(NC, NW, NBW, B)
        phases.append(m[wids % NC, wids])
    return jnp.stack(phases)


def _deg_index_prep(dst):
    d = dst.reshape(NW, EPW)
    d = jnp.pad(d, ((0, 0), (0, DEG_PAD)), constant_values=DEG_SENT)
    d = d.reshape(NW, DEG_NB, DEG_B)
    oh = jax.nn.one_hot(d % DEGW, DEGW, dtype=jnp.float32)
    return d // DEGW, oh



def _dis_body(p_ref, o_ref):
    deg = p_ref[0:1, :] + p_ref[1:2, :] + 1.0
    o_ref[...] = lax.rsqrt(deg)


def _dis_call(p):
    return pl.pallas_call(
        _dis_body,
        out_shape=jax.ShapeDtypeStruct((1, DEG_ROWS * DEGW), jnp.float32),
    )(p)


_RB = 1000
_GRID = N // _RB


def _mm_body(x_ref, w_ref, d_ref, o_ref):
    o_ref[...] = jnp.dot(x_ref[...], w_ref[...],
                         preferred_element_type=jnp.float32) * d_ref[...]


def _mm_call(x, w, dis):
    return pl.pallas_call(
        _mm_body,
        grid=(_GRID,),
        in_specs=[
            pl.BlockSpec((_RB, D), lambda i: (i, 0)),
            pl.BlockSpec((D, D), lambda i: (0, 0)),
            pl.BlockSpec((_RB, 1), lambda i: (i, 0)),
        ],
        out_specs=pl.BlockSpec((_RB, D), lambda i: (i, 0)),
        out_shape=jax.ShapeDtypeStruct((N, D), jnp.float32),
    )(x, w, dis)


def _mid_body(p0_ref, p1_ref, y_ref, d_ref, b_ref, w_ref, o_ref):
    h = (p0_ref[...] + p1_ref[...] + y_ref[...]) * d_ref[...] + b_ref[...]
    h = jnp.maximum(h, 0.0)
    o_ref[...] = jnp.dot(h, w_ref[...],
                         preferred_element_type=jnp.float32) * d_ref[...]


def _mid_call(p0, p1, y, dis, b, w):
    return pl.pallas_call(
        _mid_body,
        grid=(_GRID,),
        in_specs=[
            pl.BlockSpec((_RB, D), lambda i: (i, 0)),
            pl.BlockSpec((_RB, D), lambda i: (i, 0)),
            pl.BlockSpec((_RB, D), lambda i: (i, 0)),
            pl.BlockSpec((_RB, 1), lambda i: (i, 0)),
            pl.BlockSpec((1, D), lambda i: (0, 0)),
            pl.BlockSpec((D, D), lambda i: (0, 0)),
        ],
        out_specs=pl.BlockSpec((_RB, D), lambda i: (i, 0)),
        out_shape=jax.ShapeDtypeStruct((N, D), jnp.float32),
    )(p0, p1, y, dis, b, w)


def _out_body(p0_ref, p1_ref, y_ref, d_ref, b_ref, o_ref):
    o_ref[...] = (p0_ref[...] + p1_ref[...] + y_ref[...]) * d_ref[...] \
        + b_ref[...]


def _out_call(p0, p1, y, dis, b):
    return pl.pallas_call(
        _out_body,
        grid=(_GRID,),
        in_specs=[
            pl.BlockSpec((_RB, D), lambda i: (i, 0)),
            pl.BlockSpec((_RB, D), lambda i: (i, 0)),
            pl.BlockSpec((_RB, D), lambda i: (i, 0)),
            pl.BlockSpec((_RB, 1), lambda i: (i, 0)),
            pl.BlockSpec((1, D), lambda i: (0, 0)),
        ],
        out_specs=pl.BlockSpec((_RB, D), lambda i: (i, 0)),
        out_shape=jax.ShapeDtypeStruct((N, D), jnp.float32),
    )(p0, p1, y, dis, b)


def kernel(x, edge_index, W1, b1, W2, b2):
    src = edge_index[0]
    dst = edge_index[1]
    src2 = src.reshape(NW, NBW, B)
    src2 = jnp.concatenate([src2, src2[:, :1]], axis=1)
    dmap = _agg_index_prep(dst)
    deg_rows, deg_oh = _deg_index_prep(dst)

    degp = _deg_kernel(deg_rows, deg_oh)
    dis_row = _dis_call(degp.reshape(NC, DEG_ROWS * DEGW))
    dis = dis_row.reshape(DEG_ROWS * DEGW, 1)[:N]

    y1 = _mm_call(x, W1, dis)
    a1 = _agg_kernel(y1, src2, dmap)
    p10 = a1[0].reshape(NC * HALF, D)[:N]
    p11 = a1[1].reshape(NC * HALF, D)[:N]
    y2 = _mid_call(p10, p11, y1, dis, b1.reshape(1, D), W2)
    a2 = _agg_kernel(y2, src2, dmap)
    p20 = a2[0].reshape(NC * HALF, D)[:N]
    p21 = a2[1].reshape(NC * HALF, D)[:N]
    return _out_call(p20, p21, y2, dis, b2.reshape(1, D))

# --- scband reference (transcript-rebuilt; emitter-appended) ---
"""Pipeline reference for scband-real-gcn-23072564314519 (READ-ONLY COPY).

The authoritative reference and input builder live on the scoring server;
editing this copy changes nothing except your own understanding.
"""

import jax, jax.numpy as jnp
import numpy as np

N = 10000
E = 320000
D_IN = 128
D_HID = 128
D_OUT = 128


def setup_inputs(seed: int = 0) -> dict:
    key = jax.random.key(seed)
    ks = jax.random.split(key, 6)
    x = jax.random.normal(ks[0], (N, D_IN), dtype=jnp.float32)
    edge_index = jax.random.randint(ks[1], (2, E), 0, N, dtype=jnp.int32)
    # Glorot-style init for GCNConv weights, zeros for bias (PyG default)
    W1 = jax.random.normal(ks[2], (D_IN, D_HID), dtype=jnp.float32) * jnp.sqrt(2.0 / (D_IN + D_HID))
    b1 = jnp.zeros((D_HID,), dtype=jnp.float32)
    W2 = jax.random.normal(ks[3], (D_HID, D_OUT), dtype=jnp.float32) * jnp.sqrt(2.0 / (D_HID + D_OUT))
    b2 = jnp.zeros((D_OUT,), dtype=jnp.float32)
    return {"x": x, "edge_index": edge_index, "W1": W1, "b1": b1, "W2": W2, "b2": b2}


def gcn_conv(x, edge_index, W, b):
    # Faithful translation of PyG GCNConv (normalize=True, add_self_loops=True, bias=True)
    n = x.shape[0]
    loop = jnp.arange(n, dtype=edge_index.dtype)
    src = jnp.concatenate([edge_index[0], loop])
    dst = jnp.concatenate([edge_index[1], loop])
    # symmetric normalization: deg computed over target nodes with unit edge weights
    deg = jnp.zeros((n,), dtype=x.dtype).at[dst].add(1.0)
    deg_inv_sqrt = jnp.where(deg > 0, 1.0 / jnp.sqrt(deg), 0.0)
    norm = deg_inv_sqrt[src] * deg_inv_sqrt[dst]
    xw = x @ W
    msg = xw[src] * norm[:, None]
    out = jnp.zeros((n, W.shape[1]), dtype=x.dtype).at[dst].add(msg)
    return out + b


def reference(x, edge_index, W1, b1, W2, b2):
    h = gcn_conv(x, edge_index, W1, b1)
    h = jax.nn.relu(h)
    out = gcn_conv(h, edge_index, W2, b2)
    return out

if __name__ == "__main__":
    import jax
    _d = setup_inputs()
    print(jax.jit(kernel)(*tuple(_d.values())))

</pallas_src>

<mosaic_0001>
#map = affine_map<(d0, d1) -> (0, 0)>
#map1 = affine_map<(d0, d1) -> (0, 0, 0)>
#map2 = affine_map<(d0, d1) -> (0, 0, 0, 0)>
module attributes {stable_mosaic.version = 14 : i64} {
  func.func @_agg_kernel(%arg0: i32, %arg1: i32, %arg2: memref<10000x128xf32, #tpu.memory_space<hbm>>, %arg3: memref<32x81x125xi32, #tpu.memory_space<hbm>>, %arg4: memref<2x32x80x125xi32, #tpu.memory_space<hbm>>, %arg5: memref<2x2x5120x128xf32, #tpu.memory_space<hbm>>, %arg6: memref<81x125xi32, #tpu.memory_space<vmem>>, %arg7: memref<2x80x125xi32, #tpu.memory_space<vmem>>, %arg8: memref<125x128xf32, #tpu.memory_space<vmem>>, %arg9: memref<125x128xf32, #tpu.memory_space<vmem>>, %arg10: memref<112x128xf32, #tpu.memory_space<vmem>>, %arg11: memref<5376x128xf32, #tpu.memory_space<vmem_shared>>, %arg12: memref<!tpu.dma_semaphore, #tpu.memory_space<semaphore_mem>>, %arg13: memref<!tpu.dma_semaphore, #tpu.memory_space<semaphore_mem>>) attributes {dimension_semantics = [#tpu.dimension_semantics<core_parallel>, #tpu.dimension_semantics<subcore_parallel>], iteration_bounds = array<i64: 2, 16>, scalar_prefetch = 0 : i64, scratch_operands = 8 : i64, tpu.core_type = #tpu.core_type<sc_vector_subcore>, window_params = [{transform_indices = #map}, {transform_indices = #map1}, {transform_indices = #map2}, {transform_indices = #map2}]} {
    %mul3A = arith.constant 2 : i32
    %mul3A_0 = arith.muli %arg1, %mul3A : i32
    %add3A = arith.addi %mul3A_0, %arg0 : i32
    "tpu.region"() ({
      %run_scoped3A_93 = tpu.sem_alloc : memref<!tpu.dma_semaphore, #tpu.memory_space<semaphore_mem>>
      %dma_start3A = arith.constant 0 : i32
      %dma_start3A_94 = arith.constant 0 : i32
      %dma_start3A_95 = tpu.memref_slice %arg3[%add3A, %dma_start3A, %dma_start3A_94] : memref<32x81x125xi32, #tpu.memory_space<hbm>> -> memref<1x81x125xi32, #tpu.memory_space<hbm>>
      %dma_start3A_96 = tpu.memref_squeeze %dma_start3A_95 : memref<1x81x125xi32, #tpu.memory_space<hbm>> -> memref<81x125xi32, #tpu.memory_space<hbm>>
      %dma_start3A_97 = arith.constant 0 : i32
      %dma_start3A_98 = arith.constant 0 : i32
      %dma_start3A_99 = tpu.memref_slice %arg3[%add3A, %dma_start3A_97, %dma_start3A_98] : memref<32x81x125xi32, #tpu.memory_space<hbm>> -> memref<1x81x125xi32, #tpu.memory_space<hbm>>
      %dma_start3A_100 = tpu.memref_squeeze %dma_start3A_99 : memref<1x81x125xi32, #tpu.memory_space<hbm>> -> memref<81x125xi32, #tpu.memory_space<hbm>>
      tpu.enqueue_dma source(%dma_start3A_100 : memref<81x125xi32, #tpu.memory_space<hbm>>) target(%arg6 : memref<81x125xi32, #tpu.memory_space<vmem>>) target_semaphore(%run_scoped3A_93 : memref<!tpu.dma_semaphore, #tpu.memory_space<semaphore_mem>>)
      %dma_wait3A = arith.constant 0 : i32
      %dma_wait3A_101 = arith.constant 0 : i32
      %dma_wait3A_102 = tpu.memref_slice %arg3[%add3A, %dma_wait3A, %dma_wait3A_101] : memref<32x81x125xi32, #tpu.memory_space<hbm>> -> memref<1x81x125xi32, #tpu.memory_space<hbm>>
      %dma_wait3A_103 = tpu.memref_squeeze %dma_wait3A_102 : memref<1x81x125xi32, #tpu.memory_space<hbm>> -> memref<81x125xi32, #tpu.memory_space<hbm>>
      %dma_wait3A_104 = arith.constant 0 : i32
      %dma_wait3A_105 = arith.constant 0 : i32
      %dma_wait3A_106 = tpu.memref_slice %arg3[%add3A, %dma_wait3A_104, %dma_wait3A_105] : memref<32x81x125xi32, #tpu.memory_space<hbm>> -> memref<1x81x125xi32, #tpu.memory_space<hbm>>
      %dma_wait3A_107 = tpu.memref_squeeze %dma_wait3A_106 : memref<1x81x125xi32, #tpu.memory_space<hbm>> -> memref<81x125xi32, #tpu.memory_space<hbm>>
      tpu.wait_dma2 semaphore(%run_scoped3A_93 : memref<!tpu.dma_semaphore, #tpu.memory_space<semaphore_mem>>) src(%dma_wait3A_107 : memref<81x125xi32, #tpu.memory_space<hbm>>) dst(%arg6 : memref<81x125xi32, #tpu.memory_space<vmem>>)
      tpu.yield
    }) : () -> ()
    %run_scoped3A = arith.constant 0 : i32
    %run_scoped3A_1 = arith.constant 0 : i32
    "tpu.region"() ({
      %run_scoped3A_93 = tpu.sem_alloc : memref<!tpu.dma_semaphore, #tpu.memory_space<semaphore_mem>>
      %dma_start3A = arith.constant 0 : i32
      %dma_start3A_94 = arith.constant 0 : i32
      %dma_start3A_95 = tpu.memref_slice %arg7[%run_scoped3A_1, %dma_start3A, %dma_start3A_94] : memref<2x80x125xi32, #tpu.memory_space<vmem>> -> memref<1x80x125xi32, #tpu.memory_space<vmem>>
      %dma_start3A_96 = tpu.memref_squeeze %dma_start3A_95 : memref<1x80x125xi32, #tpu.memory_space<vmem>> -> memref<80x125xi32, #tpu.memory_space<vmem>>
      %dma_start3A_97 = arith.constant 0 : i32
      %dma_start3A_98 = arith.constant 0 : i32
      %dma_start3A_99 = tpu.memref_slice %arg4[%run_scoped3A, %add3A, %dma_start3A_97, %dma_start3A_98] : memref<2x32x80x125xi32, #tpu.memory_space<hbm>> -> memref<1x1x80x125xi32, #tpu.memory_space<hbm>>
      %dma_start3A_100 = tpu.memref_squeeze %dma_start3A_99 : memref<1x1x80x125xi32, #tpu.memory_space<hbm>> -> memref<80x125xi32, #tpu.memory_space<hbm>>
      %dma_start3A_101 = arith.constant 0 : i32
      %dma_start3A_102 = arith.constant 0 : i32
      %dma_start3A_103 = tpu.memref_slice %arg7[%run_scoped3A_1, %dma_start3A_101, %dma_start3A_102] : memref<2x80x125xi32, #tpu.memory_space<vmem>> -> memref<1x80x125xi32, #tpu.memory_space<vmem>>
      %dma_start3A_104 = tpu.memref_squeeze %dma_start3A_103 : memref<1x80x125xi32, #tpu.memory_space<vmem>> -> memref<80x125xi32, #tpu.memory_space<vmem>>
      %dma_start3A_105 = arith.constant 0 : i32
      %dma_start3A_106 = arith.constant 0 : i32
      %dma_start3A_107 = tpu.memref_slice %arg4[%run_scoped3A, %add3A, %dma_start3A_105, %dma_start3A_106] : memref<2x32x80x125xi32, #tpu.memory_space<hbm>> -> memref<1x1x80x125xi32, #tpu.memory_space<hbm>>
      %dma_start3A_108 = tpu.memref_squeeze %dma_start3A_107 : memref<1x1x80x125xi32, #tpu.memory_space<hbm>> -> memref<80x125xi32, #tpu.memory_space<hbm>>
      tpu.enqueue_dma source(%dma_start3A_108 : memref<80x125xi32, #tpu.memory_space<hbm>>) target(%dma_start3A_104 : memref<80x125xi32, #tpu.memory_space<vmem>>) target_semaphore(%run_scoped3A_93 : memref<!tpu.dma_semaphore, #tpu.memory_space<semaphore_mem>>)
      %dma_wait3A = arith.constant 0 : i32
      %dma_wait3A_109 = arith.constant 0 : i32
      %dma_wait3A_110 = tpu.memref_slice %arg7[%run_scoped3A_1, %dma_wait3A, %dma_wait3A_109] : memref<2x80x125xi32, #tpu.memory_space<vmem>> -> memref<1x80x125xi32, #tpu.memory_space<vmem>>
      %dma_wait3A_111 = tpu.memref_squeeze %dma_wait3A_110 : memref<1x80x125xi32, #tpu.memory_space<vmem>> -> memref<80x125xi32, #tpu.memory_space<vmem>>
      %dma_wait3A_112 = arith.constant 0 : i32
      %dma_wait3A_113 = arith.constant 0 : i32
      %dma_wait3A_114 = tpu.memref_slice %arg4[%run_scoped3A, %add3A, %dma_wait3A_112, %dma_wait3A_113] : memref<2x32x80x125xi32, #tpu.memory_space<hbm>> -> memref<1x1x80x125xi32, #tpu.memory_space<hbm>>
      %dma_wait3A_115 = tpu.memref_squeeze %dma_wait3A_114 : memref<1x1x80x125xi32, #tpu.memory_space<hbm>> -> memref<80x125xi32, #tpu.memory_space<hbm>>
      %dma_wait3A_116 = arith.constant 0 : i32
      %dma_wait3A_117 = arith.constant 0 : i32
      %dma_wait3A_118 = tpu.memref_slice %arg7[%run_scoped3A_1, %dma_wait3A_116, %dma_wait3A_117] : memref<2x80x125xi32, #tpu.memory_space<vmem>> -> memref<1x80x125xi32, #tpu.memory_space<vmem>>
      %dma_wait3A_119 = tpu.memref_squeeze %dma_wait3A_118 : memref<1x80x125xi32, #tpu.memory_space<vmem>> -> memref<80x125xi32, #tpu.memory_space<vmem>>
      %dma_wait3A_120 = arith.constant 0 : i32
      %dma_wait3A_121 = arith.constant 0 : i32
      %dma_wait3A_122 = tpu.memref_slice %arg4[%run_scoped3A, %add3A, %dma_wait3A_120, %dma_wait3A_121] : memref<2x32x80x125xi32, #tpu.memory_space<hbm>> -> memref<1x1x80x125xi32, #tpu.memory_space<hbm>>
      %dma_wait3A_123 = tpu.memref_squeeze %dma_wait3A_122 : memref<1x1x80x125xi32, #tpu.memory_space<hbm>> -> memref<80x125xi32, #tpu.memory_space<hbm>>
      tpu.wait_dma2 semaphore(%run_scoped3A_93 : memref<!tpu.dma_semaphore, #tpu.memory_space<semaphore_mem>>) src(%dma_wait3A_123 : memref<80x125xi32, #tpu.memory_space<hbm>>) dst(%dma_wait3A_119 : memref<80x125xi32, #tpu.memory_space<vmem>>)
      tpu.yield
    }) : () -> ()
    %run_scoped3A_2 = arith.constant 1 : i32
    %run_scoped3A_3 = arith.constant 1 : i32
    "tpu.region"() ({
      %run_scoped3A_93 = tpu.sem_alloc : memref<!tpu.dma_semaphore, #tpu.memory_space<semaphore_mem>>
      %dma_start3A = arith.constant 0 : i32
      %dma_start3A_94 = arith.constant 0 : i32
      %dma_start3A_95 = tpu.memref_slice %arg7[%run_scoped3A_3, %dma_start3A, %dma_start3A_94] : memref<2x80x125xi32, #tpu.memory_space<vmem>> -> memref<1x80x125xi32, #tpu.memory_space<vmem>>
      %dma_start3A_96 = tpu.memref_squeeze %dma_start3A_95 : memref<1x80x125xi32, #tpu.memory_space<vmem>> -> memref<80x125xi32, #tpu.memory_space<vmem>>
      %dma_start3A_97 = arith.constant 0 : i32
      %dma_start3A_98 = arith.constant 0 : i32
      %dma_start3A_99 = tpu.memref_slice %arg4[%run_scoped3A_2, %add3A, %dma_start3A_97, %dma_start3A_98] : memref<2x32x80x125xi32, #tpu.memory_space<hbm>> -> memref<1x1x80x125xi32, #tpu.memory_space<hbm>>
      %dma_start3A_100 = tpu.memref_squeeze %dma_start3A_99 : memref<1x1x80x125xi32, #tpu.memory_space<hbm>> -> memref<80x125xi32, #tpu.memory_space<hbm>>
      %dma_start3A_101 = arith.constant 0 : i32
      %dma_start3A_102 = arith.constant 0 : i32
      %dma_start3A_103 = tpu.memref_slice %arg7[%run_scoped3A_3, %dma_start3A_101, %dma_start3A_102] : memref<2x80x125xi32, #tpu.memory_space<vmem>> -> memref<1x80x125xi32, #tpu.memory_space<vmem>>
      %dma_start3A_104 = tpu.memref_squeeze %dma_start3A_103 : memref<1x80x125xi32, #tpu.memory_space<vmem>> -> memref<80x125xi32, #tpu.memory_space<vmem>>
      %dma_start3A_105 = arith.constant 0 : i32
      %dma_start3A_106 = arith.constant 0 : i32
      %dma_start3A_107 = tpu.memref_slice %arg4[%run_scoped3A_2, %add3A, %dma_start3A_105, %dma_start3A_106] : memref<2x32x80x125xi32, #tpu.memory_space<hbm>> -> memref<1x1x80x125xi32, #tpu.memory_space<hbm>>
      %dma_start3A_108 = tpu.memref_squeeze %dma_start3A_107 : memref<1x1x80x125xi32, #tpu.memory_space<hbm>> -> memref<80x125xi32, #tpu.memory_space<hbm>>
      tpu.enqueue_dma source(%dma_start3A_108 : memref<80x125xi32, #tpu.memory_space<hbm>>) target(%dma_start3A_104 : memref<80x125xi32, #tpu.memory_space<vmem>>) target_semaphore(%run_scoped3A_93 : memref<!tpu.dma_semaphore, #tpu.memory_space<semaphore_mem>>)
      %dma_wait3A = arith.constant 0 : i32
      %dma_wait3A_109 = arith.constant 0 : i32
      %dma_wait3A_110 = tpu.memref_slice %arg7[%run_scoped3A_3, %dma_wait3A, %dma_wait3A_109] : memref<2x80x125xi32, #tpu.memory_space<vmem>> -> memref<1x80x125xi32, #tpu.memory_space<vmem>>
      %dma_wait3A_111 = tpu.memref_squeeze %dma_wait3A_110 : memref<1x80x125xi32, #tpu.memory_space<vmem>> -> memref<80x125xi32, #tpu.memory_space<vmem>>
      %dma_wait3A_112 = arith.constant 0 : i32
      %dma_wait3A_113 = arith.constant 0 : i32
      %dma_wait3A_114 = tpu.memref_slice %arg4[%run_scoped3A_2, %add3A, %dma_wait3A_112, %dma_wait3A_113] : memref<2x32x80x125xi32, #tpu.memory_space<hbm>> -> memref<1x1x80x125xi32, #tpu.memory_space<hbm>>
      %dma_wait3A_115 = tpu.memref_squeeze %dma_wait3A_114 : memref<1x1x80x125xi32, #tpu.memory_space<hbm>> -> memref<80x125xi32, #tpu.memory_space<hbm>>
      %dma_wait3A_116 = arith.constant 0 : i32
      %dma_wait3A_117 = arith.constant 0 : i32
      %dma_wait3A_118 = tpu.memref_slice %arg7[%run_scoped3A_3, %dma_wait3A_116, %dma_wait3A_117] : memref<2x80x125xi32, #tpu.memory_space<vmem>> -> memref<1x80x125xi32, #tpu.memory_space<vmem>>
      %dma_wait3A_119 = tpu.memref_squeeze %dma_wait3A_118 : memref<1x80x125xi32, #tpu.memory_space<vmem>> -> memref<80x125xi32, #tpu.memory_space<vmem>>
      %dma_wait3A_120 = arith.constant 0 : i32
      %dma_wait3A_121 = arith.constant 0 : i32
      %dma_wait3A_122 = tpu.memref_slice %arg4[%run_scoped3A_2, %add3A, %dma_wait3A_120, %dma_wait3A_121] : memref<2x32x80x125xi32, #tpu.memory_space<hbm>> -> memref<1x1x80x125xi32, #tpu.memory_space<hbm>>
      %dma_wait3A_123 = tpu.memref_squeeze %dma_wait3A_122 : memref<1x1x80x125xi32, #tpu.memory_space<hbm>> -> memref<80x125xi32, #tpu.memory_space<hbm>>
      tpu.wait_dma2 semaphore(%run_scoped3A_93 : memref<!tpu.dma_semaphore, #tpu.memory_space<semaphore_mem>>) src(%dma_wait3A_123 : memref<80x125xi32, #tpu.memory_space<hbm>>) dst(%dma_wait3A_119 : memref<80x125xi32, #tpu.memory_space<vmem>>)
      tpu.yield
    }) : () -> ()
    %broadcast_in_dim3A = arith.constant 0.000000e+00 : f32
    %broadcast_in_dim3A_4 = vector.broadcast %broadcast_in_dim3A : f32 to vector<16xf32>
    %scan3A = arith.constant 0 : i32
    %scan3A_5 = arith.constant 0 : i32
    %scan3A_6 = arith.constant 112 : i32
    %scan3A_7 = arith.addi %scan3A_5, %scan3A_6 : i32
    %scan3A_8 = arith.constant 1 : i32
    %scan3A_9 = scf.for %scan3A_93 = %scan3A_5 to %scan3A_7 step %scan3A_8 iter_args(%scan3A_94 = %scan3A) -> (i32)  : i32 {
      %swap3A = arith.index_cast %scan3A_93 : i32 to index
      %swap3A_95 = arith.constant 0 : index
      %swap3A_96 = tpu.vector_load %arg10[%swap3A, %swap3A_95] {strides = array<i32>} : memref<112x128xf32, #tpu.memory_space<vmem>>, vector<1x16xf32>,
      %swap3A_97 = vector.shape_cast %swap3A_96 : vector<1x16xf32> to vector<16xf32>
      %swap3A_98 = vector.shape_cast %broadcast_in_dim3A_4 : vector<16xf32> to vector<1x16xf32>
      tpu.vector_store %arg10[%swap3A, %swap3A_95], %swap3A_98 {strides = array<i32>} : memref<112x128xf32, #tpu.memory_space<vmem>>, vector<1x16xf32>,
      %swap3A_99 = arith.index_cast %scan3A_93 : i32 to index
      %swap3A_100 = arith.constant 16 : index
      %swap3A_101 = tpu.vector_load %arg10[%swap3A_99, %swap3A_100] {strides = array<i32>} : memref<112x128xf32, #tpu.memory_space<vmem>>, vector<1x16xf32>,
      %swap3A_102 = vector.shape_cast %swap3A_101 : vector<1x16xf32> to vector<16xf32>
      %swap3A_103 = vector.shape_cast %broadcast_in_dim3A_4 : vector<16xf32> to vector<1x16xf32>
      tpu.vector_store %arg10[%swap3A_99, %swap3A_100], %swap3A_103 {strides = array<i32>} : memref<112x128xf32, #tpu.memory_space<vmem>>, vector<1x16xf32>,
      %swap3A_104 = arith.index_cast %scan3A_93 : i32 to index
      %swap3A_105 = arith.constant 32 : index
      %swap3A_106 = tpu.vector_load %arg10[%swap3A_104, %swap3A_105] {strides = array<i32>} : memref<112x128xf32, #tpu.memory_space<vmem>>, vector<1x16xf32>,
      %swap3A_107 = vector.shape_cast %swap3A_106 : vector<1x16xf32> to vector<16xf32>
      %swap3A_108 = vector.shape_cast %broadcast_in_dim3A_4 : vector<16xf32> to vector<1x16xf32>
      tpu.vector_store %arg10[%swap3A_104, %swap3A_105], %swap3A_108 {strides = array<i32>} : memref<112x128xf32, #tpu.memory_space<vmem>>, vector<1x16xf32>,
      %swap3A_109 = arith.index_cast %scan3A_93 : i32 to index
      %swap3A_110 = arith.constant 48 : index
      %swap3A_111 = tpu.vector_load %arg10[%swap3A_109, %swap3A_110] {strides = array<i32>} : memref<112x128xf32, #tpu.memory_space<vmem>>, vector<1x16xf32>,
      %swap3A_112 = vector.shape_cast %swap3A_111 : vector<1x16xf32> to vector<16xf32>
      %swap3A_113 = vector.shape_cast %broadcast_in_dim3A_4 : vector<16xf32> to vector<1x16xf32>
      tpu.vector_store %arg10[%swap3A_109, %swap3A_110], %swap3A_113 {strides = array<i32>} : memref<112x128xf32, #tpu.memory_space<vmem>>, vector<1x16xf32>,
      %swap3A_114 = arith.index_cast %scan3A_93 : i32 to index
      %swap3A_115 = arith.constant 64 : index
      %swap3A_116 = tpu.vector_load %arg10[%swap3A_114, %swap3A_115] {strides = array<i32>} : memref<112x128xf32, #tpu.memory_space<vmem>>, vector<1x16xf32>,
      %swap3A_117 = vector.shape_cast %swap3A_116 : vector<1x16xf32> to vector<16xf32>
      %swap3A_118 = vector.shape_cast %broadcast_in_dim3A_4 : vector<16xf32> to vector<1x16xf32>
      tpu.vector_store %arg10[%swap3A_114, %swap3A_115], %swap3A_118 {strides = array<i32>} : memref<112x128xf32, #tpu.memory_space<vmem>>, vector<1x16xf32>,
      %swap3A_119 = arith.index_cast %scan3A_93 : i32 to index
      %swap3A_120 = arith.constant 80 : index
      %swap3A_121 = tpu.vector_load %arg10[%swap3A_119, %swap3A_120] {strides = array<i32>} : memref<112x128xf32, #tpu.memory_space<vmem>>, vector<1x16xf32>,
      %swap3A_122 = vector.shape_cast %swap3A_121 : vector<1x16xf32> to vector<16xf32>
      %swap3A_123 = vector.shape_cast %broadcast_in_dim3A_4 : vector<16xf32> to vector<1x16xf32>
      tpu.vector_store %arg10[%swap3A_119, %swap3A_120], %swap3A_123 {strides = array<i32>} : memref<112x128xf32, #tpu.memory_space<vmem>>, vector<1x16xf32>,
      %swap3A_124 = arith.index_cast %scan3A_93 : i32 to index
      %swap3A_125 = arith.constant 96 : index
      %swap3A_126 = tpu.vector_load %arg10[%swap3A_124, %swap3A_125] {strides = array<i32>} : memref<112x128xf32, #tpu.memory_space<vmem>>, vector<1x16xf32>,
      %swap3A_127 = vector.shape_cast %swap3A_126 : vector<1x16xf32> to vector<16xf32>
      %swap3A_128 = vector.shape_cast %broadcast_in_dim3A_4 : vector<16xf32> to vector<1x16xf32>
      tpu.vector_store %arg10[%swap3A_124, %swap3A_125], %swap3A_128 {strides = array<i32>} : memref<112x128xf32, #tpu.memory_space<vmem>>, vector<1x16xf32>,
      %swap3A_129 = arith.index_cast %scan3A_93 : i32 to index
      %swap3A_130 = arith.constant 112 : index
      %swap3A_131 = tpu.vector_load %arg10[%swap3A_129, %swap3A_130] {strides = array<i32>} : memref<112x128xf32, #tpu.memory_space<vmem>>, vector<1x16xf32>,
      %swap3A_132 = vector.shape_cast %swap3A_131 : vector<1x16xf32> to vector<16xf32>
      %swap3A_133 = vector.shape_cast %broadcast_in_dim3A_4 : vector<16xf32> to vector<1x16xf32>
      tpu.vector_store %arg10[%swap3A_129, %swap3A_130], %swap3A_133 {strides = array<i32>} : memref<112x128xf32, #tpu.memory_space<vmem>>, vector<1x16xf32>,
      %scan3A_134 = arith.constant 0 : i32
      scf.yield %scan3A_134 : i32
    }
    %scan3A_10 = arith.constant 112 : i32
    %add3A_11 = arith.constant 0 : i32
    %add3A_12 = arith.addi %arg0, %add3A_11 : i32
    %jit3A = arith.constant 2 : i32
    %eq3A = arith.constant 0 : i32
    %eq3A_13 = arith.cmpi eq, %jit3A, %eq3A : i32
    %jit3A_14 = arith.constant 1 : i32
    %select_n3A = arith.select %eq3A_13, %jit3A_14, %jit3A : i32
    %rem3A = arith.remsi %add3A_12, %select_n3A : i32
    %ne3A = arith.constant 0 : i32
    %ne3A_15 = arith.cmpi ne, %rem3A, %ne3A : i32
    %lt3A = arith.constant 0 : i32
    %lt3A_16 = arith.cmpi slt, %rem3A, %lt3A : i32
    %lt3A_17 = arith.constant 0 : i32
    %lt3A_18 = arith.cmpi slt, %select_n3A, %lt3A_17 : i32
    %ne3A_19 = arith.xori %lt3A_16, %lt3A_18 : i1
    %and3A = arith.andi %ne3A_19, %ne3A_15 : i1
    %add3A_20 = arith.addi %rem3A, %select_n3A : i32
    %select_n3A_21 = arith.select %and3A, %add3A_20, %rem3A : i32
    %mul3A_22 = arith.constant 336 : i32
    %mul3A_23 = arith.muli %arg1, %mul3A_22 : i32
    %add3A_24 = arith.constant 0 : i32
    %add3A_25 = arith.addi %mul3A_23, %add3A_24 : i32
    "tpu.region"() ({
      %run_scoped3A_93 = tpu.sem_alloc : memref<!tpu.dma_semaphore, #tpu.memory_space<semaphore_mem>>
      %dma_start3A = arith.constant 0 : i32
      %dma_start3A_94 = tpu.memref_slice %arg11[%add3A_25, %dma_start3A] : memref<5376x128xf32, #tpu.memory_space<vmem_shared>> -> memref<112x128xf32, #tpu.memory_space<vmem_shared>>
      %dma_start3A_95 = arith.constant 0 : i32
      %dma_start3A_96 = tpu.memref_slice %arg11[%add3A_25, %dma_start3A_95] : memref<5376x128xf32, #tpu.memory_space<vmem_shared>> -> memref<112x128xf32, #tpu.memory_space<vmem_shared>>
      tpu.enqueue_dma source(%arg10 : memref<112x128xf32, #tpu.memory_space<vmem>>) target(%dma_start3A_96 : memref<112x128xf32, #tpu.memory_space<vmem_shared>>) target_semaphore(%run_scoped3A_93 : memref<!tpu.dma_semaphore, #tpu.memory_space<semaphore_mem>>)
      %dma_wait3A = arith.constant 0 : i32
      %dma_wait3A_97 = tpu.memref_slice %arg11[%add3A_25, %dma_wait3A] : memref<5376x128xf32, #tpu.memory_space<vmem_shared>> -> memref<112x128xf32, #tpu.memory_space<vmem_shared>>
      %dma_wait3A_98 = arith.constant 0 : i32
      %dma_wait3A_99 = tpu.memref_slice %arg11[%add3A_25, %dma_wait3A_98] : memref<5376x128xf32, #tpu.memory_space<vmem_shared>> -> memref<112x128xf32, #tpu.memory_space<vmem_shared>>
      tpu.wait_dma2 semaphore(%run_scoped3A_93 : memref<!tpu.dma_semaphore, #tpu.memory_space<semaphore_mem>>) src(%arg10 : memref<112x128xf32, #tpu.memory_space<vmem>>) dst(%dma_wait3A_99 : memref<112x128xf32, #tpu.memory_space<vmem_shared>>)
      tpu.yield
    }) : () -> ()
    %mul3A_26 = arith.constant 336 : i32
    %mul3A_27 = arith.muli %arg1, %mul3A_26 : i32
    %add3A_28 = arith.constant 112 : i32
    %add3A_29 = arith.addi %mul3A_27, %add3A_28 : i32
    "tpu.region"() ({
      %run_scoped3A_93 = tpu.sem_alloc : memref<!tpu.dma_semaphore, #tpu.memory_space<semaphore_mem>>
      %dma_start3A = arith.constant 0 : i32
      %dma_start3A_94 = tpu.memref_slice %arg11[%add3A_29, %dma_start3A] : memref<5376x128xf32, #tpu.memory_space<vmem_shared>> -> memref<112x128xf32, #tpu.memory_space<vmem_shared>>
      %dma_start3A_95 = arith.constant 0 : i32
      %dma_start3A_96 = tpu.memref_slice %arg11[%add3A_29, %dma_start3A_95] : memref<5376x128xf32, #tpu.memory_space<vmem_shared>> -> memref<112x128xf32, #tpu.memory_space<vmem_shared>>
      tpu.enqueue_dma source(%arg10 : memref<112x128xf32, #tpu.memory_space<vmem>>) target(%dma_start3A_96 : memref<112x128xf32, #tpu.memory_space<vmem_shared>>) target_semaphore(%run_scoped3A_93 : memref<!tpu.dma_semaphore, #tpu.memory_space<semaphore_mem>>)
      %dma_wait3A = arith.constant 0 : i32
      %dma_wait3A_97 = tpu.memref_slice %arg11[%add3A_29, %dma_wait3A] : memref<5376x128xf32, #tpu.memory_space<vmem_shared>> -> memref<112x128xf32, #tpu.memory_space<vmem_shared>>
      %dma_wait3A_98 = arith.constant 0 : i32
      %dma_wait3A_99 = tpu.memref_slice %arg11[%add3A_29, %dma_wait3A_98] : memref<5376x128xf32, #tpu.memory_space<vmem_shared>> -> memref<112x128xf32, #tpu.memory_space<vmem_shared>>
      tpu.wait_dma2 semaphore(%run_scoped3A_93 : memref<!tpu.dma_semaphore, #tpu.memory_space<semaphore_mem>>) src(%arg10 : memref<112x128xf32, #tpu.memory_space<vmem>>) dst(%dma_wait3A_99 : memref<112x128xf32, #tpu.memory_space<vmem_shared>>)
      tpu.yield
    }) : () -> ()
    %mul3A_30 = arith.constant 336 : i32
    %mul3A_31 = arith.muli %arg1, %mul3A_30 : i32
    %add3A_32 = arith.constant 224 : i32
    %add3A_33 = arith.addi %mul3A_31, %add3A_32 : i32
    "tpu.region"() ({
      %run_scoped3A_93 = tpu.sem_alloc : memref<!tpu.dma_semaphore, #tpu.memory_space<semaphore_mem>>
      %dma_start3A = arith.constant 0 : i32
      %dma_start3A_94 = tpu.memref_slice %arg11[%add3A_33, %dma_start3A] : memref<5376x128xf32, #tpu.memory_space<vmem_shared>> -> memref<112x128xf32, #tpu.memory_space<vmem_shared>>
      %dma_start3A_95 = arith.constant 0 : i32
      %dma_start3A_96 = tpu.memref_slice %arg11[%add3A_33, %dma_start3A_95] : memref<5376x128xf32, #tpu.memory_space<vmem_shared>> -> memref<112x128xf32, #tpu.memory_space<vmem_shared>>
      tpu.enqueue_dma source(%arg10 : memref<112x128xf32, #tpu.memory_space<vmem>>) target(%dma_start3A_96 : memref<112x128xf32, #tpu.memory_space<vmem_shared>>) target_semaphore(%run_scoped3A_93 : memref<!tpu.dma_semaphore, #tpu.memory_space<semaphore_mem>>)
      %dma_wait3A = arith.constant 0 : i32
      %dma_wait3A_97 = tpu.memref_slice %arg11[%add3A_33, %dma_wait3A] : memref<5376x128xf32, #tpu.memory_space<vmem_shared>> -> memref<112x128xf32, #tpu.memory_space<vmem_shared>>
      %dma_wait3A_98 = arith.constant 0 : i32
      %dma_wait3A_99 = tpu.memref_slice %arg11[%add3A_33, %dma_wait3A_98] : memref<5376x128xf32, #tpu.memory_space<vmem_shared>> -> memref<112x128xf32, #tpu.memory_space<vmem_shared>>
      tpu.wait_dma2 semaphore(%run_scoped3A_93 : memref<!tpu.dma_semaphore, #tpu.memory_space<semaphore_mem>>) src(%arg10 : memref<112x128xf32, #tpu.memory_space<vmem>>) dst(%dma_wait3A_99 : memref<112x128xf32, #tpu.memory_space<vmem_shared>>)
      tpu.yield
    }) : () -> ()
    %barrier3A = arith.constant 0 : index
    tpu.barrier barrier_id(%barrier3A)
    %scan3A_34 = arith.constant 0 : i32
    %scan3A_35 = arith.constant 0 : i32
    %scan3A_36 = arith.constant 40 : i32
    %scan3A_37 = arith.addi %scan3A_35, %scan3A_36 : i32
    %scan3A_38 = arith.constant 1 : i32
    %scan3A_39 = scf.for %scan3A_93 = %scan3A_35 to %scan3A_37 step %scan3A_38 iter_args(%scan3A_94 = %scan3A_34) -> (i32)  : i32 {
      %mul3A_95 = arith.constant 2 : i32
      %mul3A_96 = arith.muli %mul3A_95, %scan3A_93 : i32
      %dma_start3A = arith.constant 0 : i32
      %dma_start3A_97 = tpu.memref_slice %arg6[%mul3A_96, %dma_start3A] : memref<81x125xi32, #tpu.memory_space<vmem>> -> memref<1x125xi32, #tpu.memory_space<vmem>>
      %dma_start3A_98 = tpu.memref_squeeze %dma_start3A_97 : memref<1x125xi32, #tpu.memory_space<vmem>> -> memref<125xi32, #tpu.memory_space<vmem>>
      %dma_start3A_99 = arith.constant 0 : i32
      %dma_start3A_100 = arith.constant 0 : i32
      %dma_start3A_101 = tpu.memref_slice %arg2[%dma_start3A_99, %dma_start3A_100] : memref<10000x128xf32, #tpu.memory_space<hbm>> -> memref<10000x128xf32, #tpu.memory_space<hbm>>
      tpu.enqueue_indirect_dma source(%dma_start3A_101 : memref<10000x128xf32, #tpu.memory_space<hbm>>) target(%arg8 : memref<125x128xf32, #tpu.memory_space<vmem>>) offsets(%dma_start3A_98 : memref<125xi32, #tpu.memory_space<vmem>>) semaphore(%arg12 : memref<!tpu.dma_semaphore, #tpu.memory_space<semaphore_mem>>)
      %add3A_102 = arith.constant 1 : i32
      %add3A_103 = arith.addi %mul3A_96, %add3A_102 : i32
      %dma_start3A_104 = arith.constant 0 : i32
      %dma_start3A_105 = tpu.memref_slice %arg6[%add3A_103, %dma_start3A_104] : memref<81x125xi32, #tpu.memory_space<vmem>> -> memref<1x125xi32, #tpu.memory_space<vmem>>
      %dma_start3A_106 = tpu.memref_squeeze %dma_start3A_105 : memref<1x125xi32, #tpu.memory_space<vmem>> -> memref<125xi32, #tpu.memory_space<vmem>>
      %dma_start3A_107 = arith.constant 0 : i32
      %dma_start3A_108 = arith.constant 0 : i32
      %dma_start3A_109 = tpu.memref_slice %arg2[%dma_start3A_107, %dma_start3A_108] : memref<10000x128xf32, #tpu.memory_space<hbm>> -> memref<10000x128xf32, #tpu.memory_space<hbm>>
      tpu.enqueue_indirect_dma source(%dma_start3A_109 : memref<10000x128xf32, #tpu.memory_space<hbm>>) target(%arg9 : memref<125x128xf32, #tpu.memory_space<vmem>>) offsets(%dma_start3A_106 : memref<125xi32, #tpu.memory_space<vmem>>) semaphore(%arg13 : memref<!tpu.dma_semaphore, #tpu.memory_space<semaphore_mem>>)
      %dma_wait3A = arith.constant 0 : i32
      %dma_wait3A_110 = tpu.memref_slice %arg6[%mul3A_96, %dma_wait3A] : memref<81x125xi32, #tpu.memory_space<vmem>> -> memref<1x125xi32, #tpu.memory_space<vmem>>
      %dma_wait3A_111 = tpu.memref_squeeze %dma_wait3A_110 : memref<1x125xi32, #tpu.memory_space<vmem>> -> memref<125xi32, #tpu.memory_space<vmem>>
      %dma_wait3A_112 = arith.constant 0 : i32
      %dma_wait3A_113 = arith.constant 0 : i32
      %dma_wait3A_114 = tpu.memref_slice %arg2[%dma_wait3A_112, %dma_wait3A_113] : memref<10000x128xf32, #tpu.memory_space<hbm>> -> memref<10000x128xf32, #tpu.memory_space<hbm>>
      tpu.wait_indirect_dma semaphore(%arg12 : memref<!tpu.dma_semaphore, #tpu.memory_space<semaphore_mem>>) src(%dma_wait3A_114 : memref<10000x128xf32, #tpu.memory_space<hbm>>) dst(%arg8 : memref<125x128xf32, #tpu.memory_space<vmem>>)
      %run_scoped3A_115 = arith.constant 0 : i32
      "tpu.region"() ({
        %run_scoped3A_126 = tpu.sem_alloc : memref<!tpu.dma_semaphore, #tpu.memory_space<semaphore_mem>>
        %dma_start3A_127 = arith.constant 0 : i32
        %dma_start3A_128 = tpu.memref_slice %arg7[%run_scoped3A_115, %mul3A_96, %dma_start3A_127] : memref<2x80x125xi32, #tpu.memory_space<vmem>> -> memref<1x1x125xi32, #tpu.memory_space<vmem>>
        %dma_start3A_129 = tpu.memref_squeeze %dma_start3A_128 : memref<1x1x125xi32, #tpu.memory_space<vmem>> -> memref<125xi32, #tpu.memory_space<vmem>>
        %dma_start3A_130 = arith.constant 0 : i32
        %dma_start3A_131 = arith.constant 0 : i32
        %dma_start3A_132 = tpu.memref_slice %arg11[%dma_start3A_130, %dma_start3A_131] : memref<5376x128xf32, #tpu.memory_space<vmem_shared>> -> memref<5376x128xf32, #tpu.memory_space<vmem_shared>>
        tpu.enqueue_indirect_dma source(%arg8 : memref<125x128xf32, #tpu.memory_space<vmem>>) target(%dma_start3A_132 : memref<5376x128xf32, #tpu.memory_space<vmem_shared>>) offsets(%dma_start3A_129 : memref<125xi32, #tpu.memory_space<vmem>>) semaphore(%run_scoped3A_126 : memref<!tpu.dma_semaphore, #tpu.memory_space<semaphore_mem>>) {add = true}
        %dma_wait3A_133 = arith.constant 0 : i32
        %dma_wait3A_134 = tpu.memref_slice %arg7[%run_scoped3A_115, %mul3A_96, %dma_wait3A_133] : memref<2x80x125xi32, #tpu.memory_space<vmem>> -> memref<1x1x125xi32, #tpu.memory_space<vmem>>
        %dma_wait3A_135 = tpu.memref_squeeze %dma_wait3A_134 : memref<1x1x125xi32, #tpu.memory_space<vmem>> -> memref<125xi32, #tpu.memory_space<vmem>>
        %dma_wait3A_136 = arith.constant 0 : i32
        %dma_wait3A_137 = arith.constant 0 : i32
        %dma_wait3A_138 = tpu.memref_slice %arg11[%dma_wait3A_136, %dma_wait3A_137] : memref<5376x128xf32, #tpu.memory_space<vmem_shared>> -> memref<5376x128xf32, #tpu.memory_space<vmem_shared>>
        tpu.wait_indirect_dma semaphore(%run_scoped3A_126 : memref<!tpu.dma_semaphore, #tpu.memory_space<semaphore_mem>>) src(%arg8 : memref<125x128xf32, #tpu.memory_space<vmem>>) dst(%dma_wait3A_138 : memref<5376x128xf32, #tpu.memory_space<vmem_shared>>)
        tpu.yield
      }) : () -> ()
      %dma_wait3A_116 = arith.constant 0 : i32
      %dma_wait3A_117 = tpu.memref_slice %arg6[%add3A_103, %dma_wait3A_116] : memref<81x125xi32, #tpu.memory_space<vmem>> -> memref<1x125xi32, #tpu.memory_space<vmem>>
      %dma_wait3A_118 = tpu.memref_squeeze %dma_wait3A_117 : memref<1x125xi32, #tpu.memory_space<vmem>> -> memref<125xi32, #tpu.memory_space<vmem>>
      %dma_wait3A_119 = arith.constant 0 : i32
      %dma_wait3A_120 = arith.constant 0 : i32
      %dma_wait3A_121 = tpu.memref_slice %arg2[%dma_wait3A_119, %dma_wait3A_120] : memref<10000x128xf32, #tpu.memory_space<hbm>> -> memref<10000x128xf32, #tpu.memory_space<hbm>>
      tpu.wait_indirect_dma semaphore(%arg13 : memref<!tpu.dma_semaphore, #tpu.memory_space<semaphore_mem>>) src(%dma_wait3A_121 : memref<10000x128xf32, #tpu.memory_space<hbm>>) dst(%arg9 : memref<125x128xf32, #tpu.memory_space<vmem>>)
      %add3A_122 = arith.constant 1 : i32
      %add3A_123 = arith.addi %mul3A_96, %add3A_122 : i32
      %run_scoped3A_124 = arith.constant 0 : i32
      "tpu.region"() ({
        %run_scoped3A_126 = tpu.sem_alloc : memref<!tpu.dma_semaphore, #tpu.memory_space<semaphore_mem>>
        %dma_start3A_127 = arith.constant 0 : i32
        %dma_start3A_128 = tpu.memref_slice %arg7[%run_scoped3A_124, %add3A_123, %dma_start3A_127] : memref<2x80x125xi32, #tpu.memory_space<vmem>> -> memref<1x1x125xi32, #tpu.memory_space<vmem>>
        %dma_start3A_129 = tpu.memref_squeeze %dma_start3A_128 : memref<1x1x125xi32, #tpu.memory_space<vmem>> -> memref<125xi32, #tpu.memory_space<vmem>>
        %dma_start3A_130 = arith.constant 0 : i32
        %dma_start3A_131 = arith.constant 0 : i32
        %dma_start3A_132 = tpu.memref_slice %arg11[%dma_start3A_130, %dma_start3A_131] : memref<5376x128xf32, #tpu.memory_space<vmem_shared>> -> memref<5376x128xf32, #tpu.memory_space<vmem_shared>>
        tpu.enqueue_indirect_dma source(%arg9 : memref<125x128xf32, #tpu.memory_space<vmem>>) target(%dma_start3A_132 : memref<5376x128xf32, #tpu.memory_space<vmem_shared>>) offsets(%dma_start3A_129 : memref<125xi32, #tpu.memory_space<vmem>>) semaphore(%run_scoped3A_126 : memref<!tpu.dma_semaphore, #tpu.memory_space<semaphore_mem>>) {add = true}
        %dma_wait3A_133 = arith.constant 0 : i32
        %dma_wait3A_134 = tpu.memref_slice %arg7[%run_scoped3A_124, %add3A_123, %dma_wait3A_133] : memref<2x80x125xi32, #tpu.memory_space<vmem>> -> memref<1x1x125xi32, #tpu.memory_space<vmem>>
        %dma_wait3A_135 = tpu.memref_squeeze %dma_wait3A_134 : memref<1x1x125xi32, #tpu.memory_space<vmem>> -> memref<125xi32, #tpu.memory_space<vmem>>
        %dma_wait3A_136 = arith.constant 0 : i32
        %dma_wait3A_137 = arith.constant 0 : i32
        %dma_wait3A_138 = tpu.memref_slice %arg11[%dma_wait3A_136, %dma_wait3A_137] : memref<5376x128xf32, #tpu.memory_space<vmem_shared>> -> memref<5376x128xf32, #tpu.memory_space<vmem_shared>>
        tpu.wait_indirect_dma semaphore(%run_scoped3A_126 : memref<!tpu.dma_semaphore, #tpu.memory_space<semaphore_mem>>) src(%arg9 : memref<125x128xf32, #tpu.memory_space<vmem>>) dst(%dma_wait3A_138 : memref<5376x128xf32, #tpu.memory_space<vmem_shared>>)
        tpu.yield
      }) : () -> ()
      %scan3A_125 = arith.constant 0 : i32
      scf.yield %scan3A_125 : i32
    }
    %scan3A_40 = arith.constant 40 : i32
    %barrier3A_41 = arith.constant 0 : index
    tpu.barrier barrier_id(%barrier3A_41)
    %mul3A_42 = arith.constant 320 : i32
    %mul3A_43 = arith.muli %arg1, %mul3A_42 : i32
    %mul3A_44 = arith.constant 320 : i32
    %mul3A_45 = arith.muli %arg1, %mul3A_44 : i32
    %run_scoped3A_46 = arith.constant 0 : i32
    "tpu.region"() ({
      %run_scoped3A_93 = tpu.sem_alloc : memref<!tpu.dma_semaphore, #tpu.memory_space<semaphore_mem>>
      %dma_start3A = arith.constant 0 : i32
      %dma_start3A_94 = tpu.memref_slice %arg5[%run_scoped3A_46, %select_n3A_21, %mul3A_45, %dma_start3A] : memref<2x2x5120x128xf32, #tpu.memory_space<hbm>> -> memref<1x1x320x128xf32, #tpu.memory_space<hbm>>
      %dma_start3A_95 = tpu.memref_squeeze %dma_start3A_94 : memref<1x1x320x128xf32, #tpu.memory_space<hbm>> -> memref<320x128xf32, #tpu.memory_space<hbm>>
      %dma_start3A_96 = arith.constant 0 : i32
      %dma_start3A_97 = tpu.memref_slice %arg11[%mul3A_43, %dma_start3A_96] : memref<5376x128xf32, #tpu.memory_space<vmem_shared>> -> memref<320x128xf32, #tpu.memory_space<vmem_shared>>
      tpu.enqueue_dma source(%dma_start3A_97 : memref<320x128xf32, #tpu.memory_space<vmem_shared>>) target(%dma_start3A_95 : memref<320x128xf32, #tpu.memory_space<hbm>>) target_semaphore(%run_scoped3A_93 : memref<!tpu.dma_semaphore, #tpu.memory_space<semaphore_mem>>)
      %dma_wait3A = arith.constant 0 : i32
      %dma_wait3A_98 = tpu.memref_slice %arg5[%run_scoped3A_46, %select_n3A_21, %mul3A_45, %dma_wait3A] : memref<2x2x5120x128xf32, #tpu.memory_space<hbm>> -> memref<1x1x320x128xf32, #tpu.memory_space<hbm>>
      %dma_wait3A_99 = tpu.memref_squeeze %dma_wait3A_98 : memref<1x1x320x128xf32, #tpu.memory_space<hbm>> -> memref<320x128xf32, #tpu.memory_space<hbm>>
      %dma_wait3A_100 = arith.constant 0 : i32
      %dma_wait3A_101 = tpu.memref_slice %arg11[%mul3A_43, %dma_wait3A_100] : memref<5376x128xf32, #tpu.memory_space<vmem_shared>> -> memref<320x128xf32, #tpu.memory_space<vmem_shared>>
      tpu.wait_dma2 semaphore(%run_scoped3A_93 : memref<!tpu.dma_semaphore, #tpu.memory_space<semaphore_mem>>) src(%dma_wait3A_101 : memref<320x128xf32, #tpu.memory_space<vmem_shared>>) dst(%dma_wait3A_99 : memref<320x128xf32, #tpu.memory_space<hbm>>)
      tpu.yield
    }) : () -> ()
    %barrier3A_47 = arith.constant 0 : index
    tpu.barrier barrier_id(%barrier3A_47)
    %add3A_48 = arith.constant 1 : i32
    %add3A_49 = arith.addi %arg0, %add3A_48 : i32
    %jit3A_50 = arith.constant 2 : i32
    %eq3A_51 = arith.constant 0 : i32
    %eq3A_52 = arith.cmpi eq, %jit3A_50, %eq3A_51 : i32
    %jit3A_53 = arith.constant 1 : i32
    %select_n3A_54 = arith.select %eq3A_52, %jit3A_53, %jit3A_50 : i32
    %rem3A_55 = arith.remsi %add3A_49, %select_n3A_54 : i32
    %ne3A_56 = arith.constant 0 : i32
    %ne3A_57 = arith.cmpi ne, %rem3A_55, %ne3A_56 : i32
    %lt3A_58 = arith.constant 0 : i32
    %lt3A_59 = arith.cmpi slt, %rem3A_55, %lt3A_58 : i32
    %lt3A_60 = arith.constant 0 : i32
    %lt3A_61 = arith.cmpi slt, %select_n3A_54, %lt3A_60 : i32
    %ne3A_62 = arith.xori %lt3A_59, %lt3A_61 : i1
    %and3A_63 = arith.andi %ne3A_62, %ne3A_57 : i1
    %add3A_64 = arith.addi %rem3A_55, %select_n3A_54 : i32
    %select_n3A_65 = arith.select %and3A_63, %add3A_64, %rem3A_55 : i32
    %mul3A_66 = arith.constant 336 : i32
    %mul3A_67 = arith.muli %arg1, %mul3A_66 : i32
    %add3A_68 = arith.constant 0 : i32
    %add3A_69 = arith.addi %mul3A_67, %add3A_68 : i32
    "tpu.region"() ({
      %run_scoped3A_93 = tpu.sem_alloc : memref<!tpu.dma_semaphore, #tpu.memory_space<semaphore_mem>>
      %dma_start3A = arith.constant 0 : i32
      %dma_start3A_94 = tpu.memref_slice %arg11[%add3A_69, %dma_start3A] : memref<5376x128xf32, #tpu.memory_space<vmem_shared>> -> memref<112x128xf32, #tpu.memory_space<vmem_shared>>
      %dma_start3A_95 = arith.constant 0 : i32
      %dma_start3A_96 = tpu.memref_slice %arg11[%add3A_69, %dma_start3A_95] : memref<5376x128xf32, #tpu.memory_space<vmem_shared>> -> memref<112x128xf32, #tpu.memory_space<vmem_shared>>
      tpu.enqueue_dma source(%arg10 : memref<112x128xf32, #tpu.memory_space<vmem>>) target(%dma_start3A_96 : memref<112x128xf32, #tpu.memory_space<vmem_shared>>) target_semaphore(%run_scoped3A_93 : memref<!tpu.dma_semaphore, #tpu.memory_space<semaphore_mem>>)
      %dma_wait3A = arith.constant 0 : i32
      %dma_wait3A_97 = tpu.memref_slice %arg11[%add3A_69, %dma_wait3A] : memref<5376x128xf32, #tpu.memory_space<vmem_shared>> -> memref<112x128xf32, #tpu.memory_space<vmem_shared>>
      %dma_wait3A_98 = arith.constant 0 : i32
      %dma_wait3A_99 = tpu.memref_slice %arg11[%add3A_69, %dma_wait3A_98] : memref<5376x128xf32, #tpu.memory_space<vmem_shared>> -> memref<112x128xf32, #tpu.memory_space<vmem_shared>>
      tpu.wait_dma2 semaphore(%run_scoped3A_93 : memref<!tpu.dma_semaphore, #tpu.memory_space<semaphore_mem>>) src(%arg10 : memref<112x128xf32, #tpu.memory_space<vmem>>) dst(%dma_wait3A_99 : memref<112x128xf32, #tpu.memory_space<vmem_shared>>)
      tpu.yield
    }) : () -> ()
    %mul3A_70 = arith.constant 336 : i32
    %mul3A_71 = arith.muli %arg1, %mul3A_70 : i32
    %add3A_72 = arith.constant 112 : i32
    %add3A_73 = arith.addi %mul3A_71, %add3A_72 : i32
    "tpu.region"() ({
      %run_scoped3A_93 = tpu.sem_alloc : memref<!tpu.dma_semaphore, #tpu.memory_space<semaphore_mem>>
      %dma_start3A = arith.constant 0 : i32
      %dma_start3A_94 = tpu.memref_slice %arg11[%add3A_73, %dma_start3A] : memref<5376x128xf32, #tpu.memory_space<vmem_shared>> -> memref<112x128xf32, #tpu.memory_space<vmem_shared>>
      %dma_start3A_95 = arith.constant 0 : i32
      %dma_start3A_96 = tpu.memref_slice %arg11[%add3A_73, %dma_start3A_95] : memref<5376x128xf32, #tpu.memory_space<vmem_shared>> -> memref<112x128xf32, #tpu.memory_space<vmem_shared>>
      tpu.enqueue_dma source(%arg10 : memref<112x128xf32, #tpu.memory_space<vmem>>) target(%dma_start3A_96 : memref<112x128xf32, #tpu.memory_space<vmem_shared>>) target_semaphore(%run_scoped3A_93 : memref<!tpu.dma_semaphore, #tpu.memory_space<semaphore_mem>>)
      %dma_wait3A = arith.constant 0 : i32
      %dma_wait3A_97 = tpu.memref_slice %arg11[%add3A_73, %dma_wait3A] : memref<5376x128xf32, #tpu.memory_space<vmem_shared>> -> memref<112x128xf32, #tpu.memory_space<vmem_shared>>
      %dma_wait3A_98 = arith.constant 0 : i32
      %dma_wait3A_99 = tpu.memref_slice %arg11[%add3A_73, %dma_wait3A_98] : memref<5376x128xf32, #tpu.memory_space<vmem_shared>> -> memref<112x128xf32, #tpu.memory_space<vmem_shared>>
      tpu.wait_dma2 semaphore(%run_scoped3A_93 : memref<!tpu.dma_semaphore, #tpu.memory_space<semaphore_mem>>) src(%arg10 : memref<112x128xf32, #tpu.memory_space<vmem>>) dst(%dma_wait3A_99 : memref<112x128xf32, #tpu.memory_space<vmem_shared>>)
      tpu.yield
    }) : () -> ()
    %mul3A_74 = arith.constant 336 : i32
    %mul3A_75 = arith.muli %arg1, %mul3A_74 : i32
    %add3A_76 = arith.constant 224 : i32
    %add3A_77 = arith.addi %mul3A_75, %add3A_76 : i32
    "tpu.region"() ({
      %run_scoped3A_93 = tpu.sem_alloc : memref<!tpu.dma_semaphore, #tpu.memory_space<semaphore_mem>>
      %dma_start3A = arith.constant 0 : i32
      %dma_start3A_94 = tpu.memref_slice %arg11[%add3A_77, %dma_start3A] : memref<5376x128xf32, #tpu.memory_space<vmem_shared>> -> memref<112x128xf32, #tpu.memory_space<vmem_shared>>
      %dma_start3A_95 = arith.constant 0 : i32
      %dma_start3A_96 = tpu.memref_slice %arg11[%add3A_77, %dma_start3A_95] : memref<5376x128xf32, #tpu.memory_space<vmem_shared>> -> memref<112x128xf32, #tpu.memory_space<vmem_shared>>
      tpu.enqueue_dma source(%arg10 : memref<112x128xf32, #tpu.memory_space<vmem>>) target(%dma_start3A_96 : memref<112x128xf32, #tpu.memory_space<vmem_shared>>) target_semaphore(%run_scoped3A_93 : memref<!tpu.dma_semaphore, #tpu.memory_space<semaphore_mem>>)
      %dma_wait3A = arith.constant 0 : i32
      %dma_wait3A_97 = tpu.memref_slice %arg11[%add3A_77, %dma_wait3A] : memref<5376x128xf32, #tpu.memory_space<vmem_shared>> -> memref<112x128xf32, #tpu.memory_space<vmem_shared>>
      %dma_wait3A_98 = arith.constant 0 : i32
      %dma_wait3A_99 = tpu.memref_slice %arg11[%add3A_77, %dma_wait3A_98] : memref<5376x128xf32, #tpu.memory_space<vmem_shared>> -> memref<112x128xf32, #tpu.memory_space<vmem_shared>>
      tpu.wait_dma2 semaphore(%run_scoped3A_93 : memref<!tpu.dma_semaphore, #tpu.memory_space<semaphore_mem>>) src(%arg10 : memref<112x128xf32, #tpu.memory_space<vmem>>) dst(%dma_wait3A_99 : memref<112x128xf32, #tpu.memory_space<vmem_shared>>)
      tpu.yield
    }) : () -> ()
    %barrier3A_78 = arith.constant 0 : index
    tpu.barrier barrier_id(%barrier3A_78)
    %scan3A_79 = arith.constant 0 : i32
    %scan3A_80 = arith.constant 0 : i32
    %scan3A_81 = arith.constant 40 : i32
    %scan3A_82 = arith.addi %scan3A_80, %scan3A_81 : i32
    %scan3A_83 = arith.constant 1 : i32
    %scan3A_84 = scf.for %scan3A_93 = %scan3A_80 to %scan3A_82 step %scan3A_83 iter_args(%scan3A_94 = %scan3A_79) -> (i32)  : i32 {
      %mul3A_95 = arith.constant 2 : i32
      %mul3A_96 = arith.muli %mul3A_95, %scan3A_93 : i32
      %dma_start3A = arith.constant 0 : i32
      %dma_start3A_97 = tpu.memref_slice %arg6[%mul3A_96, %dma_start3A] : memref<81x125xi32, #tpu.memory_space<vmem>> -> memref<1x125xi32, #tpu.memory_space<vmem>>
      %dma_start3A_98 = tpu.memref_squeeze %dma_start3A_97 : memref<1x125xi32, #tpu.memory_space<vmem>> -> memref<125xi32, #tpu.memory_space<vmem>>
      %dma_start3A_99 = arith.constant 0 : i32
      %dma_start3A_100 = arith.constant 0 : i32
      %dma_start3A_101 = tpu.memref_slice %arg2[%dma_start3A_99, %dma_start3A_100] : memref<10000x128xf32, #tpu.memory_space<hbm>> -> memref<10000x128xf32, #tpu.memory_space<hbm>>
      tpu.enqueue_indirect_dma source(%dma_start3A_101 : memref<10000x128xf32, #tpu.memory_space<hbm>>) target(%arg8 : memref<125x128xf32, #tpu.memory_space<vmem>>) offsets(%dma_start3A_98 : memref<125xi32, #tpu.memory_space<vmem>>) semaphore(%arg12 : memref<!tpu.dma_semaphore, #tpu.memory_space<semaphore_mem>>)
      %add3A_102 = arith.constant 1 : i32
      %add3A_103 = arith.addi %mul3A_96, %add3A_102 : i32
      %dma_start3A_104 = arith.constant 0 : i32
      %dma_start3A_105 = tpu.memref_slice %arg6[%add3A_103, %dma_start3A_104] : memref<81x125xi32, #tpu.memory_space<vmem>> -> memref<1x125xi32, #tpu.memory_space<vmem>>
      %dma_start3A_106 = tpu.memref_squeeze %dma_start3A_105 : memref<1x125xi32, #tpu.memory_space<vmem>> -> memref<125xi32, #tpu.memory_space<vmem>>
      %dma_start3A_107 = arith.constant 0 : i32
      %dma_start3A_108 = arith.constant 0 : i32
      %dma_start3A_109 = tpu.memref_slice %arg2[%dma_start3A_107, %dma_start3A_108] : memref<10000x128xf32, #tpu.memory_space<hbm>> -> memref<10000x128xf32, #tpu.memory_space<hbm>>
      tpu.enqueue_indirect_dma source(%dma_start3A_109 : memref<10000x128xf32, #tpu.memory_space<hbm>>) target(%arg9 : memref<125x128xf32, #tpu.memory_space<vmem>>) offsets(%dma_start3A_106 : memref<125xi32, #tpu.memory_space<vmem>>) semaphore(%arg13 : memref<!tpu.dma_semaphore, #tpu.memory_space<semaphore_mem>>)
      %dma_wait3A = arith.constant 0 : i32
      %dma_wait3A_110 = tpu.memref_slice %arg6[%mul3A_96, %dma_wait3A] : memref<81x125xi32, #tpu.memory_space<vmem>> -> memref<1x125xi32, #tpu.memory_space<vmem>>
      %dma_wait3A_111 = tpu.memref_squeeze %dma_wait3A_110 : memref<1x125xi32, #tpu.memory_space<vmem>> -> memref<125xi32, #tpu.memory_space<vmem>>
      %dma_wait3A_112 = arith.constant 0 : i32
      %dma_wait3A_113 = arith.constant 0 : i32
      %dma_wait3A_114 = tpu.memref_slice %arg2[%dma_wait3A_112, %dma_wait3A_113] : memref<10000x128xf32, #tpu.memory_space<hbm>> -> memref<10000x128xf32, #tpu.memory_space<hbm>>
      tpu.wait_indirect_dma semaphore(%arg12 : memref<!tpu.dma_semaphore, #tpu.memory_space<semaphore_mem>>) src(%dma_wait3A_114 : memref<10000x128xf32, #tpu.memory_space<hbm>>) dst(%arg8 : memref<125x128xf32, #tpu.memory_space<vmem>>)
      %run_scoped3A_115 = arith.constant 1 : i32
      "tpu.region"() ({
        %run_scoped3A_126 = tpu.sem_alloc : memref<!tpu.dma_semaphore, #tpu.memory_space<semaphore_mem>>
        %dma_start3A_127 = arith.constant 0 : i32
        %dma_start3A_128 = tpu.memref_slice %arg7[%run_scoped3A_115, %mul3A_96, %dma_start3A_127] : memref<2x80x125xi32, #tpu.memory_space<vmem>> -> memref<1x1x125xi32, #tpu.memory_space<vmem>>
        %dma_start3A_129 = tpu.memref_squeeze %dma_start3A_128 : memref<1x1x125xi32, #tpu.memory_space<vmem>> -> memref<125xi32, #tpu.memory_space<vmem>>
        %dma_start3A_130 = arith.constant 0 : i32
        %dma_start3A_131 = arith.constant 0 : i32
        %dma_start3A_132 = tpu.memref_slice %arg11[%dma_start3A_130, %dma_start3A_131] : memref<5376x128xf32, #tpu.memory_space<vmem_shared>> -> memref<5376x128xf32, #tpu.memory_space<vmem_shared>>
        tpu.enqueue_indirect_dma source(%arg8 : memref<125x128xf32, #tpu.memory_space<vmem>>) target(%dma_start3A_132 : memref<5376x128xf32, #tpu.memory_space<vmem_shared>>) offsets(%dma_start3A_129 : memref<125xi32, #tpu.memory_space<vmem>>) semaphore(%run_scoped3A_126 : memref<!tpu.dma_semaphore, #tpu.memory_space<semaphore_mem>>) {add = true}
        %dma_wait3A_133 = arith.constant 0 : i32
        %dma_wait3A_134 = tpu.memref_slice %arg7[%run_scoped3A_115, %mul3A_96, %dma_wait3A_133] : memref<2x80x125xi32, #tpu.memory_space<vmem>> -> memref<1x1x125xi32, #tpu.memory_space<vmem>>
        %dma_wait3A_135 = tpu.memref_squeeze %dma_wait3A_134 : memref<1x1x125xi32, #tpu.memory_space<vmem>> -> memref<125xi32, #tpu.memory_space<vmem>>
        %dma_wait3A_136 = arith.constant 0 : i32
        %dma_wait3A_137 = arith.constant 0 : i32
        %dma_wait3A_138 = tpu.memref_slice %arg11[%dma_wait3A_136, %dma_wait3A_137] : memref<5376x128xf32, #tpu.memory_space<vmem_shared>> -> memref<5376x128xf32, #tpu.memory_space<vmem_shared>>
        tpu.wait_indirect_dma semaphore(%run_scoped3A_126 : memref<!tpu.dma_semaphore, #tpu.memory_space<semaphore_mem>>) src(%arg8 : memref<125x128xf32, #tpu.memory_space<vmem>>) dst(%dma_wait3A_138 : memref<5376x128xf32, #tpu.memory_space<vmem_shared>>)
        tpu.yield
      }) : () -> ()
      %dma_wait3A_116 = arith.constant 0 : i32
      %dma_wait3A_117 = tpu.memref_slice %arg6[%add3A_103, %dma_wait3A_116] : memref<81x125xi32, #tpu.memory_space<vmem>> -> memref<1x125xi32, #tpu.memory_space<vmem>>
      %dma_wait3A_118 = tpu.memref_squeeze %dma_wait3A_117 : memref<1x125xi32, #tpu.memory_space<vmem>> -> memref<125xi32, #tpu.memory_space<vmem>>
      %dma_wait3A_119 = arith.constant 0 : i32
      %dma_wait3A_120 = arith.constant 0 : i32
      %dma_wait3A_121 = tpu.memref_slice %arg2[%dma_wait3A_119, %dma_wait3A_120] : memref<10000x128xf32, #tpu.memory_space<hbm>> -> memref<10000x128xf32, #tpu.memory_space<hbm>>
      tpu.wait_indirect_dma semaphore(%arg13 : memref<!tpu.dma_semaphore, #tpu.memory_space<semaphore_mem>>) src(%dma_wait3A_121 : memref<10000x128xf32, #tpu.memory_space<hbm>>) dst(%arg9 : memref<125x128xf32, #tpu.memory_space<vmem>>)
      %add3A_122 = arith.constant 1 : i32
      %add3A_123 = arith.addi %mul3A_96, %add3A_122 : i32
      %run_scoped3A_124 = arith.constant 1 : i32
      "tpu.region"() ({
        %run_scoped3A_126 = tpu.sem_alloc : memref<!tpu.dma_semaphore, #tpu.memory_space<semaphore_mem>>
        %dma_start3A_127 = arith.constant 0 : i32
        %dma_start3A_128 = tpu.memref_slice %arg7[%run_scoped3A_124, %add3A_123, %dma_start3A_127] : memref<2x80x125xi32, #tpu.memory_space<vmem>> -> memref<1x1x125xi32, #tpu.memory_space<vmem>>
        %dma_start3A_129 = tpu.memref_squeeze %dma_start3A_128 : memref<1x1x125xi32, #tpu.memory_space<vmem>> -> memref<125xi32, #tpu.memory_space<vmem>>
        %dma_start3A_130 = arith.constant 0 : i32
        %dma_start3A_131 = arith.constant 0 : i32
        %dma_start3A_132 = tpu.memref_slice %arg11[%dma_start3A_130, %dma_start3A_131] : memref<5376x128xf32, #tpu.memory_space<vmem_shared>> -> memref<5376x128xf32, #tpu.memory_space<vmem_shared>>
        tpu.enqueue_indirect_dma source(%arg9 : memref<125x128xf32, #tpu.memory_space<vmem>>) target(%dma_start3A_132 : memref<5376x128xf32, #tpu.memory_space<vmem_shared>>) offsets(%dma_start3A_129 : memref<125xi32, #tpu.memory_space<vmem>>) semaphore(%run_scoped3A_126 : memref<!tpu.dma_semaphore, #tpu.memory_space<semaphore_mem>>) {add = true}
        %dma_wait3A_133 = arith.constant 0 : i32
        %dma_wait3A_134 = tpu.memref_slice %arg7[%run_scoped3A_124, %add3A_123, %dma_wait3A_133] : memref<2x80x125xi32, #tpu.memory_space<vmem>> -> memref<1x1x125xi32, #tpu.memory_space<vmem>>
        %dma_wait3A_135 = tpu.memref_squeeze %dma_wait3A_134 : memref<1x1x125xi32, #tpu.memory_space<vmem>> -> memref<125xi32, #tpu.memory_space<vmem>>
        %dma_wait3A_136 = arith.constant 0 : i32
        %dma_wait3A_137 = arith.constant 0 : i32
        %dma_wait3A_138 = tpu.memref_slice %arg11[%dma_wait3A_136, %dma_wait3A_137] : memref<5376x128xf32, #tpu.memory_space<vmem_shared>> -> memref<5376x128xf32, #tpu.memory_space<vmem_shared>>
        tpu.wait_indirect_dma semaphore(%run_scoped3A_126 : memref<!tpu.dma_semaphore, #tpu.memory_space<semaphore_mem>>) src(%arg9 : memref<125x128xf32, #tpu.memory_space<vmem>>) dst(%dma_wait3A_138 : memref<5376x128xf32, #tpu.memory_space<vmem_shared>>)
        tpu.yield
      }) : () -> ()
      %scan3A_125 = arith.constant 0 : i32
      scf.yield %scan3A_125 : i32
    }
    %scan3A_85 = arith.constant 40 : i32
    %barrier3A_86 = arith.constant 0 : index
    tpu.barrier barrier_id(%barrier3A_86)
    %mul3A_87 = arith.constant 320 : i32
    %mul3A_88 = arith.muli %arg1, %mul3A_87 : i32
    %mul3A_89 = arith.constant 320 : i32
    %mul3A_90 = arith.muli %arg1, %mul3A_89 : i32
    %run_scoped3A_91 = arith.constant 1 : i32
    "tpu.region"() ({
      %run_scoped3A_93 = tpu.sem_alloc : memref<!tpu.dma_semaphore, #tpu.memory_space<semaphore_mem>>
      %dma_start3A = arith.constant 0 : i32
      %dma_start3A_94 = tpu.memref_slice %arg5[%run_scoped3A_91, %select_n3A_65, %mul3A_90, %dma_start3A] : memref<2x2x5120x128xf32, #tpu.memory_space<hbm>> -> memref<1x1x320x128xf32, #tpu.memory_space<hbm>>
      %dma_start3A_95 = tpu.memref_squeeze %dma_start3A_94 : memref<1x1x320x128xf32, #tpu.memory_space<hbm>> -> memref<320x128xf32, #tpu.memory_space<hbm>>
      %dma_start3A_96 = arith.constant 0 : i32
      %dma_start3A_97 = tpu.memref_slice %arg11[%mul3A_88, %dma_start3A_96] : memref<5376x128xf32, #tpu.memory_space<vmem_shared>> -> memref<320x128xf32, #tpu.memory_space<vmem_shared>>
      tpu.enqueue_dma source(%dma_start3A_97 : memref<320x128xf32, #tpu.memory_space<vmem_shared>>) target(%dma_start3A_95 : memref<320x128xf32, #tpu.memory_space<hbm>>) target_semaphore(%run_scoped3A_93 : memref<!tpu.dma_semaphore, #tpu.memory_space<semaphore_mem>>)
      %dma_wait3A = arith.constant 0 : i32
      %dma_wait3A_98 = tpu.memref_slice %arg5[%run_scoped3A_91, %select_n3A_65, %mul3A_90, %dma_wait3A] : memref<2x2x5120x128xf32, #tpu.memory_space<hbm>> -> memref<1x1x320x128xf32, #tpu.memory_space<hbm>>
      %dma_wait3A_99 = tpu.memref_squeeze %dma_wait3A_98 : memref<1x1x320x128xf32, #tpu.memory_space<hbm>> -> memref<320x128xf32, #tpu.memory_space<hbm>>
      %dma_wait3A_100 = arith.constant 0 : i32
      %dma_wait3A_101 = tpu.memref_slice %arg11[%mul3A_88, %dma_wait3A_100] : memref<5376x128xf32, #tpu.memory_space<vmem_shared>> -> memref<320x128xf32, #tpu.memory_space<vmem_shared>>
      tpu.wait_dma2 semaphore(%run_scoped3A_93 : memref<!tpu.dma_semaphore, #tpu.memory_space<semaphore_mem>>) src(%dma_wait3A_101 : memref<320x128xf32, #tpu.memory_space<vmem_shared>>) dst(%dma_wait3A_99 : memref<320x128xf32, #tpu.memory_space<hbm>>)
      tpu.yield
    }) : () -> ()
    %barrier3A_92 = arith.constant 0 : index
    tpu.barrier barrier_id(%barrier3A_92)
    return
  }
}

#map = affine_map<(d0, d1) -> (0, 0, 0)>
#map1 = affine_map<(d0, d1) -> (0, 0, 0, 0)>
module attributes {stable_mosaic.version = 14 : i64} {
  func.func @_deg_kernel(%arg0: i32, %arg1: i32, %arg2: memref<32x79x128xi32, #tpu.memory_space<hbm>>, %arg3: memref<32x79x128x16xf32, #tpu.memory_space<hbm>>, %arg4: memref<2x768x16xf32, #tpu.memory_space<hbm>>, %arg5: memref<79x128xi32, #tpu.memory_space<vmem>>, %arg6: memref<128x16xf32, #tpu.memory_space<vmem>>, %arg7: memref<768x16xf32, #tpu.memory_space<vmem_shared>>) attributes {dimension_semantics = [#tpu.dimension_semantics<core_parallel>, #tpu.dimension_semantics<subcore_parallel>], iteration_bounds = array<i64: 2, 16>, scalar_prefetch = 0 : i64, scratch_operands = 3 : i64, tpu.core_type = #tpu.core_type<sc_vector_subcore>, window_params = [{transform_indices = #map}, {transform_indices = #map1}, {transform_indices = #map}]} {
    %mul3A = arith.constant 2 : i32
    %mul3A_0 = arith.muli %arg1, %mul3A : i32
    %add3A = arith.addi %mul3A_0, %arg0 : i32
    "tpu.region"() ({
      %run_scoped3A = tpu.sem_alloc : memref<!tpu.dma_semaphore, #tpu.memory_space<semaphore_mem>>
      %dma_start3A = arith.constant 0 : i32
      %dma_start3A_22 = arith.constant 0 : i32
      %dma_start3A_23 = tpu.memref_slice %arg2[%add3A, %dma_start3A, %dma_start3A_22] : memref<32x79x128xi32, #tpu.memory_space<hbm>> -> memref<1x79x128xi32, #tpu.memory_space<hbm>>
      %dma_start3A_24 = tpu.memref_squeeze %dma_start3A_23 : memref<1x79x128xi32, #tpu.memory_space<hbm>> -> memref<79x128xi32, #tpu.memory_space<hbm>>
      %dma_start3A_25 = arith.constant 0 : i32
      %dma_start3A_26 = arith.constant 0 : i32
      %dma_start3A_27 = tpu.memref_slice %arg2[%add3A, %dma_start3A_25, %dma_start3A_26] : memref<32x79x128xi32, #tpu.memory_space<hbm>> -> memref<1x79x128xi32, #tpu.memory_space<hbm>>
      %dma_start3A_28 = tpu.memref_squeeze %dma_start3A_27 : memref<1x79x128xi32, #tpu.memory_space<hbm>> -> memref<79x128xi32, #tpu.memory_space<hbm>>
      tpu.enqueue_dma source(%dma_start3A_28 : memref<79x128xi32, #tpu.memory_space<hbm>>) target(%arg5 : memref<79x128xi32, #tpu.memory_space<vmem>>) target_semaphore(%run_scoped3A : memref<!tpu.dma_semaphore, #tpu.memory_space<semaphore_mem>>)
      %dma_wait3A = arith.constant 0 : i32
      %dma_wait3A_29 = arith.constant 0 : i32
      %dma_wait3A_30 = tpu.memref_slice %arg2[%add3A, %dma_wait3A, %dma_wait3A_29] : memref<32x79x128xi32, #tpu.memory_space<hbm>> -> memref<1x79x128xi32, #tpu.memory_space<hbm>>
      %dma_wait3A_31 = tpu.memref_squeeze %dma_wait3A_30 : memref<1x79x128xi32, #tpu.memory_space<hbm>> -> memref<79x128xi32, #tpu.memory_space<hbm>>
      %dma_wait3A_32 = arith.constant 0 : i32
      %dma_wait3A_33 = arith.constant 0 : i32
      %dma_wait3A_34 = tpu.memref_slice %arg2[%add3A, %dma_wait3A_32, %dma_wait3A_33] : memref<32x79x128xi32, #tpu.memory_space<hbm>> -> memref<1x79x128xi32, #tpu.memory_space<hbm>>
      %dma_wait3A_35 = tpu.memref_squeeze %dma_wait3A_34 : memref<1x79x128xi32, #tpu.memory_space<hbm>> -> memref<79x128xi32, #tpu.memory_space<hbm>>
      tpu.wait_dma2 semaphore(%run_scoped3A : memref<!tpu.dma_semaphore, #tpu.memory_space<semaphore_mem>>) src(%dma_wait3A_35 : memref<79x128xi32, #tpu.memory_space<hbm>>) dst(%arg5 : memref<79x128xi32, #tpu.memory_space<vmem>>)
      tpu.yield
    }) : () -> ()
    %broadcast_in_dim3A = arith.constant 0.000000e+00 : f32
    %broadcast_in_dim3A_1 = vector.broadcast %broadcast_in_dim3A : f32 to vector<16xf32>
    %scan3A = arith.constant 0 : i32
    %scan3A_2 = arith.constant 0 : i32
    %scan3A_3 = arith.constant 128 : i32
    %scan3A_4 = arith.addi %scan3A_2, %scan3A_3 : i32
    %scan3A_5 = arith.constant 1 : i32
    %scan3A_6 = scf.for %scan3A_22 = %scan3A_2 to %scan3A_4 step %scan3A_5 iter_args(%scan3A_23 = %scan3A) -> (i32)  : i32 {
      %swap3A = arith.index_cast %scan3A_22 : i32 to index
      %swap3A_24 = arith.constant 0 : index
      %swap3A_25 = tpu.vector_load %arg6[%swap3A, %swap3A_24] {strides = array<i32>} : memref<128x16xf32, #tpu.memory_space<vmem>>, vector<1x16xf32>,
      %swap3A_26 = vector.shape_cast %swap3A_25 : vector<1x16xf32> to vector<16xf32>
      %swap3A_27 = vector.shape_cast %broadcast_in_dim3A_1 : vector<16xf32> to vector<1x16xf32>
      tpu.vector_store %arg6[%swap3A, %swap3A_24], %swap3A_27 {strides = array<i32>} : memref<128x16xf32, #tpu.memory_space<vmem>>, vector<1x16xf32>,
      %scan3A_28 = arith.constant 0 : i32
      scf.yield %scan3A_28 : i32
    }
    %scan3A_7 = arith.constant 128 : i32
    %mul3A_8 = arith.constant 48 : i32
    %mul3A_9 = arith.muli %arg1, %mul3A_8 : i32
    "tpu.region"() ({
      %run_scoped3A = tpu.sem_alloc : memref<!tpu.dma_semaphore, #tpu.memory_space<semaphore_mem>>
      %dma_start3A = arith.constant 0 : i32
      %dma_start3A_22 = arith.constant 0 : i32
      %dma_start3A_23 = tpu.memref_slice %arg6[%dma_start3A, %dma_start3A_22] : memref<128x16xf32, #tpu.memory_space<vmem>> -> memref<48x16xf32, #tpu.memory_space<vmem>>
      %dma_start3A_24 = arith.constant 0 : i32
      %dma_start3A_25 = tpu.memref_slice %arg7[%mul3A_9, %dma_start3A_24] : memref<768x16xf32, #tpu.memory_space<vmem_shared>> -> memref<48x16xf32, #tpu.memory_space<vmem_shared>>
      %dma_start3A_26 = arith.constant 0 : i32
      %dma_start3A_27 = tpu.memref_slice %arg7[%mul3A_9, %dma_start3A_26] : memref<768x16xf32, #tpu.memory_space<vmem_shared>> -> memref<48x16xf32, #tpu.memory_space<vmem_shared>>
      %dma_start3A_28 = arith.constant 0 : i32
      %dma_start3A_29 = arith.constant 0 : i32
      %dma_start3A_30 = tpu.memref_slice %arg6[%dma_start3A_28, %dma_start3A_29] : memref<128x16xf32, #tpu.memory_space<vmem>> -> memref<48x16xf32, #tpu.memory_space<vmem>>
      tpu.enqueue_dma source(%dma_start3A_30 : memref<48x16xf32, #tpu.memory_space<vmem>>) target(%dma_start3A_27 : memref<48x16xf32, #tpu.memory_space<vmem_shared>>) target_semaphore(%run_scoped3A : memref<!tpu.dma_semaphore, #tpu.memory_space<semaphore_mem>>)
      %dma_wait3A = arith.constant 0 : i32
      %dma_wait3A_31 = arith.constant 0 : i32
      %dma_wait3A_32 = tpu.memref_slice %arg6[%dma_wait3A, %dma_wait3A_31] : memref<128x16xf32, #tpu.memory_space<vmem>> -> memref<48x16xf32, #tpu.memory_space<vmem>>
      %dma_wait3A_33 = arith.constant 0 : i32
      %dma_wait3A_34 = tpu.memref_slice %arg7[%mul3A_9, %dma_wait3A_33] : memref<768x16xf32, #tpu.memory_space<vmem_shared>> -> memref<48x16xf32, #tpu.memory_space<vmem_shared>>
      %dma_wait3A_35 = arith.constant 0 : i32
      %dma_wait3A_36 = tpu.memref_slice %arg7[%mul3A_9, %dma_wait3A_35] : memref<768x16xf32, #tpu.memory_space<vmem_shared>> -> memref<48x16xf32, #tpu.memory_space<vmem_shared>>
      %dma_wait3A_37 = arith.constant 0 : i32
      %dma_wait3A_38 = arith.constant 0 : i32
      %dma_wait3A_39 = tpu.memref_slice %arg6[%dma_wait3A_37, %dma_wait3A_38] : memref<128x16xf32, #tpu.memory_space<vmem>> -> memref<48x16xf32, #tpu.memory_space<vmem>>
      tpu.wait_dma2 semaphore(%run_scoped3A : memref<!tpu.dma_semaphore, #tpu.memory_space<semaphore_mem>>) src(%dma_wait3A_39 : memref<48x16xf32, #tpu.memory_space<vmem>>) dst(%dma_wait3A_36 : memref<48x16xf32, #tpu.memory_space<vmem_shared>>)
      tpu.yield
    }) : () -> ()
    %barrier3A = arith.constant 0 : index
    tpu.barrier barrier_id(%barrier3A)
    %scan3A_10 = arith.constant 0 : i32
    %scan3A_11 = arith.constant 0 : i32
    %scan3A_12 = arith.constant 79 : i32
    %scan3A_13 = arith.addi %scan3A_11, %scan3A_12 : i32
    %scan3A_14 = arith.constant 1 : i32
    %scan3A_15 = scf.for %scan3A_22 = %scan3A_11 to %scan3A_13 step %scan3A_14 iter_args(%scan3A_23 = %scan3A_10) -> (i32)  : i32 {
      "tpu.region"() ({
        %run_scoped3A = tpu.sem_alloc : memref<!tpu.dma_semaphore, #tpu.memory_space<semaphore_mem>>
        %dma_start3A = arith.constant 0 : i32
        %dma_start3A_25 = arith.constant 0 : i32
        %dma_start3A_26 = tpu.memref_slice %arg3[%add3A, %scan3A_22, %dma_start3A, %dma_start3A_25] : memref<32x79x128x16xf32, #tpu.memory_space<hbm>> -> memref<1x1x128x16xf32, #tpu.memory_space<hbm>>
        %dma_start3A_27 = tpu.memref_squeeze %dma_start3A_26 : memref<1x1x128x16xf32, #tpu.memory_space<hbm>> -> memref<128x16xf32, #tpu.memory_space<hbm>>
        %dma_start3A_28 = arith.constant 0 : i32
        %dma_start3A_29 = arith.constant 0 : i32
        %dma_start3A_30 = tpu.memref_slice %arg3[%add3A, %scan3A_22, %dma_start3A_28, %dma_start3A_29] : memref<32x79x128x16xf32, #tpu.memory_space<hbm>> -> memref<1x1x128x16xf32, #tpu.memory_space<hbm>>
        %dma_start3A_31 = tpu.memref_squeeze %dma_start3A_30 : memref<1x1x128x16xf32, #tpu.memory_space<hbm>> -> memref<128x16xf32, #tpu.memory_space<hbm>>
        tpu.enqueue_dma source(%dma_start3A_31 : memref<128x16xf32, #tpu.memory_space<hbm>>) target(%arg6 : memref<128x16xf32, #tpu.memory_space<vmem>>) target_semaphore(%run_scoped3A : memref<!tpu.dma_semaphore, #tpu.memory_space<semaphore_mem>>)
        %dma_wait3A = arith.constant 0 : i32
        %dma_wait3A_32 = arith.constant 0 : i32
        %dma_wait3A_33 = tpu.memref_slice %arg3[%add3A, %scan3A_22, %dma_wait3A, %dma_wait3A_32] : memref<32x79x128x16xf32, #tpu.memory_space<hbm>> -> memref<1x1x128x16xf32, #tpu.memory_space<hbm>>
        %dma_wait3A_34 = tpu.memref_squeeze %dma_wait3A_33 : memref<1x1x128x16xf32, #tpu.memory_space<hbm>> -> memref<128x16xf32, #tpu.memory_space<hbm>>
        %dma_wait3A_35 = arith.constant 0 : i32
        %dma_wait3A_36 = arith.constant 0 : i32
        %dma_wait3A_37 = tpu.memref_slice %arg3[%add3A, %scan3A_22, %dma_wait3A_35, %dma_wait3A_36] : memref<32x79x128x16xf32, #tpu.memory_space<hbm>> -> memref<1x1x128x16xf32, #tpu.memory_space<hbm>>
        %dma_wait3A_38 = tpu.memref_squeeze %dma_wait3A_37 : memref<1x1x128x16xf32, #tpu.memory_space<hbm>> -> memref<128x16xf32, #tpu.memory_space<hbm>>
        tpu.wait_dma2 semaphore(%run_scoped3A : memref<!tpu.dma_semaphore, #tpu.memory_space<semaphore_mem>>) src(%dma_wait3A_38 : memref<128x16xf32, #tpu.memory_space<hbm>>) dst(%arg6 : memref<128x16xf32, #tpu.memory_space<vmem>>)
        tpu.yield
      }) : () -> ()
      "tpu.region"() ({
        %run_scoped3A = tpu.sem_alloc : memref<!tpu.dma_semaphore, #tpu.memory_space<semaphore_mem>>
        %dma_start3A = arith.constant 0 : i32
        %dma_start3A_25 = tpu.memref_slice %arg5[%scan3A_22, %dma_start3A] : memref<79x128xi32, #tpu.memory_space<vmem>> -> memref<1x128xi32, #tpu.memory_space<vmem>>
        %dma_start3A_26 = tpu.memref_squeeze %dma_start3A_25 : memref<1x128xi32, #tpu.memory_space<vmem>> -> memref<128xi32, #tpu.memory_space<vmem>>
        %dma_start3A_27 = arith.constant 0 : i32
        %dma_start3A_28 = arith.constant 0 : i32
        %dma_start3A_29 = tpu.memref_slice %arg7[%dma_start3A_27, %dma_start3A_28] : memref<768x16xf32, #tpu.memory_space<vmem_shared>> -> memref<768x16xf32, #tpu.memory_space<vmem_shared>>
        tpu.enqueue_indirect_dma source(%arg6 : memref<128x16xf32, #tpu.memory_space<vmem>>) target(%dma_start3A_29 : memref<768x16xf32, #tpu.memory_space<vmem_shared>>) offsets(%dma_start3A_26 : memref<128xi32, #tpu.memory_space<vmem>>) semaphore(%run_scoped3A : memref<!tpu.dma_semaphore, #tpu.memory_space<semaphore_mem>>) {add = true}
        %dma_wait3A = arith.constant 0 : i32
        %dma_wait3A_30 = tpu.memref_slice %arg5[%scan3A_22, %dma_wait3A] : memref<79x128xi32, #tpu.memory_space<vmem>> -> memref<1x128xi32, #tpu.memory_space<vmem>>
        %dma_wait3A_31 = tpu.memref_squeeze %dma_wait3A_30 : memref<1x128xi32, #tpu.memory_space<vmem>> -> memref<128xi32, #tpu.memory_space<vmem>>
        %dma_wait3A_32 = arith.constant 0 : i32
        %dma_wait3A_33 = arith.constant 0 : i32
        %dma_wait3A_34 = tpu.memref_slice %arg7[%dma_wait3A_32, %dma_wait3A_33] : memref<768x16xf32, #tpu.memory_space<vmem_shared>> -> memref<768x16xf32, #tpu.memory_space<vmem_shared>>
        tpu.wait_indirect_dma semaphore(%run_scoped3A : memref<!tpu.dma_semaphore, #tpu.memory_space<semaphore_mem>>) src(%arg6 : memref<128x16xf32, #tpu.memory_space<vmem>>) dst(%dma_wait3A_34 : memref<768x16xf32, #tpu.memory_space<vmem_shared>>)
        tpu.yield
      }) : () -> ()
      %scan3A_24 = arith.constant 0 : i32
      scf.yield %scan3A_24 : i32
    }
    %scan3A_16 = arith.constant 79 : i32
    %barrier3A_17 = arith.constant 0 : index
    tpu.barrier barrier_id(%barrier3A_17)
    %mul3A_18 = arith.constant 48 : i32
    %mul3A_19 = arith.muli %arg1, %mul3A_18 : i32
    %mul3A_20 = arith.constant 48 : i32
    %mul3A_21 = arith.muli %arg1, %mul3A_20 : i32
    "tpu.region"() ({
      %run_scoped3A = tpu.sem_alloc : memref<!tpu.dma_semaphore, #tpu.memory_space<semaphore_mem>>
      %dma_start3A = arith.constant 0 : i32
      %dma_start3A_22 = tpu.memref_slice %arg4[%arg0, %mul3A_21, %dma_start3A] : memref<2x768x16xf32, #tpu.memory_space<hbm>> -> memref<1x48x16xf32, #tpu.memory_space<hbm>>
      %dma_start3A_23 = tpu.memref_squeeze %dma_start3A_22 : memref<1x48x16xf32, #tpu.memory_space<hbm>> -> memref<48x16xf32, #tpu.memory_space<hbm>>
      %dma_start3A_24 = arith.constant 0 : i32
      %dma_start3A_25 = tpu.memref_slice %arg7[%mul3A_19, %dma_start3A_24] : memref<768x16xf32, #tpu.memory_space<vmem_shared>> -> memref<48x16xf32, #tpu.memory_space<vmem_shared>>
      tpu.enqueue_dma source(%dma_start3A_25 : memref<48x16xf32, #tpu.memory_space<vmem_shared>>) target(%dma_start3A_23 : memref<48x16xf32, #tpu.memory_space<hbm>>) target_semaphore(%run_scoped3A : memref<!tpu.dma_semaphore, #tpu.memory_space<semaphore_mem>>)
      %dma_wait3A = arith.constant 0 : i32
      %dma_wait3A_26 = tpu.memref_slice %arg4[%arg0, %mul3A_21, %dma_wait3A] : memref<2x768x16xf32, #tpu.memory_space<hbm>> -> memref<1x48x16xf32, #tpu.memory_space<hbm>>
      %dma_wait3A_27 = tpu.memref_squeeze %dma_wait3A_26 : memref<1x48x16xf32, #tpu.memory_space<hbm>> -> memref<48x16xf32, #tpu.memory_space<hbm>>
      %dma_wait3A_28 = arith.constant 0 : i32
      %dma_wait3A_29 = tpu.memref_slice %arg7[%mul3A_19, %dma_wait3A_28] : memref<768x16xf32, #tpu.memory_space<vmem_shared>> -> memref<48x16xf32, #tpu.memory_space<vmem_shared>>
      tpu.wait_dma2 semaphore(%run_scoped3A : memref<!tpu.dma_semaphore, #tpu.memory_space<semaphore_mem>>) src(%dma_wait3A_29 : memref<48x16xf32, #tpu.memory_space<vmem_shared>>) dst(%dma_wait3A_27 : memref<48x16xf32, #tpu.memory_space<hbm>>)
      tpu.yield
    }) : () -> ()
    return
  }
}

#map = affine_map<(d0, d1) -> (0, 0)>
#map1 = affine_map<(d0, d1) -> (0, 0, 0)>
#map2 = affine_map<(d0, d1) -> (0, 0, 0, 0)>
module attributes {stable_mosaic.version = 14 : i64} {
  func.func @_agg_kernel(%arg0: i32, %arg1: i32, %arg2: memref<10000x128xf32, #tpu.memory_space<hbm>>, %arg3: memref<32x81x125xi32, #tpu.memory_space<hbm>>, %arg4: memref<2x32x80x125xi32, #tpu.memory_space<hbm>>, %arg5: memref<2x2x5120x128xf32, #tpu.memory_space<hbm>>, %arg6: memref<81x125xi32, #tpu.memory_space<vmem>>, %arg7: memref<2x80x125xi32, #tpu.memory_space<vmem>>, %arg8: memref<125x128xf32, #tpu.memory_space<vmem>>, %arg9: memref<125x128xf32, #tpu.memory_space<vmem>>, %arg10: memref<112x128xf32, #tpu.memory_space<vmem>>, %arg11: memref<5376x128xf32, #tpu.memory_space<vmem_shared>>, %arg12: memref<!tpu.dma_semaphore, #tpu.memory_space<semaphore_mem>>, %arg13: memref<!tpu.dma_semaphore, #tpu.memory_space<semaphore_mem>>) attributes {dimension_semantics = [#tpu.dimension_semantics<core_parallel>, #tpu.dimension_semantics<subcore_parallel>], iteration_bounds = array<i64: 2, 16>, scalar_prefetch = 0 : i64, scratch_operands = 8 : i64, tpu.core_type = #tpu.core_type<sc_vector_subcore>, window_params = [{transform_indices = #map}, {transform_indices = #map1}, {transform_indices = #map2}, {transform_indices = #map2}]} {
    %mul3A = arith.constant 2 : i32
    %mul3A_0 = arith.muli %arg1, %mul3A : i32
    %add3A = arith.addi %mul3A_0, %arg0 : i32
    "tpu.region"() ({
      %run_scoped3A_93 = tpu.sem_alloc : memref<!tpu.dma_semaphore, #tpu.memory_space<semaphore_mem>>
      %dma_start3A = arith.constant 0 : i32
      %dma_start3A_94 = arith.constant 0 : i32
      %dma_start3A_95 = tpu.memref_slice %arg3[%add3A, %dma_start3A, %dma_start3A_94] : memref<32x81x125xi32, #tpu.memory_space<hbm>> -> memref<1x81x125xi32, #tpu.memory_space<hbm>>
      %dma_start3A_96 = tpu.memref_squeeze %dma_start3A_95 : memref<1x81x125xi32, #tpu.memory_space<hbm>> -> memref<81x125xi32, #tpu.memory_space<hbm>>
      %dma_start3A_97 = arith.constant 0 : i32
      %dma_start3A_98 = arith.constant 0 : i32
      %dma_start3A_99 = tpu.memref_slice %arg3[%add3A, %dma_start3A_97, %dma_start3A_98] : memref<32x81x125xi32, #tpu.memory_space<hbm>> -> memref<1x81x125xi32, #tpu.memory_space<hbm>>
      %dma_start3A_100 = tpu.memref_squeeze %dma_start3A_99 : memref<1x81x125xi32, #tpu.memory_space<hbm>> -> memref<81x125xi32, #tpu.memory_space<hbm>>
      tpu.enqueue_dma source(%dma_start3A_100 : memref<81x125xi32, #tpu.memory_space<hbm>>) target(%arg6 : memref<81x125xi32, #tpu.memory_space<vmem>>) target_semaphore(%run_scoped3A_93 : memref<!tpu.dma_semaphore, #tpu.memory_space<semaphore_mem>>)
      %dma_wait3A = arith.constant 0 : i32
      %dma_wait3A_101 = arith.constant 0 : i32
      %dma_wait3A_102 = tpu.memref_slice %arg3[%add3A, %dma_wait3A, %dma_wait3A_101] : memref<32x81x125xi32, #tpu.memory_space<hbm>> -> memref<1x81x125xi32, #tpu.memory_space<hbm>>
      %dma_wait3A_103 = tpu.memref_squeeze %dma_wait3A_102 : memref<1x81x125xi32, #tpu.memory_space<hbm>> -> memref<81x125xi32, #tpu.memory_space<hbm>>
      %dma_wait3A_104 = arith.constant 0 : i32
      %dma_wait3A_105 = arith.constant 0 : i32
      %dma_wait3A_106 = tpu.memref_slice %arg3[%add3A, %dma_wait3A_104, %dma_wait3A_105] : memref<32x81x125xi32, #tpu.memory_space<hbm>> -> memref<1x81x125xi32, #tpu.memory_space<hbm>>
      %dma_wait3A_107 = tpu.memref_squeeze %dma_wait3A_106 : memref<1x81x125xi32, #tpu.memory_space<hbm>> -> memref<81x125xi32, #tpu.memory_space<hbm>>
      tpu.wait_dma2 semaphore(%run_scoped3A_93 : memref<!tpu.dma_semaphore, #tpu.memory_space<semaphore_mem>>) src(%dma_wait3A_107 : memref<81x125xi32, #tpu.memory_space<hbm>>) dst(%arg6 : memref<81x125xi32, #tpu.memory_space<vmem>>)
      tpu.yield
    }) : () -> ()
    %run_scoped3A = arith.constant 0 : i32
    %run_scoped3A_1 = arith.constant 0 : i32
    "tpu.region"() ({
      %run_scoped3A_93 = tpu.sem_alloc : memref<!tpu.dma_semaphore, #tpu.memory_space<semaphore_mem>>
      %dma_start3A = arith.constant 0 : i32
      %dma_start3A_94 = arith.constant 0 : i32
      %dma_start3A_95 = tpu.memref_slice %arg7[%run_scoped3A_1, %dma_start3A, %dma_start3A_94] : memref<2x80x125xi32, #tpu.memory_space<vmem>> -> memref<1x80x125xi32, #tpu.memory_space<vmem>>
      %dma_start3A_96 = tpu.memref_squeeze %dma_start3A_95 : memref<1x80x125xi32, #tpu.memory_space<vmem>> -> memref<80x125xi32, #tpu.memory_space<vmem>>
      %dma_start3A_97 = arith.constant 0 : i32
      %dma_start3A_98 = arith.constant 0 : i32
      %dma_start3A_99 = tpu.memref_slice %arg4[%run_scoped3A, %add3A, %dma_start3A_97, %dma_start3A_98] : memref<2x32x80x125xi32, #tpu.memory_space<hbm>> -> memref<1x1x80x125xi32, #tpu.memory_space<hbm>>
      %dma_start3A_100 = tpu.memref_squeeze %dma_start3A_99 : memref<1x1x80x125xi32, #tpu.memory_space<hbm>> -> memref<80x125xi32, #tpu.memory_space<hbm>>
      %dma_start3A_101 = arith.constant 0 : i32
      %dma_start3A_102 = arith.constant 0 : i32
      %dma_start3A_103 = tpu.memref_slice %arg7[%run_scoped3A_1, %dma_start3A_101, %dma_start3A_102] : memref<2x80x125xi32, #tpu.memory_space<vmem>> -> memref<1x80x125xi32, #tpu.memory_space<vmem>>
      %dma_start3A_104 = tpu.memref_squeeze %dma_start3A_103 : memref<1x80x125xi32, #tpu.memory_space<vmem>> -> memref<80x125xi32, #tpu.memory_space<vmem>>
      %dma_start3A_105 = arith.constant 0 : i32
      %dma_start3A_106 = arith.constant 0 : i32
      %dma_start3A_107 = tpu.memref_slice %arg4[%run_scoped3A, %add3A, %dma_start3A_105, %dma_start3A_106] : memref<2x32x80x125xi32, #tpu.memory_space<hbm>> -> memref<1x1x80x125xi32, #tpu.memory_space<hbm>>
      %dma_start3A_108 = tpu.memref_squeeze %dma_start3A_107 : memref<1x1x80x125xi32, #tpu.memory_space<hbm>> -> memref<80x125xi32, #tpu.memory_space<hbm>>
      tpu.enqueue_dma source(%dma_start3A_108 : memref<80x125xi32, #tpu.memory_space<hbm>>) target(%dma_start3A_104 : memref<80x125xi32, #tpu.memory_space<vmem>>) target_semaphore(%run_scoped3A_93 : memref<!tpu.dma_semaphore, #tpu.memory_space<semaphore_mem>>)
      %dma_wait3A = arith.constant 0 : i32
      %dma_wait3A_109 = arith.constant 0 : i32
      %dma_wait3A_110 = tpu.memref_slice %arg7[%run_scoped3A_1, %dma_wait3A, %dma_wait3A_109] : memref<2x80x125xi32, #tpu.memory_space<vmem>> -> memref<1x80x125xi32, #tpu.memory_space<vmem>>
      %dma_wait3A_111 = tpu.memref_squeeze %dma_wait3A_110 : memref<1x80x125xi32, #tpu.memory_space<vmem>> -> memref<80x125xi32, #tpu.memory_space<vmem>>
      %dma_wait3A_112 = arith.constant 0 : i32
      %dma_wait3A_113 = arith.constant 0 : i32
      %dma_wait3A_114 = tpu.memref_slice %arg4[%run_scoped3A, %add3A, %dma_wait3A_112, %dma_wait3A_113] : memref<2x32x80x125xi32, #tpu.memory_space<hbm>> -> memref<1x1x80x125xi32, #tpu.memory_space<hbm>>
      %dma_wait3A_115 = tpu.memref_squeeze %dma_wait3A_114 : memref<1x1x80x125xi32, #tpu.memory_space<hbm>> -> memref<80x125xi32, #tpu.memory_space<hbm>>
      %dma_wait3A_116 = arith.constant 0 : i32
      %dma_wait3A_117 = arith.constant 0 : i32
      %dma_wait3A_118 = tpu.memref_slice %arg7[%run_scoped3A_1, %dma_wait3A_116, %dma_wait3A_117] : memref<2x80x125xi32, #tpu.memory_space<vmem>> -> memref<1x80x125xi32, #tpu.memory_space<vmem>>
      %dma_wait3A_119 = tpu.memref_squeeze %dma_wait3A_118 : memref<1x80x125xi32, #tpu.memory_space<vmem>> -> memref<80x125xi32, #tpu.memory_space<vmem>>
      %dma_wait3A_120 = arith.constant 0 : i32
      %dma_wait3A_121 = arith.constant 0 : i32
      %dma_wait3A_122 = tpu.memref_slice %arg4[%run_scoped3A, %add3A, %dma_wait3A_120, %dma_wait3A_121] : memref<2x32x80x125xi32, #tpu.memory_space<hbm>> -> memref<1x1x80x125xi32, #tpu.memory_space<hbm>>
      %dma_wait3A_123 = tpu.memref_squeeze %dma_wait3A_122 : memref<1x1x80x125xi32, #tpu.memory_space<hbm>> -> memref<80x125xi32, #tpu.memory_space<hbm>>
      tpu.wait_dma2 semaphore(%run_scoped3A_93 : memref<!tpu.dma_semaphore, #tpu.memory_space<semaphore_mem>>) src(%dma_wait3A_123 : memref<80x125xi32, #tpu.memory_space<hbm>>) dst(%dma_wait3A_119 : memref<80x125xi32, #tpu.memory_space<vmem>>)
      tpu.yield
    }) : () -> ()
    %run_scoped3A_2 = arith.constant 1 : i32
    %run_scoped3A_3 = arith.constant 1 : i32
    "tpu.region"() ({
      %run_scoped3A_93 = tpu.sem_alloc : memref<!tpu.dma_semaphore, #tpu.memory_space<semaphore_mem>>
      %dma_start3A = arith.constant 0 : i32
      %dma_start3A_94 = arith.constant 0 : i32
      %dma_start3A_95 = tpu.memref_slice %arg7[%run_scoped3A_3, %dma_start3A, %dma_start3A_94] : memref<2x80x125xi32, #tpu.memory_space<vmem>> -> memref<1x80x125xi32, #tpu.memory_space<vmem>>
      %dma_start3A_96 = tpu.memref_squeeze %dma_start3A_95 : memref<1x80x125xi32, #tpu.memory_space<vmem>> -> memref<80x125xi32, #tpu.memory_space<vmem>>
      %dma_start3A_97 = arith.constant 0 : i32
      %dma_start3A_98 = arith.constant 0 : i32
      %dma_start3A_99 = tpu.memref_slice %arg4[%run_scoped3A_2, %add3A, %dma_start3A_97, %dma_start3A_98] : memref<2x32x80x125xi32, #tpu.memory_space<hbm>> -> memref<1x1x80x125xi32, #tpu.memory_space<hbm>>
      %dma_start3A_100 = tpu.memref_squeeze %dma_start3A_99 : memref<1x1x80x125xi32, #tpu.memory_space<hbm>> -> memref<80x125xi32, #tpu.memory_space<hbm>>
      %dma_start3A_101 = arith.constant 0 : i32
      %dma_start3A_102 = arith.constant 0 : i32
      %dma_start3A_103 = tpu.memref_slice %arg7[%run_scoped3A_3, %dma_start3A_101, %dma_start3A_102] : memref<2x80x125xi32, #tpu.memory_space<vmem>> -> memref<1x80x125xi32, #tpu.memory_space<vmem>>
      %dma_start3A_104 = tpu.memref_squeeze %dma_start3A_103 : memref<1x80x125xi32, #tpu.memory_space<vmem>> -> memref<80x125xi32, #tpu.memory_space<vmem>>
      %dma_start3A_105 = arith.constant 0 : i32
      %dma_start3A_106 = arith.constant 0 : i32
      %dma_start3A_107 = tpu.memref_slice %arg4[%run_scoped3A_2, %add3A, %dma_start3A_105, %dma_start3A_106] : memref<2x32x80x125xi32, #tpu.memory_space<hbm>> -> memref<1x1x80x125xi32, #tpu.memory_space<hbm>>
      %dma_start3A_108 = tpu.memref_squeeze %dma_start3A_107 : memref<1x1x80x125xi32, #tpu.memory_space<hbm>> -> memref<80x125xi32, #tpu.memory_space<hbm>>
      tpu.enqueue_dma source(%dma_start3A_108 : memref<80x125xi32, #tpu.memory_space<hbm>>) target(%dma_start3A_104 : memref<80x125xi32, #tpu.memory_space<vmem>>) target_semaphore(%run_scoped3A_93 : memref<!tpu.dma_semaphore, #tpu.memory_space<semaphore_mem>>)
      %dma_wait3A = arith.constant 0 : i32
      %dma_wait3A_109 = arith.constant 0 : i32
      %dma_wait3A_110 = tpu.memref_slice %arg7[%run_scoped3A_3, %dma_wait3A, %dma_wait3A_109] : memref<2x80x125xi32, #tpu.memory_space<vmem>> -> memref<1x80x125xi32, #tpu.memory_space<vmem>>
      %dma_wait3A_111 = tpu.memref_squeeze %dma_wait3A_110 : memref<1x80x125xi32, #tpu.memory_space<vmem>> -> memref<80x125xi32, #tpu.memory_space<vmem>>
      %dma_wait3A_112 = arith.constant 0 : i32
      %dma_wait3A_113 = arith.constant 0 : i32
      %dma_wait3A_114 = tpu.memref_slice %arg4[%run_scoped3A_2, %add3A, %dma_wait3A_112, %dma_wait3A_113] : memref<2x32x80x125xi32, #tpu.memory_space<hbm>> -> memref<1x1x80x125xi32, #tpu.memory_space<hbm>>
      %dma_wait3A_115 = tpu.memref_squeeze %dma_wait3A_114 : memref<1x1x80x125xi32, #tpu.memory_space<hbm>> -> memref<80x125xi32, #tpu.memory_space<hbm>>
      %dma_wait3A_116 = arith.constant 0 : i32
      %dma_wait3A_117 = arith.constant 0 : i32
      %dma_wait3A_118 = tpu.memref_slice %arg7[%run_scoped3A_3, %dma_wait3A_116, %dma_wait3A_117] : memref<2x80x125xi32, #tpu.memory_space<vmem>> -> memref<1x80x125xi32, #tpu.memory_space<vmem>>
      %dma_wait3A_119 = tpu.memref_squeeze %dma_wait3A_118 : memref<1x80x125xi32, #tpu.memory_space<vmem>> -> memref<80x125xi32, #tpu.memory_space<vmem>>
      %dma_wait3A_120 = arith.constant 0 : i32
      %dma_wait3A_121 = arith.constant 0 : i32
      %dma_wait3A_122 = tpu.memref_slice %arg4[%run_scoped3A_2, %add3A, %dma_wait3A_120, %dma_wait3A_121] : memref<2x32x80x125xi32, #tpu.memory_space<hbm>> -> memref<1x1x80x125xi32, #tpu.memory_space<hbm>>
      %dma_wait3A_123 = tpu.memref_squeeze %dma_wait3A_122 : memref<1x1x80x125xi32, #tpu.memory_space<hbm>> -> memref<80x125xi32, #tpu.memory_space<hbm>>
      tpu.wait_dma2 semaphore(%run_scoped3A_93 : memref<!tpu.dma_semaphore, #tpu.memory_space<semaphore_mem>>) src(%dma_wait3A_123 : memref<80x125xi32, #tpu.memory_space<hbm>>) dst(%dma_wait3A_119 : memref<80x125xi32, #tpu.memory_space<vmem>>)
      tpu.yield
    }) : () -> ()
    %broadcast_in_dim3A = arith.constant 0.000000e+00 : f32
    %broadcast_in_dim3A_4 = vector.broadcast %broadcast_in_dim3A : f32 to vector<16xf32>
    %scan3A = arith.constant 0 : i32
    %scan3A_5 = arith.constant 0 : i32
    %scan3A_6 = arith.constant 112 : i32
    %scan3A_7 = arith.addi %scan3A_5, %scan3A_6 : i32
    %scan3A_8 = arith.constant 1 : i32
    %scan3A_9 = scf.for %scan3A_93 = %scan3A_5 to %scan3A_7 step %scan3A_8 iter_args(%scan3A_94 = %scan3A) -> (i32)  : i32 {
      %swap3A = arith.index_cast %scan3A_93 : i32 to index
      %swap3A_95 = arith.constant 0 : index
      %swap3A_96 = tpu.vector_load %arg10[%swap3A, %swap3A_95] {strides = array<i32>} : memref<112x128xf32, #tpu.memory_space<vmem>>, vector<1x16xf32>,
      %swap3A_97 = vector.shape_cast %swap3A_96 : vector<1x16xf32> to vector<16xf32>
      %swap3A_98 = vector.shape_cast %broadcast_in_dim3A_4 : vector<16xf32> to vector<1x16xf32>
      tpu.vector_store %arg10[%swap3A, %swap3A_95], %swap3A_98 {strides = array<i32>} : memref<112x128xf32, #tpu.memory_space<vmem>>, vector<1x16xf32>,
      %swap3A_99 = arith.index_cast %scan3A_93 : i32 to index
      %swap3A_100 = arith.constant 16 : index
      %swap3A_101 = tpu.vector_load %arg10[%swap3A_99, %swap3A_100] {strides = array<i32>} : memref<112x128xf32, #tpu.memory_space<vmem>>, vector<1x16xf32>,
      %swap3A_102 = vector.shape_cast %swap3A_101 : vector<1x16xf32> to vector<16xf32>
      %swap3A_103 = vector.shape_cast %broadcast_in_dim3A_4 : vector<16xf32> to vector<1x16xf32>
      tpu.vector_store %arg10[%swap3A_99, %swap3A_100], %swap3A_103 {strides = array<i32>} : memref<112x128xf32, #tpu.memory_space<vmem>>, vector<1x16xf32>,
      %swap3A_104 = arith.index_cast %scan3A_93 : i32 to index
      %swap3A_105 = arith.constant 32 : index
      %swap3A_106 = tpu.vector_load %arg10[%swap3A_104, %swap3A_105] {strides = array<i32>} : memref<112x128xf32, #tpu.memory_space<vmem>>, vector<1x16xf32>,
      %swap3A_107 = vector.shape_cast %swap3A_106 : vector<1x16xf32> to vector<16xf32>
      %swap3A_108 = vector.shape_cast %broadcast_in_dim3A_4 : vector<16xf32> to vector<1x16xf32>
      tpu.vector_store %arg10[%swap3A_104, %swap3A_105], %swap3A_108 {strides = array<i32>} : memref<112x128xf32, #tpu.memory_space<vmem>>, vector<1x16xf32>,
      %swap3A_109 = arith.index_cast %scan3A_93 : i32 to index
      %swap3A_110 = arith.constant 48 : index
      %swap3A_111 = tpu.vector_load %arg10[%swap3A_109, %swap3A_110] {strides = array<i32>} : memref<112x128xf32, #tpu.memory_space<vmem>>, vector<1x16xf32>,
      %swap3A_112 = vector.shape_cast %swap3A_111 : vector<1x16xf32> to vector<16xf32>
      %swap3A_113 = vector.shape_cast %broadcast_in_dim3A_4 : vector<16xf32> to vector<1x16xf32>
      tpu.vector_store %arg10[%swap3A_109, %swap3A_110], %swap3A_113 {strides = array<i32>} : memref<112x128xf32, #tpu.memory_space<vmem>>, vector<1x16xf32>,
      %swap3A_114 = arith.index_cast %scan3A_93 : i32 to index
      %swap3A_115 = arith.constant 64 : index
      %swap3A_116 = tpu.vector_load %arg10[%swap3A_114, %swap3A_115] {strides = array<i32>} : memref<112x128xf32, #tpu.memory_space<vmem>>, vector<1x16xf32>,
      %swap3A_117 = vector.shape_cast %swap3A_116 : vector<1x16xf32> to vector<16xf32>
      %swap3A_118 = vector.shape_cast %broadcast_in_dim3A_4 : vector<16xf32> to vector<1x16xf32>
      tpu.vector_store %arg10[%swap3A_114, %swap3A_115], %swap3A_118 {strides = array<i32>} : memref<112x128xf32, #tpu.memory_space<vmem>>, vector<1x16xf32>,
      %swap3A_119 = arith.index_cast %scan3A_93 : i32 to index
      %swap3A_120 = arith.constant 80 : index
      %swap3A_121 = tpu.vector_load %arg10[%swap3A_119, %swap3A_120] {strides = array<i32>} : memref<112x128xf32, #tpu.memory_space<vmem>>, vector<1x16xf32>,
      %swap3A_122 = vector.shape_cast %swap3A_121 : vector<1x16xf32> to vector<16xf32>
      %swap3A_123 = vector.shape_cast %broadcast_in_dim3A_4 : vector<16xf32> to vector<1x16xf32>
      tpu.vector_store %arg10[%swap3A_119, %swap3A_120], %swap3A_123 {strides = array<i32>} : memref<112x128xf32, #tpu.memory_space<vmem>>, vector<1x16xf32>,
      %swap3A_124 = arith.index_cast %scan3A_93 : i32 to index
      %swap3A_125 = arith.constant 96 : index
      %swap3A_126 = tpu.vector_load %arg10[%swap3A_124, %swap3A_125] {strides = array<i32>} : memref<112x128xf32, #tpu.memory_space<vmem>>, vector<1x16xf32>,
      %swap3A_127 = vector.shape_cast %swap3A_126 : vector<1x16xf32> to vector<16xf32>
      %swap3A_128 = vector.shape_cast %broadcast_in_dim3A_4 : vector<16xf32> to vector<1x16xf32>
      tpu.vector_store %arg10[%swap3A_124, %swap3A_125], %swap3A_128 {strides = array<i32>} : memref<112x128xf32, #tpu.memory_space<vmem>>, vector<1x16xf32>,
      %swap3A_129 = arith.index_cast %scan3A_93 : i32 to index
      %swap3A_130 = arith.constant 112 : index
      %swap3A_131 = tpu.vector_load %arg10[%swap3A_129, %swap3A_130] {strides = array<i32>} : memref<112x128xf32, #tpu.memory_space<vmem>>, vector<1x16xf32>,
      %swap3A_132 = vector.shape_cast %swap3A_131 : vector<1x16xf32> to vector<16xf32>
      %swap3A_133 = vector.shape_cast %broadcast_in_dim3A_4 : vector<16xf32> to vector<1x16xf32>
      tpu.vector_store %arg10[%swap3A_129, %swap3A_130], %swap3A_133 {strides = array<i32>} : memref<112x128xf32, #tpu.memory_space<vmem>>, vector<1x16xf32>,
      %scan3A_134 = arith.constant 0 : i32
      scf.yield %scan3A_134 : i32
    }
    %scan3A_10 = arith.constant 112 : i32
    %add3A_11 = arith.constant 0 : i32
    %add3A_12 = arith.addi %arg0, %add3A_11 : i32
    %jit3A = arith.constant 2 : i32
    %eq3A = arith.constant 0 : i32
    %eq3A_13 = arith.cmpi eq, %jit3A, %eq3A : i32
    %jit3A_14 = arith.constant 1 : i32
    %select_n3A = arith.select %eq3A_13, %jit3A_14, %jit3A : i32
    %rem3A = arith.remsi %add3A_12, %select_n3A : i32
    %ne3A = arith.constant 0 : i32
    %ne3A_15 = arith.cmpi ne, %rem3A, %ne3A : i32
    %lt3A = arith.constant 0 : i32
    %lt3A_16 = arith.cmpi slt, %rem3A, %lt3A : i32
    %lt3A_17 = arith.constant 0 : i32
    %lt3A_18 = arith.cmpi slt, %select_n3A, %lt3A_17 : i32
    %ne3A_19 = arith.xori %lt3A_16, %lt3A_18 : i1
    %and3A = arith.andi %ne3A_19, %ne3A_15 : i1
    %add3A_20 = arith.addi %rem3A, %select_n3A : i32
    %select_n3A_21 = arith.select %and3A, %add3A_20, %rem3A : i32
    %mul3A_22 = arith.constant 336 : i32
    %mul3A_23 = arith.muli %arg1, %mul3A_22 : i32
    %add3A_24 = arith.constant 0 : i32
    %add3A_25 = arith.addi %mul3A_23, %add3A_24 : i32
    "tpu.region"() ({
      %run_scoped3A_93 = tpu.sem_alloc : memref<!tpu.dma_semaphore, #tpu.memory_space<semaphore_mem>>
      %dma_start3A = arith.constant 0 : i32
      %dma_start3A_94 = tpu.memref_slice %arg11[%add3A_25, %dma_start3A] : memref<5376x128xf32, #tpu.memory_space<vmem_shared>> -> memref<112x128xf32, #tpu.memory_space<vmem_shared>>
      %dma_start3A_95 = arith.constant 0 : i32
      %dma_start3A_96 = tpu.memref_slice %arg11[%add3A_25, %dma_start3A_95] : memref<5376x128xf32, #tpu.memory_space<vmem_shared>> -> memref<112x128xf32, #tpu.memory_space<vmem_shared>>
      tpu.enqueue_dma source(%arg10 : memref<112x128xf32, #tpu.memory_space<vmem>>) target(%dma_start3A_96 : memref<112x128xf32, #tpu.memory_space<vmem_shared>>) target_semaphore(%run_scoped3A_93 : memref<!tpu.dma_semaphore, #tpu.memory_space<semaphore_mem>>)
      %dma_wait3A = arith.constant 0 : i32
      %dma_wait3A_97 = tpu.memref_slice %arg11[%add3A_25, %dma_wait3A] : memref<5376x128xf32, #tpu.memory_space<vmem_shared>> -> memref<112x128xf32, #tpu.memory_space<vmem_shared>>
      %dma_wait3A_98 = arith.constant 0 : i32
      %dma_wait3A_99 = tpu.memref_slice %arg11[%add3A_25, %dma_wait3A_98] : memref<5376x128xf32, #tpu.memory_space<vmem_shared>> -> memref<112x128xf32, #tpu.memory_space<vmem_shared>>
      tpu.wait_dma2 semaphore(%run_scoped3A_93 : memref<!tpu.dma_semaphore, #tpu.memory_space<semaphore_mem>>) src(%arg10 : memref<112x128xf32, #tpu.memory_space<vmem>>) dst(%dma_wait3A_99 : memref<112x128xf32, #tpu.memory_space<vmem_shared>>)
      tpu.yield
    }) : () -> ()
    %mul3A_26 = arith.constant 336 : i32
    %mul3A_27 = arith.muli %arg1, %mul3A_26 : i32
    %add3A_28 = arith.constant 112 : i32
    %add3A_29 = arith.addi %mul3A_27, %add3A_28 : i32
    "tpu.region"() ({
      %run_scoped3A_93 = tpu.sem_alloc : memref<!tpu.dma_semaphore, #tpu.memory_space<semaphore_mem>>
      %dma_start3A = arith.constant 0 : i32
      %dma_start3A_94 = tpu.memref_slice %arg11[%add3A_29, %dma_start3A] : memref<5376x128xf32, #tpu.memory_space<vmem_shared>> -> memref<112x128xf32, #tpu.memory_space<vmem_shared>>
      %dma_start3A_95 = arith.constant 0 : i32
      %dma_start3A_96 = tpu.memref_slice %arg11[%add3A_29, %dma_start3A_95] : memref<5376x128xf32, #tpu.memory_space<vmem_shared>> -> memref<112x128xf32, #tpu.memory_space<vmem_shared>>
      tpu.enqueue_dma source(%arg10 : memref<112x128xf32, #tpu.memory_space<vmem>>) target(%dma_start3A_96 : memref<112x128xf32, #tpu.memory_space<vmem_shared>>) target_semaphore(%run_scoped3A_93 : memref<!tpu.dma_semaphore, #tpu.memory_space<semaphore_mem>>)
      %dma_wait3A = arith.constant 0 : i32
      %dma_wait3A_97 = tpu.memref_slice %arg11[%add3A_29, %dma_wait3A] : memref<5376x128xf32, #tpu.memory_space<vmem_shared>> -> memref<112x128xf32, #tpu.memory_space<vmem_shared>>
      %dma_wait3A_98 = arith.constant 0 : i32
      %dma_wait3A_99 = tpu.memref_slice %arg11[%add3A_29, %dma_wait3A_98] : memref<5376x128xf32, #tpu.memory_space<vmem_shared>> -> memref<112x128xf32, #tpu.memory_space<vmem_shared>>
      tpu.wait_dma2 semaphore(%run_scoped3A_93 : memref<!tpu.dma_semaphore, #tpu.memory_space<semaphore_mem>>) src(%arg10 : memref<112x128xf32, #tpu.memory_space<vmem>>) dst(%dma_wait3A_99 : memref<112x128xf32, #tpu.memory_space<vmem_shared>>)
      tpu.yield
    }) : () -> ()
    %mul3A_30 = arith.constant 336 : i32
    %mul3A_31 = arith.muli %arg1, %mul3A_30 : i32
    %add3A_32 = arith.constant 224 : i32
    %add3A_33 = arith.addi %mul3A_31, %add3A_32 : i32
    "tpu.region"() ({
      %run_scoped3A_93 = tpu.sem_alloc : memref<!tpu.dma_semaphore, #tpu.memory_space<semaphore_mem>>
      %dma_start3A = arith.constant 0 : i32
      %dma_start3A_94 = tpu.memref_slice %arg11[%add3A_33, %dma_start3A] : memref<5376x128xf32, #tpu.memory_space<vmem_shared>> -> memref<112x128xf32, #tpu.memory_space<vmem_shared>>
      %dma_start3A_95 = arith.constant 0 : i32
      %dma_start3A_96 = tpu.memref_slice %arg11[%add3A_33, %dma_start3A_95] : memref<5376x128xf32, #tpu.memory_space<vmem_shared>> -> memref<112x128xf32, #tpu.memory_space<vmem_shared>>
      tpu.enqueue_dma source(%arg10 : memref<112x128xf32, #tpu.memory_space<vmem>>) target(%dma_start3A_96 : memref<112x128xf32, #tpu.memory_space<vmem_shared>>) target_semaphore(%run_scoped3A_93 : memref<!tpu.dma_semaphore, #tpu.memory_space<semaphore_mem>>)
      %dma_wait3A = arith.constant 0 : i32
      %dma_wait3A_97 = tpu.memref_slice %arg11[%add3A_33, %dma_wait3A] : memref<5376x128xf32, #tpu.memory_space<vmem_shared>> -> memref<112x128xf32, #tpu.memory_space<vmem_shared>>
      %dma_wait3A_98 = arith.constant 0 : i32
      %dma_wait3A_99 = tpu.memref_slice %arg11[%add3A_33, %dma_wait3A_98] : memref<5376x128xf32, #tpu.memory_space<vmem_shared>> -> memref<112x128xf32, #tpu.memory_space<vmem_shared>>
      tpu.wait_dma2 semaphore(%run_scoped3A_93 : memref<!tpu.dma_semaphore, #tpu.memory_space<semaphore_mem>>) src(%arg10 : memref<112x128xf32, #tpu.memory_space<vmem>>) dst(%dma_wait3A_99 : memref<112x128xf32, #tpu.memory_space<vmem_shared>>)
      tpu.yield
    }) : () -> ()
    %barrier3A = arith.constant 0 : index
    tpu.barrier barrier_id(%barrier3A)
    %scan3A_34 = arith.constant 0 : i32
    %scan3A_35 = arith.constant 0 : i32
    %scan3A_36 = arith.constant 40 : i32
    %scan3A_37 = arith.addi %scan3A_35, %scan3A_36 : i32
    %scan3A_38 = arith.constant 1 : i32
    %scan3A_39 = scf.for %scan3A_93 = %scan3A_35 to %scan3A_37 step %scan3A_38 iter_args(%scan3A_94 = %scan3A_34) -> (i32)  : i32 {
      %mul3A_95 = arith.constant 2 : i32
      %mul3A_96 = arith.muli %mul3A_95, %scan3A_93 : i32
      %dma_start3A = arith.constant 0 : i32
      %dma_start3A_97 = tpu.memref_slice %arg6[%mul3A_96, %dma_start3A] : memref<81x125xi32, #tpu.memory_space<vmem>> -> memref<1x125xi32, #tpu.memory_space<vmem>>
      %dma_start3A_98 = tpu.memref_squeeze %dma_start3A_97 : memref<1x125xi32, #tpu.memory_space<vmem>> -> memref<125xi32, #tpu.memory_space<vmem>>
      %dma_start3A_99 = arith.constant 0 : i32
      %dma_start3A_100 = arith.constant 0 : i32
      %dma_start3A_101 = tpu.memref_slice %arg2[%dma_start3A_99, %dma_start3A_100] : memref<10000x128xf32, #tpu.memory_space<hbm>> -> memref<10000x128xf32, #tpu.memory_space<hbm>>
      tpu.enqueue_indirect_dma source(%dma_start3A_101 : memref<10000x128xf32, #tpu.memory_space<hbm>>) target(%arg8 : memref<125x128xf32, #tpu.memory_space<vmem>>) offsets(%dma_start3A_98 : memref<125xi32, #tpu.memory_space<vmem>>) semaphore(%arg12 : memref<!tpu.dma_semaphore, #tpu.memory_space<semaphore_mem>>)
      %add3A_102 = arith.constant 1 : i32
      %add3A_103 = arith.addi %mul3A_96, %add3A_102 : i32
      %dma_start3A_104 = arith.constant 0 : i32
      %dma_start3A_105 = tpu.memref_slice %arg6[%add3A_103, %dma_start3A_104] : memref<81x125xi32, #tpu.memory_space<vmem>> -> memref<1x125xi32, #tpu.memory_space<vmem>>
      %dma_start3A_106 = tpu.memref_squeeze %dma_start3A_105 : memref<1x125xi32, #tpu.memory_space<vmem>> -> memref<125xi32, #tpu.memory_space<vmem>>
      %dma_start3A_107 = arith.constant 0 : i32
      %dma_start3A_108 = arith.constant 0 : i32
      %dma_start3A_109 = tpu.memref_slice %arg2[%dma_start3A_107, %dma_start3A_108] : memref<10000x128xf32, #tpu.memory_space<hbm>> -> memref<10000x128xf32, #tpu.memory_space<hbm>>
      tpu.enqueue_indirect_dma source(%dma_start3A_109 : memref<10000x128xf32, #tpu.memory_space<hbm>>) target(%arg9 : memref<125x128xf32, #tpu.memory_space<vmem>>) offsets(%dma_start3A_106 : memref<125xi32, #tpu.memory_space<vmem>>) semaphore(%arg13 : memref<!tpu.dma_semaphore, #tpu.memory_space<semaphore_mem>>)
      %dma_wait3A = arith.constant 0 : i32
      %dma_wait3A_110 = tpu.memref_slice %arg6[%mul3A_96, %dma_wait3A] : memref<81x125xi32, #tpu.memory_space<vmem>> -> memref<1x125xi32, #tpu.memory_space<vmem>>
      %dma_wait3A_111 = tpu.memref_squeeze %dma_wait3A_110 : memref<1x125xi32, #tpu.memory_space<vmem>> -> memref<125xi32, #tpu.memory_space<vmem>>
      %dma_wait3A_112 = arith.constant 0 : i32
      %dma_wait3A_113 = arith.constant 0 : i32
      %dma_wait3A_114 = tpu.memref_slice %arg2[%dma_wait3A_112, %dma_wait3A_113] : memref<10000x128xf32, #tpu.memory_space<hbm>> -> memref<10000x128xf32, #tpu.memory_space<hbm>>
      tpu.wait_indirect_dma semaphore(%arg12 : memref<!tpu.dma_semaphore, #tpu.memory_space<semaphore_mem>>) src(%dma_wait3A_114 : memref<10000x128xf32, #tpu.memory_space<hbm>>) dst(%arg8 : memref<125x128xf32, #tpu.memory_space<vmem>>)
      %run_scoped3A_115 = arith.constant 0 : i32
      "tpu.region"() ({
        %run_scoped3A_126 = tpu.sem_alloc : memref<!tpu.dma_semaphore, #tpu.memory_space<semaphore_mem>>
        %dma_start3A_127 = arith.constant 0 : i32
        %dma_start3A_128 = tpu.memref_slice %arg7[%run_scoped3A_115, %mul3A_96, %dma_start3A_127] : memref<2x80x125xi32, #tpu.memory_space<vmem>> -> memref<1x1x125xi32, #tpu.memory_space<vmem>>
        %dma_start3A_129 = tpu.memref_squeeze %dma_start3A_128 : memref<1x1x125xi32, #tpu.memory_space<vmem>> -> memref<125xi32, #tpu.memory_space<vmem>>
        %dma_start3A_130 = arith.constant 0 : i32
        %dma_start3A_131 = arith.constant 0 : i32
        %dma_start3A_132 = tpu.memref_slice %arg11[%dma_start3A_130, %dma_start3A_131] : memref<5376x128xf32, #tpu.memory_space<vmem_shared>> -> memref<5376x128xf32, #tpu.memory_space<vmem_shared>>
        tpu.enqueue_indirect_dma source(%arg8 : memref<125x128xf32, #tpu.memory_space<vmem>>) target(%dma_start3A_132 : memref<5376x128xf32, #tpu.memory_space<vmem_shared>>) offsets(%dma_start3A_129 : memref<125xi32, #tpu.memory_space<vmem>>) semaphore(%run_scoped3A_126 : memref<!tpu.dma_semaphore, #tpu.memory_space<semaphore_mem>>) {add = true}
        %dma_wait3A_133 = arith.constant 0 : i32
        %dma_wait3A_134 = tpu.memref_slice %arg7[%run_scoped3A_115, %mul3A_96, %dma_wait3A_133] : memref<2x80x125xi32, #tpu.memory_space<vmem>> -> memref<1x1x125xi32, #tpu.memory_space<vmem>>
        %dma_wait3A_135 = tpu.memref_squeeze %dma_wait3A_134 : memref<1x1x125xi32, #tpu.memory_space<vmem>> -> memref<125xi32, #tpu.memory_space<vmem>>
        %dma_wait3A_136 = arith.constant 0 : i32
        %dma_wait3A_137 = arith.constant 0 : i32
        %dma_wait3A_138 = tpu.memref_slice %arg11[%dma_wait3A_136, %dma_wait3A_137] : memref<5376x128xf32, #tpu.memory_space<vmem_shared>> -> memref<5376x128xf32, #tpu.memory_space<vmem_shared>>
        tpu.wait_indirect_dma semaphore(%run_scoped3A_126 : memref<!tpu.dma_semaphore, #tpu.memory_space<semaphore_mem>>) src(%arg8 : memref<125x128xf32, #tpu.memory_space<vmem>>) dst(%dma_wait3A_138 : memref<5376x128xf32, #tpu.memory_space<vmem_shared>>)
        tpu.yield
      }) : () -> ()
      %dma_wait3A_116 = arith.constant 0 : i32
      %dma_wait3A_117 = tpu.memref_slice %arg6[%add3A_103, %dma_wait3A_116] : memref<81x125xi32, #tpu.memory_space<vmem>> -> memref<1x125xi32, #tpu.memory_space<vmem>>
      %dma_wait3A_118 = tpu.memref_squeeze %dma_wait3A_117 : memref<1x125xi32, #tpu.memory_space<vmem>> -> memref<125xi32, #tpu.memory_space<vmem>>
      %dma_wait3A_119 = arith.constant 0 : i32
      %dma_wait3A_120 = arith.constant 0 : i32
      %dma_wait3A_121 = tpu.memref_slice %arg2[%dma_wait3A_119, %dma_wait3A_120] : memref<10000x128xf32, #tpu.memory_space<hbm>> -> memref<10000x128xf32, #tpu.memory_space<hbm>>
      tpu.wait_indirect_dma semaphore(%arg13 : memref<!tpu.dma_semaphore, #tpu.memory_space<semaphore_mem>>) src(%dma_wait3A_121 : memref<10000x128xf32, #tpu.memory_space<hbm>>) dst(%arg9 : memref<125x128xf32, #tpu.memory_space<vmem>>)
      %add3A_122 = arith.constant 1 : i32
      %add3A_123 = arith.addi %mul3A_96, %add3A_122 : i32
      %run_scoped3A_124 = arith.constant 0 : i32
      "tpu.region"() ({
        %run_scoped3A_126 = tpu.sem_alloc : memref<!tpu.dma_semaphore, #tpu.memory_space<semaphore_mem>>
        %dma_start3A_127 = arith.constant 0 : i32
        %dma_start3A_128 = tpu.memref_slice %arg7[%run_scoped3A_124, %add3A_123, %dma_start3A_127] : memref<2x80x125xi32, #tpu.memory_space<vmem>> -> memref<1x1x125xi32, #tpu.memory_space<vmem>>
        %dma_start3A_129 = tpu.memref_squeeze %dma_start3A_128 : memref<1x1x125xi32, #tpu.memory_space<vmem>> -> memref<125xi32, #tpu.memory_space<vmem>>
        %dma_start3A_130 = arith.constant 0 : i32
        %dma_start3A_131 = arith.constant 0 : i32
        %dma_start3A_132 = tpu.memref_slice %arg11[%dma_start3A_130, %dma_start3A_131] : memref<5376x128xf32, #tpu.memory_space<vmem_shared>> -> memref<5376x128xf32, #tpu.memory_space<vmem_shared>>
        tpu.enqueue_indirect_dma source(%arg9 : memref<125x128xf32, #tpu.memory_space<vmem>>) target(%dma_start3A_132 : memref<5376x128xf32, #tpu.memory_space<vmem_shared>>) offsets(%dma_start3A_129 : memref<125xi32, #tpu.memory_space<vmem>>) semaphore(%run_scoped3A_126 : memref<!tpu.dma_semaphore, #tpu.memory_space<semaphore_mem>>) {add = true}
        %dma_wait3A_133 = arith.constant 0 : i32
        %dma_wait3A_134 = tpu.memref_slice %arg7[%run_scoped3A_124, %add3A_123, %dma_wait3A_133] : memref<2x80x125xi32, #tpu.memory_space<vmem>> -> memref<1x1x125xi32, #tpu.memory_space<vmem>>
        %dma_wait3A_135 = tpu.memref_squeeze %dma_wait3A_134 : memref<1x1x125xi32, #tpu.memory_space<vmem>> -> memref<125xi32, #tpu.memory_space<vmem>>
        %dma_wait3A_136 = arith.constant 0 : i32
        %dma_wait3A_137 = arith.constant 0 : i32
        %dma_wait3A_138 = tpu.memref_slice %arg11[%dma_wait3A_136, %dma_wait3A_137] : memref<5376x128xf32, #tpu.memory_space<vmem_shared>> -> memref<5376x128xf32, #tpu.memory_space<vmem_shared>>
        tpu.wait_indirect_dma semaphore(%run_scoped3A_126 : memref<!tpu.dma_semaphore, #tpu.memory_space<semaphore_mem>>) src(%arg9 : memref<125x128xf32, #tpu.memory_space<vmem>>) dst(%dma_wait3A_138 : memref<5376x128xf32, #tpu.memory_space<vmem_shared>>)
        tpu.yield
      }) : () -> ()
      %scan3A_125 = arith.constant 0 : i32
      scf.yield %scan3A_125 : i32
    }
    %scan3A_40 = arith.constant 40 : i32
    %barrier3A_41 = arith.constant 0 : index
    tpu.barrier barrier_id(%barrier3A_41)
    %mul3A_42 = arith.constant 320 : i32
    %mul3A_43 = arith.muli %arg1, %mul3A_42 : i32
    %mul3A_44 = arith.constant 320 : i32
    %mul3A_45 = arith.muli %arg1, %mul3A_44 : i32
    %run_scoped3A_46 = arith.constant 0 : i32
    "tpu.region"() ({
      %run_scoped3A_93 = tpu.sem_alloc : memref<!tpu.dma_semaphore, #tpu.memory_space<semaphore_mem>>
      %dma_start3A = arith.constant 0 : i32
      %dma_start3A_94 = tpu.memref_slice %arg5[%run_scoped3A_46, %select_n3A_21, %mul3A_45, %dma_start3A] : memref<2x2x5120x128xf32, #tpu.memory_space<hbm>> -> memref<1x1x320x128xf32, #tpu.memory_space<hbm>>
      %dma_start3A_95 = tpu.memref_squeeze %dma_start3A_94 : memref<1x1x320x128xf32, #tpu.memory_space<hbm>> -> memref<320x128xf32, #tpu.memory_space<hbm>>
      %dma_start3A_96 = arith.constant 0 : i32
      %dma_start3A_97 = tpu.memref_slice %arg11[%mul3A_43, %dma_start3A_96] : memref<5376x128xf32, #tpu.memory_space<vmem_shared>> -> memref<320x128xf32, #tpu.memory_space<vmem_shared>>
      tpu.enqueue_dma source(%dma_start3A_97 : memref<320x128xf32, #tpu.memory_space<vmem_shared>>) target(%dma_start3A_95 : memref<320x128xf32, #tpu.memory_space<hbm>>) target_semaphore(%run_scoped3A_93 : memref<!tpu.dma_semaphore, #tpu.memory_space<semaphore_mem>>)
      %dma_wait3A = arith.constant 0 : i32
      %dma_wait3A_98 = tpu.memref_slice %arg5[%run_scoped3A_46, %select_n3A_21, %mul3A_45, %dma_wait3A] : memref<2x2x5120x128xf32, #tpu.memory_space<hbm>> -> memref<1x1x320x128xf32, #tpu.memory_space<hbm>>
      %dma_wait3A_99 = tpu.memref_squeeze %dma_wait3A_98 : memref<1x1x320x128xf32, #tpu.memory_space<hbm>> -> memref<320x128xf32, #tpu.memory_space<hbm>>
      %dma_wait3A_100 = arith.constant 0 : i32
      %dma_wait3A_101 = tpu.memref_slice %arg11[%mul3A_43, %dma_wait3A_100] : memref<5376x128xf32, #tpu.memory_space<vmem_shared>> -> memref<320x128xf32, #tpu.memory_space<vmem_shared>>
      tpu.wait_dma2 semaphore(%run_scoped3A_93 : memref<!tpu.dma_semaphore, #tpu.memory_space<semaphore_mem>>) src(%dma_wait3A_101 : memref<320x128xf32, #tpu.memory_space<vmem_shared>>) dst(%dma_wait3A_99 : memref<320x128xf32, #tpu.memory_space<hbm>>)
      tpu.yield
    }) : () -> ()
    %barrier3A_47 = arith.constant 0 : index
    tpu.barrier barrier_id(%barrier3A_47)
    %add3A_48 = arith.constant 1 : i32
    %add3A_49 = arith.addi %arg0, %add3A_48 : i32
    %jit3A_50 = arith.constant 2 : i32
    %eq3A_51 = arith.constant 0 : i32
    %eq3A_52 = arith.cmpi eq, %jit3A_50, %eq3A_51 : i32
    %jit3A_53 = arith.constant 1 : i32
    %select_n3A_54 = arith.select %eq3A_52, %jit3A_53, %jit3A_50 : i32
    %rem3A_55 = arith.remsi %add3A_49, %select_n3A_54 : i32
    %ne3A_56 = arith.constant 0 : i32
    %ne3A_57 = arith.cmpi ne, %rem3A_55, %ne3A_56 : i32
    %lt3A_58 = arith.constant 0 : i32
    %lt3A_59 = arith.cmpi slt, %rem3A_55, %lt3A_58 : i32
    %lt3A_60 = arith.constant 0 : i32
    %lt3A_61 = arith.cmpi slt, %select_n3A_54, %lt3A_60 : i32
    %ne3A_62 = arith.xori %lt3A_59, %lt3A_61 : i1
    %and3A_63 = arith.andi %ne3A_62, %ne3A_57 : i1
    %add3A_64 = arith.addi %rem3A_55, %select_n3A_54 : i32
    %select_n3A_65 = arith.select %and3A_63, %add3A_64, %rem3A_55 : i32
    %mul3A_66 = arith.constant 336 : i32
    %mul3A_67 = arith.muli %arg1, %mul3A_66 : i32
    %add3A_68 = arith.constant 0 : i32
    %add3A_69 = arith.addi %mul3A_67, %add3A_68 : i32
    "tpu.region"() ({
      %run_scoped3A_93 = tpu.sem_alloc : memref<!tpu.dma_semaphore, #tpu.memory_space<semaphore_mem>>
      %dma_start3A = arith.constant 0 : i32
      %dma_start3A_94 = tpu.memref_slice %arg11[%add3A_69, %dma_start3A] : memref<5376x128xf32, #tpu.memory_space<vmem_shared>> -> memref<112x128xf32, #tpu.memory_space<vmem_shared>>
      %dma_start3A_95 = arith.constant 0 : i32
      %dma_start3A_96 = tpu.memref_slice %arg11[%add3A_69, %dma_start3A_95] : memref<5376x128xf32, #tpu.memory_space<vmem_shared>> -> memref<112x128xf32, #tpu.memory_space<vmem_shared>>
      tpu.enqueue_dma source(%arg10 : memref<112x128xf32, #tpu.memory_space<vmem>>) target(%dma_start3A_96 : memref<112x128xf32, #tpu.memory_space<vmem_shared>>) target_semaphore(%run_scoped3A_93 : memref<!tpu.dma_semaphore, #tpu.memory_space<semaphore_mem>>)
      %dma_wait3A = arith.constant 0 : i32
      %dma_wait3A_97 = tpu.memref_slice %arg11[%add3A_69, %dma_wait3A] : memref<5376x128xf32, #tpu.memory_space<vmem_shared>> -> memref<112x128xf32, #tpu.memory_space<vmem_shared>>
      %dma_wait3A_98 = arith.constant 0 : i32
      %dma_wait3A_99 = tpu.memref_slice %arg11[%add3A_69, %dma_wait3A_98] : memref<5376x128xf32, #tpu.memory_space<vmem_shared>> -> memref<112x128xf32, #tpu.memory_space<vmem_shared>>
      tpu.wait_dma2 semaphore(%run_scoped3A_93 : memref<!tpu.dma_semaphore, #tpu.memory_space<semaphore_mem>>) src(%arg10 : memref<112x128xf32, #tpu.memory_space<vmem>>) dst(%dma_wait3A_99 : memref<112x128xf32, #tpu.memory_space<vmem_shared>>)
      tpu.yield
    }) : () -> ()
    %mul3A_70 = arith.constant 336 : i32
    %mul3A_71 = arith.muli %arg1, %mul3A_70 : i32
    %add3A_72 = arith.constant 112 : i32
    %add3A_73 = arith.addi %mul3A_71, %add3A_72 : i32
    "tpu.region"() ({
      %run_scoped3A_93 = tpu.sem_alloc : memref<!tpu.dma_semaphore, #tpu.memory_space<semaphore_mem>>
      %dma_start3A = arith.constant 0 : i32
      %dma_start3A_94 = tpu.memref_slice %arg11[%add3A_73, %dma_start3A] : memref<5376x128xf32, #tpu.memory_space<vmem_shared>> -> memref<112x128xf32, #tpu.memory_space<vmem_shared>>
      %dma_start3A_95 = arith.constant 0 : i32
      %dma_start3A_96 = tpu.memref_slice %arg11[%add3A_73, %dma_start3A_95] : memref<5376x128xf32, #tpu.memory_space<vmem_shared>> -> memref<112x128xf32, #tpu.memory_space<vmem_shared>>
      tpu.enqueue_dma source(%arg10 : memref<112x128xf32, #tpu.memory_space<vmem>>) target(%dma_start3A_96 : memref<112x128xf32, #tpu.memory_space<vmem_shared>>) target_semaphore(%run_scoped3A_93 : memref<!tpu.dma_semaphore, #tpu.memory_space<semaphore_mem>>)
      %dma_wait3A = arith.constant 0 : i32
      %dma_wait3A_97 = tpu.memref_slice %arg11[%add3A_73, %dma_wait3A] : memref<5376x128xf32, #tpu.memory_space<vmem_shared>> -> memref<112x128xf32, #tpu.memory_space<vmem_shared>>
      %dma_wait3A_98 = arith.constant 0 : i32
      %dma_wait3A_99 = tpu.memref_slice %arg11[%add3A_73, %dma_wait3A_98] : memref<5376x128xf32, #tpu.memory_space<vmem_shared>> -> memref<112x128xf32, #tpu.memory_space<vmem_shared>>
      tpu.wait_dma2 semaphore(%run_scoped3A_93 : memref<!tpu.dma_semaphore, #tpu.memory_space<semaphore_mem>>) src(%arg10 : memref<112x128xf32, #tpu.memory_space<vmem>>) dst(%dma_wait3A_99 : memref<112x128xf32, #tpu.memory_space<vmem_shared>>)
      tpu.yield
    }) : () -> ()
    %mul3A_74 = arith.constant 336 : i32
    %mul3A_75 = arith.muli %arg1, %mul3A_74 : i32
    %add3A_76 = arith.constant 224 : i32
    %add3A_77 = arith.addi %mul3A_75, %add3A_76 : i32
    "tpu.region"() ({
      %run_scoped3A_93 = tpu.sem_alloc : memref<!tpu.dma_semaphore, #tpu.memory_space<semaphore_mem>>
      %dma_start3A = arith.constant 0 : i32
      %dma_start3A_94 = tpu.memref_slice %arg11[%add3A_77, %dma_start3A] : memref<5376x128xf32, #tpu.memory_space<vmem_shared>> -> memref<112x128xf32, #tpu.memory_space<vmem_shared>>
      %dma_start3A_95 = arith.constant 0 : i32
      %dma_start3A_96 = tpu.memref_slice %arg11[%add3A_77, %dma_start3A_95] : memref<5376x128xf32, #tpu.memory_space<vmem_shared>> -> memref<112x128xf32, #tpu.memory_space<vmem_shared>>
      tpu.enqueue_dma source(%arg10 : memref<112x128xf32, #tpu.memory_space<vmem>>) target(%dma_start3A_96 : memref<112x128xf32, #tpu.memory_space<vmem_shared>>) target_semaphore(%run_scoped3A_93 : memref<!tpu.dma_semaphore, #tpu.memory_space<semaphore_mem>>)
      %dma_wait3A = arith.constant 0 : i32
      %dma_wait3A_97 = tpu.memref_slice %arg11[%add3A_77, %dma_wait3A] : memref<5376x128xf32, #tpu.memory_space<vmem_shared>> -> memref<112x128xf32, #tpu.memory_space<vmem_shared>>
      %dma_wait3A_98 = arith.constant 0 : i32
      %dma_wait3A_99 = tpu.memref_slice %arg11[%add3A_77, %dma_wait3A_98] : memref<5376x128xf32, #tpu.memory_space<vmem_shared>> -> memref<112x128xf32, #tpu.memory_space<vmem_shared>>
      tpu.wait_dma2 semaphore(%run_scoped3A_93 : memref<!tpu.dma_semaphore, #tpu.memory_space<semaphore_mem>>) src(%arg10 : memref<112x128xf32, #tpu.memory_space<vmem>>) dst(%dma_wait3A_99 : memref<112x128xf32, #tpu.memory_space<vmem_shared>>)
      tpu.yield
    }) : () -> ()
    %barrier3A_78 = arith.constant 0 : index
    tpu.barrier barrier_id(%barrier3A_78)
    %scan3A_79 = arith.constant 0 : i32
    %scan3A_80 = arith.constant 0 : i32
    %scan3A_81 = arith.constant 40 : i32
    %scan3A_82 = arith.addi %scan3A_80, %scan3A_81 : i32
    %scan3A_83 = arith.constant 1 : i32
    %scan3A_84 = scf.for %scan3A_93 = %scan3A_80 to %scan3A_82 step %scan3A_83 iter_args(%scan3A_94 = %scan3A_79) -> (i32)  : i32 {
      %mul3A_95 = arith.constant 2 : i32
      %mul3A_96 = arith.muli %mul3A_95, %scan3A_93 : i32
      %dma_start3A = arith.constant 0 : i32
      %dma_start3A_97 = tpu.memref_slice %arg6[%mul3A_96, %dma_start3A] : memref<81x125xi32, #tpu.memory_space<vmem>> -> memref<1x125xi32, #tpu.memory_space<vmem>>
      %dma_start3A_98 = tpu.memref_squeeze %dma_start3A_97 : memref<1x125xi32, #tpu.memory_space<vmem>> -> memref<125xi32, #tpu.memory_space<vmem>>
      %dma_start3A_99 = arith.constant 0 : i32
      %dma_start3A_100 = arith.constant 0 : i32
      %dma_start3A_101 = tpu.memref_slice %arg2[%dma_start3A_99, %dma_start3A_100] : memref<10000x128xf32, #tpu.memory_space<hbm>> -> memref<10000x128xf32, #tpu.memory_space<hbm>>
      tpu.enqueue_indirect_dma source(%dma_start3A_101 : memref<10000x128xf32, #tpu.memory_space<hbm>>) target(%arg8 : memref<125x128xf32, #tpu.memory_space<vmem>>) offsets(%dma_start3A_98 : memref<125xi32, #tpu.memory_space<vmem>>) semaphore(%arg12 : memref<!tpu.dma_semaphore, #tpu.memory_space<semaphore_mem>>)
      %add3A_102 = arith.constant 1 : i32
      %add3A_103 = arith.addi %mul3A_96, %add3A_102 : i32
      %dma_start3A_104 = arith.constant 0 : i32
      %dma_start3A_105 = tpu.memref_slice %arg6[%add3A_103, %dma_start3A_104] : memref<81x125xi32, #tpu.memory_space<vmem>> -> memref<1x125xi32, #tpu.memory_space<vmem>>
      %dma_start3A_106 = tpu.memref_squeeze %dma_start3A_105 : memref<1x125xi32, #tpu.memory_space<vmem>> -> memref<125xi32, #tpu.memory_space<vmem>>
      %dma_start3A_107 = arith.constant 0 : i32
      %dma_start3A_108 = arith.constant 0 : i32
      %dma_start3A_109 = tpu.memref_slice %arg2[%dma_start3A_107, %dma_start3A_108] : memref<10000x128xf32, #tpu.memory_space<hbm>> -> memref<10000x128xf32, #tpu.memory_space<hbm>>
      tpu.enqueue_indirect_dma source(%dma_start3A_109 : memref<10000x128xf32, #tpu.memory_space<hbm>>) target(%arg9 : memref<125x128xf32, #tpu.memory_space<vmem>>) offsets(%dma_start3A_106 : memref<125xi32, #tpu.memory_space<vmem>>) semaphore(%arg13 : memref<!tpu.dma_semaphore, #tpu.memory_space<semaphore_mem>>)
      %dma_wait3A = arith.constant 0 : i32
      %dma_wait3A_110 = tpu.memref_slice %arg6[%mul3A_96, %dma_wait3A] : memref<81x125xi32, #tpu.memory_space<vmem>> -> memref<1x125xi32, #tpu.memory_space<vmem>>
      %dma_wait3A_111 = tpu.memref_squeeze %dma_wait3A_110 : memref<1x125xi32, #tpu.memory_space<vmem>> -> memref<125xi32, #tpu.memory_space<vmem>>
      %dma_wait3A_112 = arith.constant 0 : i32
      %dma_wait3A_113 = arith.constant 0 : i32
      %dma_wait3A_114 = tpu.memref_slice %arg2[%dma_wait3A_112, %dma_wait3A_113] : memref<10000x128xf32, #tpu.memory_space<hbm>> -> memref<10000x128xf32, #tpu.memory_space<hbm>>
      tpu.wait_indirect_dma semaphore(%arg12 : memref<!tpu.dma_semaphore, #tpu.memory_space<semaphore_mem>>) src(%dma_wait3A_114 : memref<10000x128xf32, #tpu.memory_space<hbm>>) dst(%arg8 : memref<125x128xf32, #tpu.memory_space<vmem>>)
      %run_scoped3A_115 = arith.constant 1 : i32
      "tpu.region"() ({
        %run_scoped3A_126 = tpu.sem_alloc : memref<!tpu.dma_semaphore, #tpu.memory_space<semaphore_mem>>
        %dma_start3A_127 = arith.constant 0 : i32
        %dma_start3A_128 = tpu.memref_slice %arg7[%run_scoped3A_115, %mul3A_96, %dma_start3A_127] : memref<2x80x125xi32, #tpu.memory_space<vmem>> -> memref<1x1x125xi32, #tpu.memory_space<vmem>>
        %dma_start3A_129 = tpu.memref_squeeze %dma_start3A_128 : memref<1x1x125xi32, #tpu.memory_space<vmem>> -> memref<125xi32, #tpu.memory_space<vmem>>
        %dma_start3A_130 = arith.constant 0 : i32
        %dma_start3A_131 = arith.constant 0 : i32
        %dma_start3A_132 = tpu.memref_slice %arg11[%dma_start3A_130, %dma_start3A_131] : memref<5376x128xf32, #tpu.memory_space<vmem_shared>> -> memref<5376x128xf32, #tpu.memory_space<vmem_shared>>
        tpu.enqueue_indirect_dma source(%arg8 : memref<125x128xf32, #tpu.memory_space<vmem>>) target(%dma_start3A_132 : memref<5376x128xf32, #tpu.memory_space<vmem_shared>>) offsets(%dma_start3A_129 : memref<125xi32, #tpu.memory_space<vmem>>) semaphore(%run_scoped3A_126 : memref<!tpu.dma_semaphore, #tpu.memory_space<semaphore_mem>>) {add = true}
        %dma_wait3A_133 = arith.constant 0 : i32
        %dma_wait3A_134 = tpu.memref_slice %arg7[%run_scoped3A_115, %mul3A_96, %dma_wait3A_133] : memref<2x80x125xi32, #tpu.memory_space<vmem>> -> memref<1x1x125xi32, #tpu.memory_space<vmem>>
        %dma_wait3A_135 = tpu.memref_squeeze %dma_wait3A_134 : memref<1x1x125xi32, #tpu.memory_space<vmem>> -> memref<125xi32, #tpu.memory_space<vmem>>
        %dma_wait3A_136 = arith.constant 0 : i32
        %dma_wait3A_137 = arith.constant 0 : i32
        %dma_wait3A_138 = tpu.memref_slice %arg11[%dma_wait3A_136, %dma_wait3A_137] : memref<5376x128xf32, #tpu.memory_space<vmem_shared>> -> memref<5376x128xf32, #tpu.memory_space<vmem_shared>>
        tpu.wait_indirect_dma semaphore(%run_scoped3A_126 : memref<!tpu.dma_semaphore, #tpu.memory_space<semaphore_mem>>) src(%arg8 : memref<125x128xf32, #tpu.memory_space<vmem>>) dst(%dma_wait3A_138 : memref<5376x128xf32, #tpu.memory_space<vmem_shared>>)
        tpu.yield
      }) : () -> ()
      %dma_wait3A_116 = arith.constant 0 : i32
      %dma_wait3A_117 = tpu.memref_slice %arg6[%add3A_103, %dma_wait3A_116] : memref<81x125xi32, #tpu.memory_space<vmem>> -> memref<1x125xi32, #tpu.memory_space<vmem>>
      %dma_wait3A_118 = tpu.memref_squeeze %dma_wait3A_117 : memref<1x125xi32, #tpu.memory_space<vmem>> -> memref<125xi32, #tpu.memory_space<vmem>>
      %dma_wait3A_119 = arith.constant 0 : i32
      %dma_wait3A_120 = arith.constant 0 : i32
      %dma_wait3A_121 = tpu.memref_slice %arg2[%dma_wait3A_119, %dma_wait3A_120] : memref<10000x128xf32, #tpu.memory_space<hbm>> -> memref<10000x128xf32, #tpu.memory_space<hbm>>
      tpu.wait_indirect_dma semaphore(%arg13 : memref<!tpu.dma_semaphore, #tpu.memory_space<semaphore_mem>>) src(%dma_wait3A_121 : memref<10000x128xf32, #tpu.memory_space<hbm>>) dst(%arg9 : memref<125x128xf32, #tpu.memory_space<vmem>>)
      %add3A_122 = arith.constant 1 : i32
      %add3A_123 = arith.addi %mul3A_96, %add3A_122 : i32
      %run_scoped3A_124 = arith.constant 1 : i32
      "tpu.region"() ({
        %run_scoped3A_126 = tpu.sem_alloc : memref<!tpu.dma_semaphore, #tpu.memory_space<semaphore_mem>>
        %dma_start3A_127 = arith.constant 0 : i32
        %dma_start3A_128 = tpu.memref_slice %arg7[%run_scoped3A_124, %add3A_123, %dma_start3A_127] : memref<2x80x125xi32, #tpu.memory_space<vmem>> -> memref<1x1x125xi32, #tpu.memory_space<vmem>>
        %dma_start3A_129 = tpu.memref_squeeze %dma_start3A_128 : memref<1x1x125xi32, #tpu.memory_space<vmem>> -> memref<125xi32, #tpu.memory_space<vmem>>
        %dma_start3A_130 = arith.constant 0 : i32
        %dma_start3A_131 = arith.constant 0 : i32
        %dma_start3A_132 = tpu.memref_slice %arg11[%dma_start3A_130, %dma_start3A_131] : memref<5376x128xf32, #tpu.memory_space<vmem_shared>> -> memref<5376x128xf32, #tpu.memory_space<vmem_shared>>
        tpu.enqueue_indirect_dma source(%arg9 : memref<125x128xf32, #tpu.memory_space<vmem>>) target(%dma_start3A_132 : memref<5376x128xf32, #tpu.memory_space<vmem_shared>>) offsets(%dma_start3A_129 : memref<125xi32, #tpu.memory_space<vmem>>) semaphore(%run_scoped3A_126 : memref<!tpu.dma_semaphore, #tpu.memory_space<semaphore_mem>>) {add = true}
        %dma_wait3A_133 = arith.constant 0 : i32
        %dma_wait3A_134 = tpu.memref_slice %arg7[%run_scoped3A_124, %add3A_123, %dma_wait3A_133] : memref<2x80x125xi32, #tpu.memory_space<vmem>> -> memref<1x1x125xi32, #tpu.memory_space<vmem>>
        %dma_wait3A_135 = tpu.memref_squeeze %dma_wait3A_134 : memref<1x1x125xi32, #tpu.memory_space<vmem>> -> memref<125xi32, #tpu.memory_space<vmem>>
        %dma_wait3A_136 = arith.constant 0 : i32
        %dma_wait3A_137 = arith.constant 0 : i32
        %dma_wait3A_138 = tpu.memref_slice %arg11[%dma_wait3A_136, %dma_wait3A_137] : memref<5376x128xf32, #tpu.memory_space<vmem_shared>> -> memref<5376x128xf32, #tpu.memory_space<vmem_shared>>
        tpu.wait_indirect_dma semaphore(%run_scoped3A_126 : memref<!tpu.dma_semaphore, #tpu.memory_space<semaphore_mem>>) src(%arg9 : memref<125x128xf32, #tpu.memory_space<vmem>>) dst(%dma_wait3A_138 : memref<5376x128xf32, #tpu.memory_space<vmem_shared>>)
        tpu.yield
      }) : () -> ()
      %scan3A_125 = arith.constant 0 : i32
      scf.yield %scan3A_125 : i32
    }
    %scan3A_85 = arith.constant 40 : i32
    %barrier3A_86 = arith.constant 0 : index
    tpu.barrier barrier_id(%barrier3A_86)
    %mul3A_87 = arith.constant 320 : i32
    %mul3A_88 = arith.muli %arg1, %mul3A_87 : i32
    %mul3A_89 = arith.constant 320 : i32
    %mul3A_90 = arith.muli %arg1, %mul3A_89 : i32
    %run_scoped3A_91 = arith.constant 1 : i32
    "tpu.region"() ({
      %run_scoped3A_93 = tpu.sem_alloc : memref<!tpu.dma_semaphore, #tpu.memory_space<semaphore_mem>>
      %dma_start3A = arith.constant 0 : i32
      %dma_start3A_94 = tpu.memref_slice %arg5[%run_scoped3A_91, %select_n3A_65, %mul3A_90, %dma_start3A] : memref<2x2x5120x128xf32, #tpu.memory_space<hbm>> -> memref<1x1x320x128xf32, #tpu.memory_space<hbm>>
      %dma_start3A_95 = tpu.memref_squeeze %dma_start3A_94 : memref<1x1x320x128xf32, #tpu.memory_space<hbm>> -> memref<320x128xf32, #tpu.memory_space<hbm>>
      %dma_start3A_96 = arith.constant 0 : i32
      %dma_start3A_97 = tpu.memref_slice %arg11[%mul3A_88, %dma_start3A_96] : memref<5376x128xf32, #tpu.memory_space<vmem_shared>> -> memref<320x128xf32, #tpu.memory_space<vmem_shared>>
      tpu.enqueue_dma source(%dma_start3A_97 : memref<320x128xf32, #tpu.memory_space<vmem_shared>>) target(%dma_start3A_95 : memref<320x128xf32, #tpu.memory_space<hbm>>) target_semaphore(%run_scoped3A_93 : memref<!tpu.dma_semaphore, #tpu.memory_space<semaphore_mem>>)
      %dma_wait3A = arith.constant 0 : i32
      %dma_wait3A_98 = tpu.memref_slice %arg5[%run_scoped3A_91, %select_n3A_65, %mul3A_90, %dma_wait3A] : memref<2x2x5120x128xf32, #tpu.memory_space<hbm>> -> memref<1x1x320x128xf32, #tpu.memory_space<hbm>>
      %dma_wait3A_99 = tpu.memref_squeeze %dma_wait3A_98 : memref<1x1x320x128xf32, #tpu.memory_space<hbm>> -> memref<320x128xf32, #tpu.memory_space<hbm>>
      %dma_wait3A_100 = arith.constant 0 : i32
      %dma_wait3A_101 = tpu.memref_slice %arg11[%mul3A_88, %dma_wait3A_100] : memref<5376x128xf32, #tpu.memory_space<vmem_shared>> -> memref<320x128xf32, #tpu.memory_space<vmem_shared>>
      tpu.wait_dma2 semaphore(%run_scoped3A_93 : memref<!tpu.dma_semaphore, #tpu.memory_space<semaphore_mem>>) src(%dma_wait3A_101 : memref<320x128xf32, #tpu.memory_space<vmem_shared>>) dst(%dma_wait3A_99 : memref<320x128xf32, #tpu.memory_space<hbm>>)
      tpu.yield
    }) : () -> ()
    %barrier3A_92 = arith.constant 0 : index
    tpu.barrier barrier_id(%barrier3A_92)
    return
  }
}

module attributes {stable_mosaic.version = 14 : i64} {
  func.func @_dis_body(%arg0: memref<2x12288xf32, #tpu.memory_space<vmem>>, %arg1: memref<1x12288xf32, #tpu.memory_space<vmem>>) attributes {dimension_semantics = [], scalar_prefetch = 0 : i64, scratch_operands = 0 : i64, tpu.core_type = #tpu.core_type<tc>} {
    %get3A = arith.constant 0 : index
    %get3A_0 = arith.constant 0 : index
    %get3A_1 = vector.load %arg0[%get3A, %get3A_0] : memref<2x12288xf32, #tpu.memory_space<vmem>>, vector<1x12288xf32>
    %get3A_2 = arith.constant 1 : index
    %get3A_3 = arith.constant 0 : index
    %get3A_4 = vector.load %arg0[%get3A_2, %get3A_3] : memref<2x12288xf32, #tpu.memory_space<vmem>>, vector<1x12288xf32>
    %add3A = arith.addf %get3A_1, %get3A_4 : vector<1x12288xf32>
    %add3A_5 = arith.constant 1.000000e+00 : f32
    %add3A_6 = vector.broadcast %add3A_5 : f32 to vector<1x12288xf32>
    %add3A_7 = arith.addf %add3A, %add3A_6 : vector<1x12288xf32>
    %rsqrt3A = math.rsqrt %add3A_7 : vector<1x12288xf32>
    %swap3A = arith.constant 0 : index
    %swap3A_8 = arith.constant 0 : index
    %swap3A_9 = vector.load %arg1[%swap3A, %swap3A_8] : memref<1x12288xf32, #tpu.memory_space<vmem>>, vector<1x12288xf32>
    tpu.vector_store %arg1[%swap3A, %swap3A_8], %rsqrt3A {strides = array<i32>} : memref<1x12288xf32, #tpu.memory_space<vmem>>, vector<1x12288xf32>,
    return
  }
}

module attributes {stable_mosaic.version = 14 : i64} {
  func.func @_mm_body(%arg0: i32, %arg1: memref<1000x128xf32, #tpu.memory_space<vmem>>, %arg2: memref<128x128xf32, #tpu.memory_space<vmem>>, %arg3: memref<1000x1xf32, #tpu.memory_space<vmem>>, %arg4: memref<1000x128xf32, #tpu.memory_space<vmem>>) attributes {dimension_semantics = [#tpu.dimension_semantics<arbitrary>], iteration_bounds = array<i64: 10>, scalar_prefetch = 0 : i64, scratch_operands = 0 : i64, tpu.core_type = #tpu.core_type<tc>, window_params = [{transform_indices = @transform_0, window_bounds = array<i64: 1000, 128>}, {pipeline_mode = #tpu.pipeline_mode<synchronous>, transform_indices = @transform_1, window_bounds = array<i64: 128, 128>}, {transform_indices = @transform_2, window_bounds = array<i64: 1000, 1>}, {transform_indices = @transform_3, window_bounds = array<i64: 1000, 128>}]} {
    %get3A = arith.constant 0 : index
    %get3A_0 = arith.constant 0 : index
    %get3A_1 = vector.load %arg1[%get3A, %get3A_0] : memref<1000x128xf32, #tpu.memory_space<vmem>>, vector<1000x128xf32>
    %get3A_2 = arith.constant 0 : index
    %get3A_3 = arith.constant 0 : index
    %get3A_4 = vector.load %arg2[%get3A_2, %get3A_3] : memref<128x128xf32, #tpu.memory_space<vmem>>, vector<128x128xf32>
    %dot_general3A = arith.constant dense<0.000000e+00> : vector<1000x128xf32>
    %dot_general3A_5 = tpu.matmul %get3A_1, %get3A_4, %dot_general3A {dimension_numbers = #tpu.dot_dimension_numbers<[1], [0], [0], [1], [0, 0, 1, 1], [], []>, transpose_lhs_hint = false} : vector<1000x128xf32>, vector<128x128xf32>, vector<1000x128xf32> -> vector<1000x128xf32>
    %get3A_6 = arith.constant 0 : index
    %get3A_7 = arith.constant 0 : index
    %get3A_8 = vector.load %arg3[%get3A_6, %get3A_7] : memref<1000x1xf32, #tpu.memory_space<vmem>>, vector<1000x1xf32>
    %mul3A = vector.broadcast %get3A_8 : vector<1000x1xf32> to vector<1000x128xf32>
    %mul3A_9 = arith.mulf %dot_general3A_5, %mul3A : vector<1000x128xf32>
    %swap3A = arith.constant 0 : index
    %swap3A_10 = arith.constant 0 : index
    %swap3A_11 = vector.load %arg4[%swap3A, %swap3A_10] : memref<1000x128xf32, #tpu.memory_space<vmem>>, vector<1000x128xf32>
    tpu.vector_store %arg4[%swap3A, %swap3A_10], %mul3A_9 {strides = array<i32>} : memref<1000x128xf32, #tpu.memory_space<vmem>>, vector<1000x128xf32>,
    return
  }
  func.func @transform_0(%arg0: i32) -> (i32, i32) {
    %c0_i32 = arith.constant 0 : i32
    %c0_i32_0 = arith.constant 0 : i32
    return %arg0, %c0_i32 : i32, i32
  }
  func.func @transform_1(%arg0: i32) -> (i32, i32) {
    %c0_i32 = arith.constant 0 : i32
    %c0_i32_0 = arith.constant 0 : i32
    %c0_i32_1 = arith.constant 0 : i32
    return %c0_i32, %c0_i32_0 : i32, i32
  }
  func.func @transform_2(%arg0: i32) -> (i32, i32) {
    %c0_i32 = arith.constant 0 : i32
    %c0_i32_0 = arith.constant 0 : i32
    return %arg0, %c0_i32 : i32, i32
  }
  func.func @transform_3(%arg0: i32) -> (i32, i32) {
    %c0_i32 = arith.constant 0 : i32
    %c0_i32_0 = arith.constant 0 : i32
    return %arg0, %c0_i32 : i32, i32
  }
}

module attributes {stable_mosaic.version = 14 : i64} {
  func.func @_mid_body(%arg0: i32, %arg1: memref<1000x128xf32, #tpu.memory_space<vmem>>, %arg2: memref<1000x128xf32, #tpu.memory_space<vmem>>, %arg3: memref<1000x128xf32, #tpu.memory_space<vmem>>, %arg4: memref<1000x1xf32, #tpu.memory_space<vmem>>, %arg5: memref<1x128xf32, #tpu.memory_space<vmem>>, %arg6: memref<128x128xf32, #tpu.memory_space<vmem>>, %arg7: memref<1000x128xf32, #tpu.memory_space<vmem>>) attributes {dimension_semantics = [#tpu.dimension_semantics<arbitrary>], iteration_bounds = array<i64: 10>, scalar_prefetch = 0 : i64, scratch_operands = 0 : i64, tpu.core_type = #tpu.core_type<tc>, window_params = [{transform_indices = @transform_0, window_bounds = array<i64: 1000, 128>}, {transform_indices = @transform_1, window_bounds = array<i64: 1000, 128>}, {transform_indices = @transform_2, window_bounds = array<i64: 1000, 128>}, {transform_indices = @transform_3, window_bounds = array<i64: 1000, 1>}, {pipeline_mode = #tpu.pipeline_mode<synchronous>, transform_indices = @transform_4, window_bounds = array<i64: 1, 128>}, {pipeline_mode = #tpu.pipeline_mode<synchronous>, transform_indices = @transform_5, window_bounds = array<i64: 128, 128>}, {transform_indices = @transform_6, window_bounds = array<i64: 1000, 128>}]} {
    %get3A = arith.constant 0 : index
    %get3A_0 = arith.constant 0 : index
    %get3A_1 = vector.load %arg1[%get3A, %get3A_0] : memref<1000x128xf32, #tpu.memory_space<vmem>>, vector<1000x128xf32>
    %get3A_2 = arith.constant 0 : index
    %get3A_3 = arith.constant 0 : index
    %get3A_4 = vector.load %arg2[%get3A_2, %get3A_3] : memref<1000x128xf32, #tpu.memory_space<vmem>>, vector<1000x128xf32>
    %add3A = arith.addf %get3A_1, %get3A_4 : vector<1000x128xf32>
    %get3A_5 = arith.constant 0 : index
    %get3A_6 = arith.constant 0 : index
    %get3A_7 = vector.load %arg3[%get3A_5, %get3A_6] : memref<1000x128xf32, #tpu.memory_space<vmem>>, vector<1000x128xf32>
    %add3A_8 = arith.addf %add3A, %get3A_7 : vector<1000x128xf32>
    %get3A_9 = arith.constant 0 : index
    %get3A_10 = arith.constant 0 : index
    %get3A_11 = vector.load %arg4[%get3A_9, %get3A_10] : memref<1000x1xf32, #tpu.memory_space<vmem>>, vector<1000x1xf32>
    %mul3A = vector.broadcast %get3A_11 : vector<1000x1xf32> to vector<1000x128xf32>
    %mul3A_12 = arith.mulf %add3A_8, %mul3A : vector<1000x128xf32>
    %get3A_13 = arith.constant 0 : index
    %get3A_14 = arith.constant 0 : index
    %get3A_15 = vector.load %arg5[%get3A_13, %get3A_14] : memref<1x128xf32, #tpu.memory_space<vmem>>, vector<1x128xf32>
    %add3A_16 = vector.broadcast %get3A_15 : vector<1x128xf32> to vector<1000x128xf32>
    %add3A_17 = arith.addf %mul3A_12, %add3A_16 : vector<1000x128xf32>
    %max3A = arith.constant 0.000000e+00 : f32
    %max3A_18 = vector.broadcast %max3A : f32 to vector<1000x128xf32>
    %max3A_19 = arith.maximumf %add3A_17, %max3A_18 : vector<1000x128xf32>
    %get3A_20 = arith.constant 0 : index
    %get3A_21 = arith.constant 0 : index
    %get3A_22 = vector.load %arg6[%get3A_20, %get3A_21] : memref<128x128xf32, #tpu.memory_space<vmem>>, vector<128x128xf32>
    %dot_general3A = arith.constant dense<0.000000e+00> : vector<1000x128xf32>
    %dot_general3A_23 = tpu.matmul %max3A_19, %get3A_22, %dot_general3A {dimension_numbers = #tpu.dot_dimension_numbers<[1], [0], [0], [1], [0, 0, 1, 1], [], []>, transpose_lhs_hint = false} : vector<1000x128xf32>, vector<128x128xf32>, vector<1000x128xf32> -> vector<1000x128xf32>
    %get3A_24 = arith.constant 0 : index
    %get3A_25 = arith.constant 0 : index
    %get3A_26 = vector.load %arg4[%get3A_24, %get3A_25] : memref<1000x1xf32, #tpu.memory_space<vmem>>, vector<1000x1xf32>
    %mul3A_27 = vector.broadcast %get3A_26 : vector<1000x1xf32> to vector<1000x128xf32>
    %mul3A_28 = arith.mulf %dot_general3A_23, %mul3A_27 : vector<1000x128xf32>
    %swap3A = arith.constant 0 : index
    %swap3A_29 = arith.constant 0 : index
    %swap3A_30 = vector.load %arg7[%swap3A, %swap3A_29] : memref<1000x128xf32, #tpu.memory_space<vmem>>, vector<1000x128xf32>
    tpu.vector_store %arg7[%swap3A, %swap3A_29], %mul3A_28 {strides = array<i32>} : memref<1000x128xf32, #tpu.memory_space<vmem>>, vector<1000x128xf32>,
    return
  }
  func.func @transform_0(%arg0: i32) -> (i32, i32) {
    %c0_i32 = arith.constant 0 : i32
    %c0_i32_0 = arith.constant 0 : i32
    return %arg0, %c0_i32 : i32, i32
  }
  func.func @transform_1(%arg0: i32) -> (i32, i32) {
    %c0_i32 = arith.constant 0 : i32
    %c0_i32_0 = arith.constant 0 : i32
    return %arg0, %c0_i32 : i32, i32
  }
  func.func @transform_2(%arg0: i32) -> (i32, i32) {
    %c0_i32 = arith.constant 0 : i32
    %c0_i32_0 = arith.constant 0 : i32
    return %arg0, %c0_i32 : i32, i32
  }
  func.func @transform_3(%arg0: i32) -> (i32, i32) {
    %c0_i32 = arith.constant 0 : i32
    %c0_i32_0 = arith.constant 0 : i32
    return %arg0, %c0_i32 : i32, i32
  }
  func.func @transform_4(%arg0: i32) -> (i32, i32) {
    %c0_i32 = arith.constant 0 : i32
    %c0_i32_0 = arith.constant 0 : i32
    %c0_i32_1 = arith.constant 0 : i32
    return %c0_i32, %c0_i32_0 : i32, i32
  }
  func.func @transform_5(%arg0: i32) -> (i32, i32) {
    %c0_i32 = arith.constant 0 : i32
    %c0_i32_0 = arith.constant 0 : i32
    %c0_i32_1 = arith.constant 0 : i32
    return %c0_i32, %c0_i32_0 : i32, i32
  }
  func.func @transform_6(%arg0: i32) -> (i32, i32) {
    %c0_i32 = arith.constant 0 : i32
    %c0_i32_0 = arith.constant 0 : i32
    return %arg0, %c0_i32 : i32, i32
  }
}

module attributes {stable_mosaic.version = 14 : i64} {
  func.func @_out_body(%arg0: i32, %arg1: memref<1000x128xf32, #tpu.memory_space<vmem>>, %arg2: memref<1000x128xf32, #tpu.memory_space<vmem>>, %arg3: memref<1000x128xf32, #tpu.memory_space<vmem>>, %arg4: memref<1000x1xf32, #tpu.memory_space<vmem>>, %arg5: memref<1x128xf32, #tpu.memory_space<vmem>>, %arg6: memref<1000x128xf32, #tpu.memory_space<vmem>>) attributes {dimension_semantics = [#tpu.dimension_semantics<arbitrary>], iteration_bounds = array<i64: 10>, scalar_prefetch = 0 : i64, scratch_operands = 0 : i64, tpu.core_type = #tpu.core_type<tc>, window_params = [{transform_indices = @transform_0, window_bounds = array<i64: 1000, 128>}, {transform_indices = @transform_1, window_bounds = array<i64: 1000, 128>}, {transform_indices = @transform_2, window_bounds = array<i64: 1000, 128>}, {transform_indices = @transform_3, window_bounds = array<i64: 1000, 1>}, {pipeline_mode = #tpu.pipeline_mode<synchronous>, transform_indices = @transform_4, window_bounds = array<i64: 1, 128>}, {transform_indices = @transform_5, window_bounds = array<i64: 1000, 128>}]} {
    %get3A = arith.constant 0 : index
    %get3A_0 = arith.constant 0 : index
    %get3A_1 = vector.load %arg1[%get3A, %get3A_0] : memref<1000x128xf32, #tpu.memory_space<vmem>>, vector<1000x128xf32>
    %get3A_2 = arith.constant 0 : index
    %get3A_3 = arith.constant 0 : index
    %get3A_4 = vector.load %arg2[%get3A_2, %get3A_3] : memref<1000x128xf32, #tpu.memory_space<vmem>>, vector<1000x128xf32>
    %add3A = arith.addf %get3A_1, %get3A_4 : vector<1000x128xf32>
    %get3A_5 = arith.constant 0 : index
    %get3A_6 = arith.constant 0 : index
    %get3A_7 = vector.load %arg3[%get3A_5, %get3A_6] : memref<1000x128xf32, #tpu.memory_space<vmem>>, vector<1000x128xf32>
    %add3A_8 = arith.addf %add3A, %get3A_7 : vector<1000x128xf32>
    %get3A_9 = arith.constant 0 : index
    %get3A_10 = arith.constant 0 : index
    %get3A_11 = vector.load %arg4[%get3A_9, %get3A_10] : memref<1000x1xf32, #tpu.memory_space<vmem>>, vector<1000x1xf32>
    %mul3A = vector.broadcast %get3A_11 : vector<1000x1xf32> to vector<1000x128xf32>
    %mul3A_12 = arith.mulf %add3A_8, %mul3A : vector<1000x128xf32>
    %get3A_13 = arith.constant 0 : index
    %get3A_14 = arith.constant 0 : index
    %get3A_15 = vector.load %arg5[%get3A_13, %get3A_14] : memref<1x128xf32, #tpu.memory_space<vmem>>, vector<1x128xf32>
    %add3A_16 = vector.broadcast %get3A_15 : vector<1x128xf32> to vector<1000x128xf32>
    %add3A_17 = arith.addf %mul3A_12, %add3A_16 : vector<1000x128xf32>
    %swap3A = arith.constant 0 : index
    %swap3A_18 = arith.constant 0 : index
    %swap3A_19 = vector.load %arg6[%swap3A, %swap3A_18] : memref<1000x128xf32, #tpu.memory_space<vmem>>, vector<1000x128xf32>
    tpu.vector_store %arg6[%swap3A, %swap3A_18], %add3A_17 {strides = array<i32>} : memref<1000x128xf32, #tpu.memory_space<vmem>>, vector<1000x128xf32>,
    return
  }
  func.func @transform_0(%arg0: i32) -> (i32, i32) {
    %c0_i32 = arith.constant 0 : i32
    %c0_i32_0 = arith.constant 0 : i32
    return %arg0, %c0_i32 : i32, i32
  }
  func.func @transform_1(%arg0: i32) -> (i32, i32) {
    %c0_i32 = arith.constant 0 : i32
    %c0_i32_0 = arith.constant 0 : i32
    return %arg0, %c0_i32 : i32, i32
  }
  func.func @transform_2(%arg0: i32) -> (i32, i32) {
    %c0_i32 = arith.constant 0 : i32
    %c0_i32_0 = arith.constant 0 : i32
    return %arg0, %c0_i32 : i32, i32
  }
  func.func @transform_3(%arg0: i32) -> (i32, i32) {
    %c0_i32 = arith.constant 0 : i32
    %c0_i32_0 = arith.constant 0 : i32
    return %arg0, %c0_i32 : i32, i32
  }
  func.func @transform_4(%arg0: i32) -> (i32, i32) {
    %c0_i32 = arith.constant 0 : i32
    %c0_i32_0 = arith.constant 0 : i32
    %c0_i32_1 = arith.constant 0 : i32
    return %c0_i32, %c0_i32_0 : i32, i32
  }
  func.func @transform_5(%arg0: i32) -> (i32, i32) {
    %c0_i32 = arith.constant 0 : i32
    %c0_i32_0 = arith.constant 0 : i32
    return %arg0, %c0_i32 : i32, i32
  }
}

</mosaic_0001>

<sc_bundles>
// kernel: kernel.12.cloned.1.call-start
scs
__scs_entry_jumppad:
0x0: {  	(pc) =	sbr.rel $0x88, $3  }
0x1: {  	(tag) =	ssettag $0x0;
	lr =	simm.s32 $0x1  }
0x2: {  	[smem:$0x3F9B] =	sst lr;
	_ =	strace $0xD0000000  }
0x3: {  	_ = 	snop  }
0x4: {  	_ = 	snop  }
0x5: {  	_ = 	snop  }
0x6: {  	_ = 	snop  }
0x7: {  	_ = 	snop  }
__scs_overlays_trampoline_lowered:
0x8: {  	[smem:$0x3FAA] =	sst s0  }
0x9: {  	[smem:$0x3FAB] =	sst s1  }
0xa: {  	[smem:$0x3FAC] =	sst s2  }
0xb: {  	[smem:$0x3FAD] =	sst s3  }
0xc: {  	[smem:$0x3FAE] =	sst s4  }
0xd: {  	[smem:$0x3FAF] =	sst s5  }
0xe: {  	[smem:$0x3FB0] =	sst s6  }
0xf: {  	[smem:$0x3FB1] =	sst s7  }
0x10: {  	[smem:$0x3FB2] =	sst s8  }
0x11: {  	[smem:$0x3FB3] =	sst s9;
	s0 =	simm.s32 @!p0 $0x0  }
0x12: {  	s1 =	sld [smem:$0x3F99];
	s0 =	simm.s32 @p0 $0x1  }
0x13: {  	[smem:$0x3FB4] =	sst s0;
	s0 =	simm.s32 @!p1 $0x0  }
0x14: {  	s2 =	sld [smem:$0x3F98];
	s0 =	simm.s32 @p1 $0x1  }
0x15: {  	[smem:$0x3FB5] =	sst s0;
	s0 =	simm.s32 @!p2 $0x0  }
0x16: {  	s3 =	sld [smem:$0x3FDB];
	s0 =	simm.s32 @p2 $0x1  }
0x17: {  	s4 =	simm.s32 $0x1BF5;
	[smem:$0x3FB7] =	sst s0  }
0x18: {  	s0 =	sld [smem:$0x3F9A];
	_ =	swait.ge [sflag:s4], $0x0  }
0x19: {  	s7 =	sld [smem:$0x3F9B]  }
0x1a: {  	s8 =	sadd.s32 $0xFFFFE003, lr  }
0x1b: {  	s9 =	sadd.s32 $0xFFFFFEF7, lr;
	s5 =	simm.s32 $0xFFFFFFFF;
	p2 =	slt.u32 s8, $0xFFFFF086  }
0x1c: {  	p1 =	slt.u32 s9, $0xF7A;
	s5 =	simm.s32 @!p2 $0x0  }
0x1d: {  	s5 =	simm.s32 @p1 $0x1;
	p0 =	seq.s32 s7, s2  }
0x1e: {  	s7 =	smul.u32 @!p0 $0xF7A, s2;
	p2 =	seq.s32 @!p0 s5, $0x0  }
0x1f: {  	s9 =	smul.u32 $0xF7A, s1;
	s8 =	simm.s32 @!p0 $0x1BF5;
	p2 =	por !p2, p0  }
0x20: {  	[sflag:s8] =	ssyncset.s32 @!p0 $0xFFFFF086;
	s6 =	sadd.s32 @!p0 s3, s7;
	s7 =	simm.s32 @!p0 $0x108  }
0x21: {  	s3 =	sadd.s32 s3, s9;
	s6 =	sadd.s32 @!p0 $0x88, s6;
	s7 =	simm.s32 @p2 $0x1082  }
0x22: {  	[simem:s7], [sflag:s8] =	dma.local @!p0 [hbm:s6], $0xF7A  }
0x23: {  	s9 =	sor.u32 $0xD0000000, s2;
	s6 =	simm.s32 $0x108;
	_ =	swait.ge @!p0 [sflag:s8], $0x0  }
0x24: {  	s3 =	sadd.s32 $0x88, s3;
	s6 =	simm.s32 @!p1 $0x1082;
	[sflag:s4] =	ssyncset.s32 $0xFFFFF086  }
0x25: {  	[simem:s6], [sflag:s4] =	dma.local [hbm:s3], $0xF7A  }
0x26: {  	[smem:$0x3F9B] =	sst s1;
	(tag) =	ssettag s2;
	_ =	strace s9  }
0x27: {  	s1 =	sld [smem:$0x3FAB]  }
0x28: {  	s2 =	sld [smem:$0x3FAC]  }
0x29: {  	s4 =	sld [smem:$0x3FAE]  }
0x2a: {  	p0 =	seq.s32 s5, $0x0;
	s5 =	sld [smem:$0x3FAF]  }
0x2b: {  	s6 =	sld [smem:$0x3FB0]  }
0x2c: {  	s7 =	sld [smem:$0x3FB1]  }
0x2d: {  	s3 =	simm.s32 $0x108;
	s8 =	sld [smem:$0x3FB2]  }
0x2e: {  	s3 =	simm.s32 @!p0 $0x1082;
	s9 =	sld [smem:$0x3FB3]  }
0x2f: {  	lr =	sadd.s32 s0, s3;
	s0 =	sld [smem:$0x3FAA]  }
0x30: {  	s3 =	sld [smem:$0x3FAD]  }
0x31: {  	[smem:$0x3FB6] =	sst s10  }
0x32: {  	s10 =	sld [smem:$0x3FB4];
	_ =	sdelay $0x3  }
0x33: {  	p0 =	seq.s32 s10, $0x1;
	s10 =	sld [smem:$0x3FB6];
	_ =	sdelay $0x3  }
0x34: {  	[smem:$0x3FB6] =	sst s10  }
0x35: {  	s10 =	sld [smem:$0x3FB5];
	_ =	sdelay $0x3  }
0x36: {  	p1 =	seq.s32 s10, $0x1;
	s10 =	sld [smem:$0x3FB6];
	_ =	sdelay $0x3  }
0x37: {  	[smem:$0x3FB6] =	sst s10  }
0x38: {  	s10 =	sld [smem:$0x3FB7]  }
0x39: {  	_ = 	snop;
	(pc) =	sbr.ind lr, $3  }
0x3a: {  	_ = 	snop  }
0x3b: {  	_ = 	snop  }
0x3c: {  	p2 =	seq.s32 s10, $0x1;
	s10 =	sld [smem:$0x3FB6]  }
0x3d: {  	_ =	shalt  }
0x3e: {  	_ =	shalt  }
0x3f: {  	_ =	shalt  }
0x40: {  	_ =	shalt  }
0x41: {  	_ =	shalt  }
0x42: {  	_ =	shalt  }
0x43: {  	_ =	shalt  }
0x44: {  	_ =	shalt  }
0x45: {  	_ =	shalt  }
0x46: {  	_ =	shalt  }
0x47: {  	_ =	shalt  }
0x48: {  	_ =	shalt  }
0x49: {  	_ =	shalt  }
0x4a: {  	_ =	shalt  }
0x4b: {  	_ =	shalt  }
0x4c: {  	_ =	shalt  }
0x4d: {  	_ =	shalt  }
0x4e: {  	_ =	shalt  }
0x4f: {  	_ =	shalt  }
0x50: {  	_ =	shalt  }
0x51: {  	_ =	shalt  }
0x52: {  	_ =	shalt  }
0x53: {  	_ =	shalt  }
0x54: {  	_ =	shalt  }
0x55: {  	_ =	shalt  }
0x56: {  	_ =	shalt  }
0x57: {  	_ =	shalt  }
0x58: {  	_ =	shalt  }
0x59: {  	_ =	shalt  }
0x5a: {  	_ =	shalt  }
0x5b: {  	_ =	shalt  }
0x5c: {  	_ =	shalt  }
0x5d: {  	_ =	shalt  }
0x5e: {  	_ =	shalt  }
0x5f: {  	_ =	shalt  }
0x60: {  	_ =	shalt  }
0x61: {  	_ =	shalt  }
0x62: {  	_ =	shalt  }
0x63: {  	_ =	shalt  }
0x64: {  	_ =	shalt  }
0x65: {  	_ =	shalt  }
0x66: {  	_ =	shalt  }
0x67: {  	_ =	shalt  }
0x68: {  	_ =	shalt  }
0x69: {  	_ =	shalt  }
0x6a: {  	_ =	shalt  }
0x6b: {  	_ =	shalt  }
0x6c: {  	_ =	shalt  }
0x6d: {  	_ =	shalt  }
0x6e: {  	_ =	shalt  }
0x6f: {  	_ =	shalt  }
0x70: {  	_ =	shalt  }
0x71: {  	_ =	shalt  }
0x72: {  	_ =	shalt  }
0x73: {  	_ =	shalt  }
0x74: {  	_ =	shalt  }
0x75: {  	_ =	shalt  }
0x76: {  	_ =	shalt  }
0x77: {  	_ =	shalt  }
0x78: {  	_ =	shalt  }
0x79: {  	_ =	shalt  }
0x7a: {  	_ =	shalt  }
0x7b: {  	_ =	shalt  }
0x7c: {  	_ =	shalt  }
0x7d: {  	_ =	shalt  }
0x7e: {  	_ =	shalt  }
0x7f: {  	_ =	shalt  }
0x80: {  	_ =	shalt  }
0x81: {  	_ =	shalt  }
0x82: {  	_ =	shalt  }
0x83: {  	_ =	shalt  }
0x84: {  	_ =	shalt  }
0x85: {  	_ =	shalt  }
0x86: {  	_ =	shalt  }
0x87: {  	_ =	shalt  }
.Lfunc_end0:
.L_simem_size_0:
called_computation.1_lowered:
.L_overlay_start_0:
0x88: {  	s2 =	sld [smem:$0x3FD9]  }
0x89: {  	s3 =	sld [smem:$0x3FFE];
	_ =	sdelay $0x1  }
0x8a: {  	s1 =	srdreg.scid  }
0x8b: {  	s0 =	sand.u32 $0x1, s1  }
0x8c: {  	s17 =	sshll.u32 s0, $0xA;
	s2 =	sadd.s32 s3, s2  }
0x8d: {  	s2 =	sadd.s32 s2, s17  }
0x8e: {  	[smem:$0x3FC2] =	sst s2  }
0x8f: {  	_ = 	snop  }
0x90: {  	s2 =	sld [smem:$0x3FD0];
	(tm) =	ssettm $0x1  }
0x91: {  	s18 =	sld [smem:$0x3FFB];
	_ =	sdelay $0x3  }
0x92: {  	_ =	strace s18  }
0x93: {  	s3 =	sld [smem:$0x3FFC];
	_ =	sdelay $0x3  }
0x94: {  	_ =	strace s3  }
0x95: {  	s3 =	sld [smem:$0x3FFD];
	_ =	sdelay $0x3  }
0x96: {  	_ =	strace s3  }
0x97: {  	_ =	strace $0x8FFFFFFF  }
0x98: {  	s19 =	sld [smem:$0x3FDB];
	_ =	sdelay $0x1  }
0x99: {  	s4 =	simm.s32 $_scs_section_size  }
0x9a: {  	s5 =	simm.s32 $_size__tile_overlayer_lowered;
	s6 =	simm.s32 $_tile_overlayer_lowered  }
0x9b: {  	s22 =	simm.s32 $0x1BFF;
	s21 =	sshll.u32 s6, $0x1;
	s3 =	sadd.s32 s4, s19  }
0x9c: {  	s7 =	simm.s32 $0x0;
	s20 =	sshll.u32 s5, $0x1;
	s5 =	sadd.s32 s21, s3  }
0x9d: {  	[timem:s7], [sflag:s22] =	dma.local [hbm:s5], s20  }
0x9e: {  	_ =	swait.ge [sflag:s22], s20  }
0x9f: {  	s4 =	ssub.s32 $0x0, s20;
	[sflag:s22] =	ssyncset.done $0x0  }
0xa0: {  	[sflag:s22] =	ssyncadd.s32 s4;
	_ =	sdelay $0x1  }
0xa1: {  	s23 =	simm.s32 $0x1B8B  }
0xa2: {  	_ =	swait.ge [sflag:s23], $0x1  }
0xa3: {  	[sflag:s23] =	ssyncset.done $0x0  }
0xa4: {  	s25 =	simm.s32 $0x1B8E;
	s24 =	sld [smem:$0x3FFE];
	[sflag:s23] =	ssyncadd.s32 $0xFFFFFFFF  }
0xa5: {  	s26 =	simm.s32 $execute0_lowered;
	[smem:$0x3FD2] =	sst s25  }
0xa6: {  	s5 =	sshll.u32 s26, $0x1;
	_ =	strace $0x80000049;
	[dreg:$0x1] =	wrdreg $0xFFFFFFFF  }
0xa7: {  	s28 =	simm.s32 $_size_execute0_lowered;
	s3 =	sadd.s32 s3, s5;
	[dreg:$0x0] =	wrdreg $0x0  }
0xa8: {  	s5 =	sshll.u32 s28, $0x1;
	[dreg:$0x2] =	wrdreg s3  }
0xa9: {  	[dreg:$0x3] =	wrdreg s5  }
0xaa: {  	[dreg:$0x4] =	wrdreg $0xC0  }
0xab: {  	_ =	task [dreg:s7], $0x5FFFF  }
0xac: {  	[dreg:$0x1] =	wrdreg $0xFFFFFFFF  }
0xad: {  	[dreg:$0x0] =	wrdreg $0x60  }
0xae: {  	[dreg:$0x2] =	wrdreg s2  }
0xaf: {  	[dreg:$0x3] =	wrdreg s24  }
0xb0: {  	[dreg:$0x4] =	wrdreg $0x134000  }
0xb1: {  	[dreg:$0x5] =	wrdreg $0x9  }
0xb2: {  	_ =	task.clear_ibuf [dreg:s7], $0x6FFFF;
	_ =	strace $0x90000049  }
0xb3: {  	s29 =	simm.s32 $0x9;
	_ =	strace $0x8000004B  }
0xb4: {  	_ =	swait.ge [sflag:s29], $0x1  }
0xb5: {  	[sflag:s29] =	ssyncadd.s32 $0xFFFFFFFF  }
0xb6: {  	_ =	strace $0x9000004B  }
0xb7: {  	_ =	sfence  }
0xb8: {  	s30 =	sld [smem:$0x0];
	_ =	sdelay $0x2  }
0xb9: {  	s31 =	sshll.u32 s1, $0xD;
	s1 =	sshrl.u32 s1, $0x2  }
0xba: {  	s3 =	sand.u32 $0x4000, s31;
	s1 =	sadd.s32 s1, s30  }
0xbb: {  	s0 =	sor.u32 s3, s0;
	s1 =	sshll.u32 s1, $0x11  }
0xbc: {  	s0 =	sor.u32 s1, s0  }
0xbd: {  	s0 =	sadd.s32 $0x8F2B, s0  }
0xbe: {  	[sflag:s0] =	ssyncadd.remote.s32 $0x1  }
0xbf: {  	_ =	sfence.sel $0xFFFF  }
0xc0: {  	[dreg:$0x0] =	wrdreg $0xFFFFFFFF;
	(pc) =	sbr.abs _section_cstart, $3  }
0xc1: {  	[dreg:$0x1] =	wrdreg $0xFFFFFFFF  }
0xc2: {  	_ =	task.clear_ibuf [dreg:s7], $0x2FFFF;
	_ =	strace $0x9FFFFFFF  }
0xc3: {  	(tm) =	ssettm $0x7FFFFFFF  }
tec
execute0_lowered:
.L_overlay_start_1:
0x0: {  	(tag) =	ssettag $0x1  }
0x1: {  	s1 =	rddreg [dreg:$0x0]  }
0x2: {  	s2 =	srdreg.scid;
	s5 =	rddreg [dreg:$0x1]  }
0x3: {  	s0 =	stileid.u32;
	s3 =	rddreg [dreg:$0x2]  }
0x4: {  	s4 =	simm.s32 $0x0;
	s12 =	simm.s32 $0xA0000;
	s17 =	simm.s32 $0x5400  }
0x5: {  	s18 =	simm.s32 $0xFC00;
	s19 =	simm.s32 $0x7D;
	s20 =	simm.s32 $0x7C00  }
0x6: {  	s21 =	simm.s32 $0xBC00;
	s22 =	simm.s32 $0x1;
	s23 =	simm.s32 $0x2  }
0x7: {  	s9 =	sand.u32 $0x1, s2;
	s2 =	rddreg [dreg:$0x3];
	s11 =	smul.u32 $0x2A000, s0  }
0x8: {  	s24 =	sshll.u32 s0, $0x1;
	[smem:$0x7FF] =	sst s4;
	s28 =	smul.u32 $0xA000, s0  }
0x9: {  	s13 =	sadd.s32 $0x35600, s5;
	s16 =	smul.u32 $0x28000, s0;
	s6 =	sor.u32 s9, s24  }
0xa: {  	_ =	strace $0x8000004A;
	s8 =	ssub.s32 $0x2, s9;
	s29 =	sxor.u32 $0x1, s9  }
0xb: {  	p0 =	seq.s32 s9, $0x1;
	s24 =	simm.s32 $0x0;
	s7 =	smul.u32 $0x580, s6  }
0xc: {  	s6 =	smul.u32 $0x2800, s6;
	s25 =	sshrl.u32 s8, $0x1;
	s26 =	sshrl.u32 s11, $0x2  }
0xd: {  	s15 =	smul.u32 $0xA0000, s29;
	s12 =	simm.s32 @!p0 $0x0;
	s30 =	sshrl.u32 s16, $0x2  }
0xe: {  	s16 =	simm.s32 $0x2C00;
	s14 =	ssub.s32 s8, s25;
	s8 =	sadd.s32 s26, s3  }
0xf: {  	s12 =	sadd.s32 s28, s12;
	s7 =	sadd.s32 s7, s5;
	s6 =	sshrl.u32 s6, $0x3  }
0x10: {  	s9 =	sadd.s32 $0x3800, s8;
	s11 =	sadd.s32 s15, s28;
	s12 =	sshrl.u32 s12, $0x3  }
0x11: {  	s14 =	smax.u32 s14, $0x1;
	s15 =	simm.s32 $0x3;
	s10 =	sadd.s32 s6, s5  }
0x12: {  	s5 =	sadd.s32 $0x3400, s7;
	s31 =	sshrl.u32 s11, $0x3;
	s11 =	sadd.s32 s13, s12  }
0x13: {  	s12 =	sadd.s32 s30, s3;
	s6 =	sadd.s32 $0x516E00, s10;
	s13 =	sadd.s32 s13, s31  }
0x14: {  	v0 =	vimm.f32 $0.0e+00;
	s7 =	sadd.s32 $0x520E00, s10;
	s10 =	sadd.s32 $0x7000, s8;
	s13 =	sadd.s32 $0x28000, s13  }
.LBB2_1:
0x15: {  	[tilespmem:s4], [sflag:$0x3] =	stream.linear.gather [hbm4b:s5+s4], $0x2880, $0x38;
	[tilespmem:$0x1DC00] =	vst v63  }
0x16: {  	_ =	swait.ge [sflag:s15], $0x2880  }
0x17: {  	[sflag:s15] =	ssyncset.done $0x0  }
0x18: {  	[sflag:s15] =	ssyncadd.s32 $0xFFFFD780  }
0x19: {  	[tilespmem:s16], [sflag:$0x3] =	stream.linear.gather [hbm4b:s6+s4], $0x2800, $0x38;
	[tilespmem:$0x1DC00] =	vst v63  }
0x1a: {  	_ =	swait.ge [sflag:s15], $0x2800  }
0x1b: {  	[sflag:s15] =	ssyncset.done $0x0  }
0x1c: {  	[sflag:s15] =	ssyncadd.s32 $0xFFFFD800  }
0x1d: {  	[tilespmem:s17], [sflag:$0x3] =	stream.linear.gather [hbm4b:s7+s4], $0x2800, $0x38;
	[tilespmem:$0x1DC00] =	vst v63  }
0x1e: {  	_ =	swait.ge [sflag:s15], $0x2800  }
0x1f: {  	[sflag:s15] =	ssyncset.done $0x0  }
0x20: {  	s25 =	simm.s32 $0x0;
	s26 =	simm.s32 $0x200;
	[sflag:s15] =	ssyncadd.s32 $0xFFFFD800  }
.LBB2_2:
0x21: {  	p0 =	sne.s32 s26, $0xDE00;
	[tilespmem:s25+$0xFC70] =	vst v0  }
0x22: {  	[tilespmem:s25+$0xFC00] =	vst v0  }
0x23: {  	[tilespmem:s25+$0xFC10] =	vst v0  }
.Ltmp0:
0x24: {  	[tilespmem:s25+$0xFC20] =	vst v0;
	(pc) =	sbr.rel @p0 .LBB2_2-.Ltmp0, $4  }
0x25: {  	[tilespmem:s25+$0xFC30] =	vst v0  }
0x26: {  	[tilespmem:s25+$0xFC40] =	vst v0  }
0x27: {  	[tilespmem:s25+$0xFC50] =	vst v0  }
0x28: {  	[tilespmem:s25+$0xFC60] =	vst v0;
	s25 =	sshra.s32 s26, $0x2;
	s26 =	sadd.s32 $0x200, s26  }
0x29: {  	[tilespmem:s25+$0xFC70] =	vst v0  }
0x2a: {  	[tilespmem:s25+$0xFC00] =	vst v0  }
0x2b: {  	[tilespmem:s25+$0xFC10] =	vst v0  }
0x2c: {  	[tilespmem:s25+$0xFC20] =	vst v0  }
0x2d: {  	[tilespmem:s25+$0xFC30] =	vst v0  }
0x2e: {  	[tilespmem:s25+$0xFC40] =	vst v0  }
0x2f: {  	[tilespmem:s25+$0xFC50] =	vst v0  }
0x30: {  	[tilespmem:s25+$0xFC60] =	vst v0  }
0x31: {  	[spmem:s8] =	stream.linear.scatter [tilespmem:s18], [sflag:$0x3], $0x3800, $0x38;
	[tilespmem:$0x1DC00] =	vst v63  }
0x32: {  	_ =	swait.ge [sflag:s15], $0x3800  }
0x33: {  	[sflag:s15] =	ssyncset.done $0x0  }
0x34: {  	[sflag:s15] =	ssyncadd.s32 $0xFFFFC800  }
0x35: {  	[spmem:s9] =	stream.linear.scatter [tilespmem:s18], [sflag:$0x3], $0x3800, $0x38;
	[tilespmem:$0x1DC00] =	vst v63  }
0x36: {  	_ =	swait.ge [sflag:s15], $0x3800  }
0x37: {  	[sflag:s15] =	ssyncset.done $0x0  }
0x38: {  	[sflag:s15] =	ssyncadd.s32 $0xFFFFC800  }
0x39: {  	[spmem:s10] =	stream.linear.scatter [tilespmem:s18], [sflag:$0x3], $0x3800, $0x38;
	[tilespmem:$0x1DC00] =	vst v63  }
0x3a: {  	_ =	swait.ge [sflag:s15], $0x3800  }
0x3b: {  	[sflag:s15] =	ssyncset.done $0x0  }
0x3c: {  	[sflag:s15] =	ssyncadd.s32 $0xFFFFC800  }
0x3d: {  	s28 =	simm.s32 $0x0;
	[bflag:$0x0] =	sbarrier.arrive $0xFFFF  }
0x3e: {  	[tilespmem:s20], [sflag:$0x1] =	stream.indirect.gather [hbm4b:s1+s19], $0x80, s28, s19, $0xb8;
	[tilespmem:$0x1DC00] =	vst v63  }
0x3f: {  	s29 =	simm.s32 $0x80  }
0x40: {  	[tilespmem:s21], [sflag:$0x2] =	stream.indirect.gather [hbm4b:s1+s19], $0x80, s29, s19, $0xb8;
	[tilespmem:$0x1DC00] =	vst v63  }
0x41: {  	_ =	swait.ge [sflag:s22], $0x3E80  }
0x42: {  	[sflag:s22] =	ssyncset.done $0x0  }
0x43: {  	s30 =	simm.s32 $0x2C00;
	[sflag:s22] =	ssyncadd.s32 $0xFFFFC180  }
0x44: {  	[spmem:s3] =	stream.indirect.scatter.add.f32 [tilespmem:s20], [sflag:$0x3], $0x80, s30, s19, $0xb8;
	[tilespmem:$0x1DC00] =	vst v63  }
0x45: {  	_ =	swait.ge [sflag:s15], $0x3E80  }
0x46: {  	[sflag:s15] =	ssyncset.done $0x0  }
0x47: {  	[sflag:s15] =	ssyncadd.s32 $0xFFFFC180  }
0x48: {  	_ =	swait.ge [sflag:s23], $0x3E80  }
0x49: {  	[sflag:s23] =	ssyncset.done $0x0  }
0x4a: {  	s31 =	simm.s32 $0x2C80;
	[sflag:s23] =	ssyncadd.s32 $0xFFFFC180  }
0x4b: {  	[spmem:s3] =	stream.indirect.scatter.add.f32 [tilespmem:s21], [sflag:$0x3], $0x80, s31, s19, $0xb8;
	[tilespmem:$0x1DC00] =	vst v63  }
0x4c: {  	_ =	swait.ge [sflag:s15], $0x3E80  }
0x4d: {  	s25 =	simm.s32 $0x400;
	s26 =	simm.s32 $0x800;
	[sflag:s15] =	ssyncset.done $0x0  }
.LBB2_4:
0x4e: {  	s28 =	sshra.s32 s25, $0x2  }
0x4f: {  	[sflag:s15] =	ssyncadd.s32 $0xFFFFC180;
	s25 =	smov.u32 s26;
	s29 =	sadd.s32 $0x400, s26  }
0x50: {  	[tilespmem:s20], [sflag:$0x1] =	stream.indirect.gather [hbm4b:s1+s19], $0x80, s28, s19, $0xb8;
	[tilespmem:$0x1DC00] =	vst v63  }
0x51: {  	p0 =	sne.s32 s26, $0x9C00;
	s26 =	sadd.s32 $0x80, s28  }
0x52: {  	[tilespmem:s21], [sflag:$0x2] =	stream.indirect.gather [hbm4b:s1+s19], $0x80, s26, s19, $0xb8;
	[tilespmem:$0x1DC00] =	vst v63  }
0x53: {  	_ =	swait.ge [sflag:s22], $0x3E80  }
0x54: {  	[sflag:s22] =	ssyncset.done $0x0  }
0x55: {  	s26 =	sadd.s32 $0x2C00, s28;
	[sflag:s22] =	ssyncadd.s32 $0xFFFFC180  }
0x56: {  	[spmem:s3] =	stream.indirect.scatter.add.f32 [tilespmem:s20], [sflag:$0x3], $0x80, s26, s19, $0xb8;
	[tilespmem:$0x1DC00] =	vst v63  }
0x57: {  	_ =	swait.ge [sflag:s15], $0x3E80  }
0x58: {  	[sflag:s15] =	ssyncset.done $0x0  }
0x59: {  	[sflag:s15] =	ssyncadd.s32 $0xFFFFC180  }
0x5a: {  	_ =	swait.ge [sflag:s23], $0x3E80  }
.Ltmp1:
0x5b: {  	[sflag:s23] =	ssyncset.done $0x0;
	(pc) =	sbr.rel @p0 .LBB2_4-.Ltmp1, $4  }
0x5c: {  	s26 =	sadd.s32 $0x2C80, s28;
	[sflag:s23] =	ssyncadd.s32 $0xFFFFC180  }
0x5d: {  	[spmem:s3] =	stream.indirect.scatter.add.f32 [tilespmem:s21], [sflag:$0x3], $0x80, s26, s19, $0xb8;
	[tilespmem:$0x1DC00] =	vst v63  }
0x5e: {  	_ =	swait.ge [sflag:s15], $0x3E80  }
0x5f: {  	s26 =	smov.u32 s29;
	[sflag:s15] =	ssyncset.done $0x0  }
0x60: {  	s25 =	sshra.s32 s25, $0x2;
	[sflag:s15] =	ssyncadd.s32 $0xFFFFC180  }
0x61: {  	[tilespmem:s20], [sflag:$0x1] =	stream.indirect.gather [hbm4b:s1+s19], $0x80, s25, s19, $0xb8;
	[tilespmem:$0x1DC00] =	vst v63  }
0x62: {  	s26 =	sadd.s32 $0x80, s25  }
0x63: {  	[tilespmem:s21], [sflag:$0x2] =	stream.indirect.gather [hbm4b:s1+s19], $0x80, s26, s19, $0xb8;
	[tilespmem:$0x1DC00] =	vst v63  }
0x64: {  	_ =	swait.ge [sflag:s22], $0x3E80  }
0x65: {  	[sflag:s22] =	ssyncset.done $0x0  }
0x66: {  	s30 =	sadd.s32 $0x2C00, s25;
	[sflag:s22] =	ssyncadd.s32 $0xFFFFC180  }
0x67: {  	[spmem:s3] =	stream.indirect.scatter.add.f32 [tilespmem:s20], [sflag:$0x3], $0x80, s30, s19, $0xb8;
	[tilespmem:$0x1DC00] =	vst v63  }
0x68: {  	_ =	swait.ge [sflag:s15], $0x3E80  }
0x69: {  	[sflag:s15] =	ssyncset.done $0x0  }
0x6a: {  	[sflag:s15] =	ssyncadd.s32 $0xFFFFC180  }
0x6b: {  	_ =	swait.ge [sflag:s23], $0x3E80  }
0x6c: {  	[sflag:s23] =	ssyncset.done $0x0  }
0x6d: {  	s25 =	sadd.s32 $0x2C80, s25;
	[sflag:s23] =	ssyncadd.s32 $0xFFFFC180  }
0x6e: {  	[spmem:s3] =	stream.indirect.scatter.add.f32 [tilespmem:s21], [sflag:$0x3], $0x80, s25, s19, $0xb8;
	[tilespmem:$0x1DC00] =	vst v63  }
0x6f: {  	_ =	swait.ge [sflag:s15], $0x3E80  }
0x70: {  	[sflag:s15] =	ssyncset.done $0x0  }
0x71: {  	s31 =	sshll.u32 s0, $0x6;
	[sflag:s15] =	ssyncadd.s32 $0xFFFFC180  }
0x72: {  	s26 =	sshrl.u32 s12, $0x3;
	s25 =	sor.u32 $0x1C03, s31;
	[bflag:$0x0] =	sbarrier.arrive $0xFFFF  }
0x73: {  	[hbm:s11], [sflag:s25] =	dma.local [spmem:s26], $0x1400  }
0x74: {  	_ =	swait.ge [sflag:s15], $0x1400  }
0x75: {  	[sflag:s15] =	ssyncset.done $0x0  }
0x76: {  	[sflag:s15] =	ssyncadd.s32 $0xFFFFEC00  }
0x77: {  	[bflag:$0x0] =	sbarrier.arrive $0xFFFF  }
0x78: {  	[spmem:s8] =	stream.linear.scatter [tilespmem:s18], [sflag:$0x3], $0x3800, $0x38;
	[tilespmem:$0x1DC00] =	vst v63  }
0x79: {  	_ =	swait.ge [sflag:s15], $0x3800  }
0x7a: {  	[sflag:s15] =	ssyncset.done $0x0  }
0x7b: {  	[sflag:s15] =	ssyncadd.s32 $0xFFFFC800  }
0x7c: {  	[spmem:s9] =	stream.linear.scatter [tilespmem:s18], [sflag:$0x3], $0x3800, $0x38;
	[tilespmem:$0x1DC00] =	vst v63  }
0x7d: {  	_ =	swait.ge [sflag:s15], $0x3800  }
0x7e: {  	[sflag:s15] =	ssyncset.done $0x0  }
0x7f: {  	[sflag:s15] =	ssyncadd.s32 $0xFFFFC800  }
0x80: {  	[spmem:s10] =	stream.linear.scatter [tilespmem:s18], [sflag:$0x3], $0x3800, $0x38;
	[tilespmem:$0x1DC00] =	vst v63  }
0x81: {  	_ =	swait.ge [sflag:s15], $0x3800  }
0x82: {  	[sflag:s15] =	ssyncset.done $0x0  }
0x83: {  	[sflag:s15] =	ssyncadd.s32 $0xFFFFC800  }
0x84: {  	s28 =	simm.s32 $0x0;
	[bflag:$0x0] =	sbarrier.arrive $0xFFFF  }
0x85: {  	[tilespmem:s20], [sflag:$0x1] =	stream.indirect.gather [hbm4b:s1+s19], $0x80, s28, s19, $0xb8;
	[tilespmem:$0x1DC00] =	vst v63  }
0x86: {  	s28 =	simm.s32 $0x80  }
0x87: {  	[tilespmem:s21], [sflag:$0x2] =	stream.indirect.gather [hbm4b:s1+s19], $0x80, s28, s19, $0xb8;
	[tilespmem:$0x1DC00] =	vst v63  }
0x88: {  	_ =	swait.ge [sflag:s22], $0x3E80  }
0x89: {  	[sflag:s22] =	ssyncset.done $0x0  }
0x8a: {  	s28 =	simm.s32 $0x5400;
	[sflag:s22] =	ssyncadd.s32 $0xFFFFC180  }
0x8b: {  	[spmem:s3] =	stream.indirect.scatter.add.f32 [tilespmem:s20], [sflag:$0x3], $0x80, s28, s19, $0xb8;
	[tilespmem:$0x1DC00] =	vst v63  }
0x8c: {  	_ =	swait.ge [sflag:s15], $0x3E80  }
0x8d: {  	[sflag:s15] =	ssyncset.done $0x0  }
0x8e: {  	[sflag:s15] =	ssyncadd.s32 $0xFFFFC180  }
0x8f: {  	_ =	swait.ge [sflag:s23], $0x3E80  }
0x90: {  	[sflag:s23] =	ssyncset.done $0x0  }
0x91: {  	s28 =	simm.s32 $0x5480;
	[sflag:s23] =	ssyncadd.s32 $0xFFFFC180  }
0x92: {  	[spmem:s3] =	stream.indirect.scatter.add.f32 [tilespmem:s21], [sflag:$0x3], $0x80, s28, s19, $0xb8;
	[tilespmem:$0x1DC00] =	vst v63  }
0x93: {  	_ =	swait.ge [sflag:s15], $0x3E80  }
0x94: {  	s29 =	simm.s32 $0x800;
	s28 =	simm.s32 $0x400;
	[sflag:s15] =	ssyncset.done $0x0  }
.LBB2_6:
0x95: {  	s30 =	sshra.s32 s28, $0x2  }
0x96: {  	[sflag:s15] =	ssyncadd.s32 $0xFFFFC180;
	s28 =	smov.u32 s29;
	s31 =	sadd.s32 $0x400, s29  }
0x97: {  	[tilespmem:s20], [sflag:$0x1] =	stream.indirect.gather [hbm4b:s1+s19], $0x80, s30, s19, $0xb8;
	[tilespmem:$0x1DC00] =	vst v63  }
0x98: {  	p0 =	sne.s32 s29, $0x9C00;
	s29 =	sadd.s32 $0x80, s30  }
0x99: {  	[tilespmem:s21], [sflag:$0x2] =	stream.indirect.gather [hbm4b:s1+s19], $0x80, s29, s19, $0xb8;
	[tilespmem:$0x1DC00] =	vst v63  }
0x9a: {  	_ =	swait.ge [sflag:s22], $0x3E80  }
0x9b: {  	[sflag:s22] =	ssyncset.done $0x0  }
0x9c: {  	s29 =	sadd.s32 $0x5400, s30;
	[sflag:s22] =	ssyncadd.s32 $0xFFFFC180  }
0x9d: {  	[spmem:s3] =	stream.indirect.scatter.add.f32 [tilespmem:s20], [sflag:$0x3], $0x80, s29, s19, $0xb8;
	[tilespmem:$0x1DC00] =	vst v63  }
0x9e: {  	_ =	swait.ge [sflag:s15], $0x3E80  }
0x9f: {  	[sflag:s15] =	ssyncset.done $0x0  }
0xa0: {  	[sflag:s15] =	ssyncadd.s32 $0xFFFFC180  }
0xa1: {  	_ =	swait.ge [sflag:s23], $0x3E80  }
.Ltmp2:
0xa2: {  	[sflag:s23] =	ssyncset.done $0x0;
	(pc) =	sbr.rel @p0 .LBB2_6-.Ltmp2, $4  }
0xa3: {  	s29 =	sadd.s32 $0x5480, s30;
	[sflag:s23] =	ssyncadd.s32 $0xFFFFC180  }
0xa4: {  	[spmem:s3] =	stream.indirect.scatter.add.f32 [tilespmem:s21], [sflag:$0x3], $0x80, s29, s19, $0xb8;
	[tilespmem:$0x1DC00] =	vst v63  }
0xa5: {  	_ =	swait.ge [sflag:s15], $0x3E80  }
0xa6: {  	s29 =	smov.u32 s31;
	[sflag:s15] =	ssyncset.done $0x0  }
0xa7: {  	s28 =	sshra.s32 s28, $0x2;
	[sflag:s15] =	ssyncadd.s32 $0xFFFFC180  }
0xa8: {  	[tilespmem:s20], [sflag:$0x1] =	stream.indirect.gather [hbm4b:s1+s19], $0x80, s28, s19, $0xb8;
	[tilespmem:$0x1DC00] =	vst v63  }
0xa9: {  	s29 =	sadd.s32 $0x80, s28  }
0xaa: {  	[tilespmem:s21], [sflag:$0x2] =	stream.indirect.gather [hbm4b:s1+s19], $0x80, s29, s19, $0xb8;
	[tilespmem:$0x1DC00] =	vst v63  }
0xab: {  	_ =	swait.ge [sflag:s22], $0x3E80  }
0xac: {  	[sflag:s22] =	ssyncset.done $0x0  }
0xad: {  	s31 =	sadd.s32 $0x5400, s28;
	[sflag:s22] =	ssyncadd.s32 $0xFFFFC180  }
0xae: {  	[spmem:s3] =	stream.indirect.scatter.add.f32 [tilespmem:s20], [sflag:$0x3], $0x80, s31, s19, $0xb8;
	[tilespmem:$0x1DC00] =	vst v63  }
0xaf: {  	_ =	swait.ge [sflag:s15], $0x3E80  }
0xb0: {  	[sflag:s15] =	ssyncset.done $0x0  }
0xb1: {  	[sflag:s15] =	ssyncadd.s32 $0xFFFFC180  }
0xb2: {  	_ =	swait.ge [sflag:s23], $0x3E80  }
0xb3: {  	[sflag:s23] =	ssyncset.done $0x0  }
0xb4: {  	s28 =	sadd.s32 $0x5480, s28;
	[sflag:s23] =	ssyncadd.s32 $0xFFFFC180  }
0xb5: {  	[spmem:s3] =	stream.indirect.scatter.add.f32 [tilespmem:s21], [sflag:$0x3], $0x80, s28, s19, $0xb8;
	[tilespmem:$0x1DC00] =	vst v63  }
0xb6: {  	_ =	swait.ge [sflag:s15], $0x3E80  }
0xb7: {  	[sflag:s15] =	ssyncset.done $0x0  }
0xb8: {  	s24 =	sadd.s32 $0x1, s24;
	[sflag:s15] =	ssyncadd.s32 $0xFFFFC180  }
0xb9: {  	p0 =	sne.s32 s24, s14;
	[bflag:$0x0] =	sbarrier.arrive $0xFFFF  }
0xba: {  	[hbm:s13], [sflag:s25] =	dma.local [spmem:s26], $0x1400  }
.Ltmp3:
0xbb: {  	_ =	swait.ge [sflag:s15], $0x1400;
	(pc) =	sbr.rel @p0 .LBB2_1-.Ltmp3, $3  }
0xbc: {  	[sflag:s15] =	ssyncset.done $0x0  }
0xbd: {  	[sflag:s15] =	ssyncadd.s32 $0xFFFFEC00  }
0xbe: {  	[bflag:$0x0] =	sbarrier.arrive $0xFFFF;
	_ =	sdelay $0x1  }
0xbf: {  	_ =	sfence.sel $0x180000  }
0xc0: {  	[bflag:$0x0] =	sbarrier.arrive $0xFFFF  }
0xc1: {  	p0 =	sne.s32 s0, $0x0;
	_ =	strace $0x9000004A  }
0xc2: {  	s0 =	sadd.s32 @!p0 $0x100000, s2;
	[bflag:$0x2] =	sbarrier.arrive $0xFFFF  }
0xc3: {  	[sflag:s0] =	ssyncadd.tile.s32 @!p0 $0x1;
	_ =	shalt  }
.Lfunc_end2:
_tile_overlayer_lowered:
.L_overlay_start_2:
0xc4: {  	(tag) =	ssettag $0x2  }
0xc5: {  	s0 =	rddreg [dreg:$0x0];
	s2 =	stileid.u32  }
0xc6: {  	s1 =	rddreg [dreg:$0x1];
	p0 =	sne.s32 s2, $0x0  }
0xc7: {  	s3 =	rddreg [dreg:$0x2];
	[bflag:$0x3] =	sbarrier.arrive $0xFFFF;
	s2 =	simm.s32 @!p0 $0x1C03  }
0xc8: {  	[timem:s3], [sflag:s2] =	dma.local @!p0 [hbm:s0], s1  }
0xc9: {  	s0 =	simm.s32 @!p0 $0x3  }
0xca: {  	_ =	swait.ge @!p0 [sflag:s0], s1  }
0xcb: {  	s1 =	ssub.s32 @!p0 $0x0, s1;
	[sflag:s0] =	ssyncset.done @!p0 $0x0  }
0xcc: {  	[sflag:s0] =	ssyncadd.s32 @!p0 s1  }
0xcd: {  	[bflag:$0x3] =	sbarrier.arrive $0xFFFF  }
0xce: {  	_ =	shalt  }

// kernel: kernel.15.cloned.1.call-start
scs
__scs_entry_jumppad:
0x0: {  	(pc) =	sbr.rel $0x88, $3  }
0x1: {  	(tag) =	ssettag $0x0;
	lr =	simm.s32 $0x1  }
0x2: {  	[smem:$0x3F9B] =	sst lr;
	_ =	strace $0xD0000000  }
0x3: {  	_ = 	snop  }
0x4: {  	_ = 	snop  }
0x5: {  	_ = 	snop  }
0x6: {  	_ = 	snop  }
0x7: {  	_ = 	snop  }
__scs_overlays_trampoline_lowered:
0x8: {  	[smem:$0x3FAA] =	sst s0  }
0x9: {  	[smem:$0x3FAB] =	sst s1  }
0xa: {  	[smem:$0x3FAC] =	sst s2  }
0xb: {  	[smem:$0x3FAD] =	sst s3  }
0xc: {  	[smem:$0x3FAE] =	sst s4  }
0xd: {  	[smem:$0x3FAF] =	sst s5  }
0xe: {  	[smem:$0x3FB0] =	sst s6  }
0xf: {  	[smem:$0x3FB1] =	sst s7  }
0x10: {  	[smem:$0x3FB2] =	sst s8  }
0x11: {  	[smem:$0x3FB3] =	sst s9;
	s0 =	simm.s32 @!p0 $0x0  }
0x12: {  	s1 =	sld [smem:$0x3F99];
	s0 =	simm.s32 @p0 $0x1  }
0x13: {  	[smem:$0x3FB4] =	sst s0;
	s0 =	simm.s32 @!p1 $0x0  }
0x14: {  	s2 =	sld [smem:$0x3F98];
	s0 =	simm.s32 @p1 $0x1  }
0x15: {  	[smem:$0x3FB5] =	sst s0;
	s0 =	simm.s32 @!p2 $0x0  }
0x16: {  	s3 =	sld [smem:$0x3FDB];
	s0 =	simm.s32 @p2 $0x1  }
0x17: {  	s4 =	simm.s32 $0x1BF5;
	[smem:$0x3FB7] =	sst s0  }
0x18: {  	s0 =	sld [smem:$0x3F9A];
	_ =	swait.ge [sflag:s4], $0x0  }
0x19: {  	s7 =	sld [smem:$0x3F9B]  }
0x1a: {  	s8 =	sadd.s32 $0xFFFFE003, lr  }
0x1b: {  	s9 =	sadd.s32 $0xFFFFFEF7, lr;
	s5 =	simm.s32 $0xFFFFFFFF;
	p2 =	slt.u32 s8, $0xFFFFF086  }
0x1c: {  	p1 =	slt.u32 s9, $0xF7A;
	s5 =	simm.s32 @!p2 $0x0  }
0x1d: {  	s5 =	simm.s32 @p1 $0x1;
	p0 =	seq.s32 s7, s2  }
0x1e: {  	s7 =	smul.u32 @!p0 $0xF7A, s2;
	p2 =	seq.s32 @!p0 s5, $0x0  }
0x1f: {  	s9 =	smul.u32 $0xF7A, s1;
	s8 =	simm.s32 @!p0 $0x1BF5;
	p2 =	por !p2, p0  }
0x20: {  	[sflag:s8] =	ssyncset.s32 @!p0 $0xFFFFF086;
	s6 =	sadd.s32 @!p0 s3, s7;
	s7 =	simm.s32 @!p0 $0x108  }
0x21: {  	s3 =	sadd.s32 s3, s9;
	s6 =	sadd.s32 @!p0 $0x88, s6;
	s7 =	simm.s32 @p2 $0x1082  }
0x22: {  	[simem:s7], [sflag:s8] =	dma.local @!p0 [hbm:s6], $0xF7A  }
0x23: {  	s9 =	sor.u32 $0xD0000000, s2;
	s6 =	simm.s32 $0x108;
	_ =	swait.ge @!p0 [sflag:s8], $0x0  }
0x24: {  	s3 =	sadd.s32 $0x88, s3;
	s6 =	simm.s32 @!p1 $0x1082;
	[sflag:s4] =	ssyncset.s32 $0xFFFFF086  }
0x25: {  	[simem:s6], [sflag:s4] =	dma.local [hbm:s3], $0xF7A  }
0x26: {  	[smem:$0x3F9B] =	sst s1;
	(tag) =	ssettag s2;
	_ =	strace s9  }
0x27: {  	s1 =	sld [smem:$0x3FAB]  }
0x28: {  	s2 =	sld [smem:$0x3FAC]  }
0x29: {  	s4 =	sld [smem:$0x3FAE]  }
0x2a: {  	p0 =	seq.s32 s5, $0x0;
	s5 =	sld [smem:$0x3FAF]  }
0x2b: {  	s6 =	sld [smem:$0x3FB0]  }
0x2c: {  	s7 =	sld [smem:$0x3FB1]  }
0x2d: {  	s3 =	simm.s32 $0x108;
	s8 =	sld [smem:$0x3FB2]  }
0x2e: {  	s3 =	simm.s32 @!p0 $0x1082;
	s9 =	sld [smem:$0x3FB3]  }
0x2f: {  	lr =	sadd.s32 s0, s3;
	s0 =	sld [smem:$0x3FAA]  }
0x30: {  	s3 =	sld [smem:$0x3FAD]  }
0x31: {  	[smem:$0x3FB6] =	sst s10  }
0x32: {  	s10 =	sld [smem:$0x3FB4];
	_ =	sdelay $0x3  }
0x33: {  	p0 =	seq.s32 s10, $0x1;
	s10 =	sld [smem:$0x3FB6];
	_ =	sdelay $0x3  }
0x34: {  	[smem:$0x3FB6] =	sst s10  }
0x35: {  	s10 =	sld [smem:$0x3FB5];
	_ =	sdelay $0x3  }
0x36: {  	p1 =	seq.s32 s10, $0x1;
	s10 =	sld [smem:$0x3FB6];
	_ =	sdelay $0x3  }
0x37: {  	[smem:$0x3FB6] =	sst s10  }
0x38: {  	s10 =	sld [smem:$0x3FB7]  }
0x39: {  	_ = 	snop;
	(pc) =	sbr.ind lr, $3  }
0x3a: {  	_ = 	snop  }
0x3b: {  	_ = 	snop  }
0x3c: {  	p2 =	seq.s32 s10, $0x1;
	s10 =	sld [smem:$0x3FB6]  }
0x3d: {  	_ =	shalt  }
0x3e: {  	_ =	shalt  }
0x3f: {  	_ =	shalt  }
0x40: {  	_ =	shalt  }
0x41: {  	_ =	shalt  }
0x42: {  	_ =	shalt  }
0x43: {  	_ =	shalt  }
0x44: {  	_ =	shalt  }
0x45: {  	_ =	shalt  }
0x46: {  	_ =	shalt  }
0x47: {  	_ =	shalt  }
0x48: {  	_ =	shalt  }
0x49: {  	_ =	shalt  }
0x4a: {  	_ =	shalt  }
0x4b: {  	_ =	shalt  }
0x4c: {  	_ =	shalt  }
0x4d: {  	_ =	shalt  }
0x4e: {  	_ =	shalt  }
0x4f: {  	_ =	shalt  }
0x50: {  	_ =	shalt  }
0x51: {  	_ =	shalt  }
0x52: {  	_ =	shalt  }
0x53: {  	_ =	shalt  }
0x54: {  	_ =	shalt  }
0x55: {  	_ =	shalt  }
0x56: {  	_ =	shalt  }
0x57: {  	_ =	shalt  }
0x58: {  	_ =	shalt  }
0x59: {  	_ =	shalt  }
0x5a: {  	_ =	shalt  }
0x5b: {  	_ =	shalt  }
0x5c: {  	_ =	shalt  }
0x5d: {  	_ =	shalt  }
0x5e: {  	_ =	shalt  }
0x5f: {  	_ =	shalt  }
0x60: {  	_ =	shalt  }
0x61: {  	_ =	shalt  }
0x62: {  	_ =	shalt  }
0x63: {  	_ =	shalt  }
0x64: {  	_ =	shalt  }
0x65: {  	_ =	shalt  }
0x66: {  	_ =	shalt  }
0x67: {  	_ =	shalt  }
0x68: {  	_ =	shalt  }
0x69: {  	_ =	shalt  }
0x6a: {  	_ =	shalt  }
0x6b: {  	_ =	shalt  }
0x6c: {  	_ =	shalt  }
0x6d: {  	_ =	shalt  }
0x6e: {  	_ =	shalt  }
0x6f: {  	_ =	shalt  }
0x70: {  	_ =	shalt  }
0x71: {  	_ =	shalt  }
0x72: {  	_ =	shalt  }
0x73: {  	_ =	shalt  }
0x74: {  	_ =	shalt  }
0x75: {  	_ =	shalt  }
0x76: {  	_ =	shalt  }
0x77: {  	_ =	shalt  }
0x78: {  	_ =	shalt  }
0x79: {  	_ =	shalt  }
0x7a: {  	_ =	shalt  }
0x7b: {  	_ =	shalt  }
0x7c: {  	_ =	shalt  }
0x7d: {  	_ =	shalt  }
0x7e: {  	_ =	shalt  }
0x7f: {  	_ =	shalt  }
0x80: {  	_ =	shalt  }
0x81: {  	_ =	shalt  }
0x82: {  	_ =	shalt  }
0x83: {  	_ =	shalt  }
0x84: {  	_ =	shalt  }
0x85: {  	_ =	shalt  }
0x86: {  	_ =	shalt  }
0x87: {  	_ =	shalt  }
.Lfunc_end0:
.L_simem_size_0:
called_computation.2_lowered:
.L_overlay_start_0:
0x88: {  	s2 =	sld [smem:$0x3FD9]  }
0x89: {  	s3 =	sld [smem:$0x3FFE];
	_ =	sdelay $0x1  }
0x8a: {  	s1 =	srdreg.scid  }
0x8b: {  	s0 =	sand.u32 $0x1, s1  }
0x8c: {  	s17 =	sshll.u32 s0, $0xA;
	s2 =	sadd.s32 s3, s2  }
0x8d: {  	s2 =	sadd.s32 s2, s17  }
0x8e: {  	[smem:$0x3FC2] =	sst s2  }
0x8f: {  	_ = 	snop  }
0x90: {  	s2 =	sld [smem:$0x3FD0];
	(tm) =	ssettm $0x1  }
0x91: {  	s18 =	sld [smem:$0x3FFB];
	_ =	sdelay $0x3  }
0x92: {  	_ =	strace s18  }
0x93: {  	s3 =	sld [smem:$0x3FFC];
	_ =	sdelay $0x3  }
0x94: {  	_ =	strace s3  }
0x95: {  	s3 =	sld [smem:$0x3FFD];
	_ =	sdelay $0x3  }
0x96: {  	_ =	strace s3  }
0x97: {  	_ =	strace $0x8FFFFFFF  }
0x98: {  	s19 =	sld [smem:$0x3FDB];
	_ =	sdelay $0x1  }
0x99: {  	s4 =	simm.s32 $_scs_section_size  }
0x9a: {  	s5 =	simm.s32 $_size__tile_overlayer_lowered;
	s6 =	simm.s32 $_tile_overlayer_lowered  }
0x9b: {  	s22 =	simm.s32 $0x1BFF;
	s21 =	sshll.u32 s6, $0x1;
	s3 =	sadd.s32 s4, s19  }
0x9c: {  	s7 =	simm.s32 $0x0;
	s20 =	sshll.u32 s5, $0x1;
	s5 =	sadd.s32 s21, s3  }
0x9d: {  	[timem:s7], [sflag:s22] =	dma.local [hbm:s5], s20  }
0x9e: {  	_ =	swait.ge [sflag:s22], s20  }
0x9f: {  	s4 =	ssub.s32 $0x0, s20;
	[sflag:s22] =	ssyncset.done $0x0  }
0xa0: {  	[sflag:s22] =	ssyncadd.s32 s4;
	_ =	sdelay $0x1  }
0xa1: {  	s23 =	simm.s32 $0x1B8B  }
0xa2: {  	_ =	swait.ge [sflag:s23], $0x1  }
0xa3: {  	[sflag:s23] =	ssyncset.done $0x0  }
0xa4: {  	s25 =	simm.s32 $0x1B8E;
	s24 =	sld [smem:$0x3FFE];
	[sflag:s23] =	ssyncadd.s32 $0xFFFFFFFF  }
0xa5: {  	s26 =	simm.s32 $execute0_lowered;
	[smem:$0x3FD2] =	sst s25  }
0xa6: {  	s5 =	sshll.u32 s26, $0x1;
	_ =	strace $0x8000004C;
	[dreg:$0x1] =	wrdreg $0xFFFFFFFF  }
0xa7: {  	s28 =	simm.s32 $_size_execute0_lowered;
	s3 =	sadd.s32 s3, s5;
	[dreg:$0x0] =	wrdreg $0x0  }
0xa8: {  	s5 =	sshll.u32 s28, $0x1;
	[dreg:$0x2] =	wrdreg s3  }
0xa9: {  	[dreg:$0x3] =	wrdreg s5  }
0xaa: {  	[dreg:$0x4] =	wrdreg $0xC0  }
0xab: {  	_ =	task [dreg:s7], $0x5FFFF  }
0xac: {  	[dreg:$0x1] =	wrdreg $0xFFFFFFFF  }
0xad: {  	[dreg:$0x0] =	wrdreg $0x60  }
0xae: {  	[dreg:$0x2] =	wrdreg s2  }
0xaf: {  	[dreg:$0x3] =	wrdreg s24  }
0xb0: {  	[dreg:$0x4] =	wrdreg $0x134000  }
0xb1: {  	[dreg:$0x5] =	wrdreg $0x9  }
0xb2: {  	_ =	task.clear_ibuf [dreg:s7], $0x6FFFF;
	_ =	strace $0x9000004C  }
0xb3: {  	s29 =	simm.s32 $0x9;
	_ =	strace $0x8000004E  }
0xb4: {  	_ =	swait.ge [sflag:s29], $0x1  }
0xb5: {  	[sflag:s29] =	ssyncadd.s32 $0xFFFFFFFF  }
0xb6: {  	_ =	strace $0x9000004E  }
0xb7: {  	_ =	sfence  }
0xb8: {  	s30 =	sld [smem:$0x0];
	_ =	sdelay $0x2  }
0xb9: {  	s31 =	sshll.u32 s1, $0xD;
	s1 =	sshrl.u32 s1, $0x2  }
0xba: {  	s3 =	sand.u32 $0x4000, s31;
	s1 =	sadd.s32 s1, s30  }
0xbb: {  	s0 =	sor.u32 s3, s0;
	s1 =	sshll.u32 s1, $0x11  }
0xbc: {  	s0 =	sor.u32 s1, s0  }
0xbd: {  	s0 =	sadd.s32 $0x8F2B, s0  }
0xbe: {  	[sflag:s0] =	ssyncadd.remote.s32 $0x1  }
0xbf: {  	_ =	sfence.sel $0xFFFF  }
0xc0: {  	[dreg:$0x0] =	wrdreg $0xFFFFFFFF;
	(pc) =	sbr.abs _section_cstart, $3  }
0xc1: {  	[dreg:$0x1] =	wrdreg $0xFFFFFFFF  }
0xc2: {  	_ =	task.clear_ibuf [dreg:s7], $0x2FFFF;
	_ =	strace $0x9FFFFFFF  }
0xc3: {  	(tm) =	ssettm $0x7FFFFFFF  }
tec
execute0_lowered:
.L_overlay_start_1:
0x0: {  	(tag) =	ssettag $0x1  }
0x1: {  	s1 =	rddreg [dreg:$0x0]  }
0x2: {  	s2 =	srdreg.scid;
	s5 =	rddreg [dreg:$0x1]  }
0x3: {  	s0 =	stileid.u32;
	s3 =	rddreg [dreg:$0x2]  }
0x4: {  	s4 =	simm.s32 $0x0;
	s12 =	simm.s32 $0xA0000;
	s17 =	simm.s32 $0x5400  }
0x5: {  	s18 =	simm.s32 $0xFC00;
	s19 =	simm.s32 $0x7D;
	s20 =	simm.s32 $0x7C00  }
0x6: {  	s21 =	simm.s32 $0xBC00;
	s22 =	simm.s32 $0x1;
	s23 =	simm.s32 $0x2  }
0x7: {  	s9 =	sand.u32 $0x1, s2;
	s2 =	rddreg [dreg:$0x3];
	s11 =	smul.u32 $0x2A000, s0  }
0x8: {  	s24 =	sshll.u32 s0, $0x1;
	[smem:$0x7FF] =	sst s4;
	s28 =	smul.u32 $0xA000, s0  }
0x9: {  	s13 =	sadd.s32 $0x35600, s5;
	s16 =	smul.u32 $0x28000, s0;
	s6 =	sor.u32 s9, s24  }
0xa: {  	_ =	strace $0x8000004D;
	s8 =	ssub.s32 $0x2, s9;
	s29 =	sxor.u32 $0x1, s9  }
0xb: {  	p0 =	seq.s32 s9, $0x1;
	s24 =	simm.s32 $0x0;
	s7 =	smul.u32 $0x580, s6  }
0xc: {  	s6 =	smul.u32 $0x2800, s6;
	s25 =	sshrl.u32 s8, $0x1;
	s26 =	sshrl.u32 s11, $0x2  }
0xd: {  	s15 =	smul.u32 $0xA0000, s29;
	s12 =	simm.s32 @!p0 $0x0;
	s30 =	sshrl.u32 s16, $0x2  }
0xe: {  	s16 =	simm.s32 $0x2C00;
	s14 =	ssub.s32 s8, s25;
	s8 =	sadd.s32 s26, s3  }
0xf: {  	s12 =	sadd.s32 s28, s12;
	s7 =	sadd.s32 s7, s5;
	s6 =	sshrl.u32 s6, $0x3  }
0x10: {  	s9 =	sadd.s32 $0x3800, s8;
	s11 =	sadd.s32 s15, s28;
	s12 =	sshrl.u32 s12, $0x3  }
0x11: {  	s14 =	smax.u32 s14, $0x1;
	s15 =	simm.s32 $0x3;
	s10 =	sadd.s32 s6, s5  }
0x12: {  	s5 =	sadd.s32 $0x3400, s7;
	s31 =	sshrl.u32 s11, $0x3;
	s11 =	sadd.s32 s13, s12  }
0x13: {  	s12 =	sadd.s32 s30, s3;
	s6 =	sadd.s32 $0x516E00, s10;
	s13 =	sadd.s32 s13, s31  }
0x14: {  	v0 =	vimm.f32 $0.0e+00;
	s7 =	sadd.s32 $0x520E00, s10;
	s10 =	sadd.s32 $0x7000, s8;
	s13 =	sadd.s32 $0x28000, s13  }
.LBB2_1:
0x15: {  	[tilespmem:s4], [sflag:$0x3] =	stream.linear.gather [hbm4b:s5+s4], $0x2880, $0x38;
	[tilespmem:$0x1DC00] =	vst v63  }
0x16: {  	_ =	swait.ge [sflag:s15], $0x2880  }
0x17: {  	[sflag:s15] =	ssyncset.done $0x0  }
0x18: {  	[sflag:s15] =	ssyncadd.s32 $0xFFFFD780  }
0x19: {  	[tilespmem:s16], [sflag:$0x3] =	stream.linear.gather [hbm4b:s6+s4], $0x2800, $0x38;
	[tilespmem:$0x1DC00] =	vst v63  }
0x1a: {  	_ =	swait.ge [sflag:s15], $0x2800  }
0x1b: {  	[sflag:s15] =	ssyncset.done $0x0  }
0x1c: {  	[sflag:s15] =	ssyncadd.s32 $0xFFFFD800  }
0x1d: {  	[tilespmem:s17], [sflag:$0x3] =	stream.linear.gather [hbm4b:s7+s4], $0x2800, $0x38;
	[tilespmem:$0x1DC00] =	vst v63  }
0x1e: {  	_ =	swait.ge [sflag:s15], $0x2800  }
0x1f: {  	[sflag:s15] =	ssyncset.done $0x0  }
0x20: {  	s25 =	simm.s32 $0x0;
	s26 =	simm.s32 $0x200;
	[sflag:s15] =	ssyncadd.s32 $0xFFFFD800  }
.LBB2_2:
0x21: {  	p0 =	sne.s32 s26, $0xDE00;
	[tilespmem:s25+$0xFC70] =	vst v0  }
0x22: {  	[tilespmem:s25+$0xFC00] =	vst v0  }
0x23: {  	[tilespmem:s25+$0xFC10] =	vst v0  }
.Ltmp0:
0x24: {  	[tilespmem:s25+$0xFC20] =	vst v0;
	(pc) =	sbr.rel @p0 .LBB2_2-.Ltmp0, $4  }
0x25: {  	[tilespmem:s25+$0xFC30] =	vst v0  }
0x26: {  	[tilespmem:s25+$0xFC40] =	vst v0  }
0x27: {  	[tilespmem:s25+$0xFC50] =	vst v0  }
0x28: {  	[tilespmem:s25+$0xFC60] =	vst v0;
	s25 =	sshra.s32 s26, $0x2;
	s26 =	sadd.s32 $0x200, s26  }
0x29: {  	[tilespmem:s25+$0xFC70] =	vst v0  }
0x2a: {  	[tilespmem:s25+$0xFC00] =	vst v0  }
0x2b: {  	[tilespmem:s25+$0xFC10] =	vst v0  }
0x2c: {  	[tilespmem:s25+$0xFC20] =	vst v0  }
0x2d: {  	[tilespmem:s25+$0xFC30] =	vst v0  }
0x2e: {  	[tilespmem:s25+$0xFC40] =	vst v0  }
0x2f: {  	[tilespmem:s25+$0xFC50] =	vst v0  }
0x30: {  	[tilespmem:s25+$0xFC60] =	vst v0  }
0x31: {  	[spmem:s8] =	stream.linear.scatter [tilespmem:s18], [sflag:$0x3], $0x3800, $0x38;
	[tilespmem:$0x1DC00] =	vst v63  }
0x32: {  	_ =	swait.ge [sflag:s15], $0x3800  }
0x33: {  	[sflag:s15] =	ssyncset.done $0x0  }
0x34: {  	[sflag:s15] =	ssyncadd.s32 $0xFFFFC800  }
0x35: {  	[spmem:s9] =	stream.linear.scatter [tilespmem:s18], [sflag:$0x3], $0x3800, $0x38;
	[tilespmem:$0x1DC00] =	vst v63  }
0x36: {  	_ =	swait.ge [sflag:s15], $0x3800  }
0x37: {  	[sflag:s15] =	ssyncset.done $0x0  }
0x38: {  	[sflag:s15] =	ssyncadd.s32 $0xFFFFC800  }
0x39: {  	[spmem:s10] =	stream.linear.scatter [tilespmem:s18], [sflag:$0x3], $0x3800, $0x38;
	[tilespmem:$0x1DC00] =	vst v63  }
0x3a: {  	_ =	swait.ge [sflag:s15], $0x3800  }
0x3b: {  	[sflag:s15] =	ssyncset.done $0x0  }
0x3c: {  	[sflag:s15] =	ssyncadd.s32 $0xFFFFC800  }
0x3d: {  	s28 =	simm.s32 $0x0;
	[bflag:$0x0] =	sbarrier.arrive $0xFFFF  }
0x3e: {  	[tilespmem:s20], [sflag:$0x1] =	stream.indirect.gather [hbm4b:s1+s19], $0x80, s28, s19, $0xb8;
	[tilespmem:$0x1DC00] =	vst v63  }
0x3f: {  	s29 =	simm.s32 $0x80  }
0x40: {  	[tilespmem:s21], [sflag:$0x2] =	stream.indirect.gather [hbm4b:s1+s19], $0x80, s29, s19, $0xb8;
	[tilespmem:$0x1DC00] =	vst v63  }
0x41: {  	_ =	swait.ge [sflag:s22], $0x3E80  }
0x42: {  	[sflag:s22] =	ssyncset.done $0x0  }
0x43: {  	s30 =	simm.s32 $0x2C00;
	[sflag:s22] =	ssyncadd.s32 $0xFFFFC180  }
0x44: {  	[spmem:s3] =	stream.indirect.scatter.add.f32 [tilespmem:s20], [sflag:$0x3], $0x80, s30, s19, $0xb8;
	[tilespmem:$0x1DC00] =	vst v63  }
0x45: {  	_ =	swait.ge [sflag:s15], $0x3E80  }
0x46: {  	[sflag:s15] =	ssyncset.done $0x0  }
0x47: {  	[sflag:s15] =	ssyncadd.s32 $0xFFFFC180  }
0x48: {  	_ =	swait.ge [sflag:s23], $0x3E80  }
0x49: {  	[sflag:s23] =	ssyncset.done $0x0  }
0x4a: {  	s31 =	simm.s32 $0x2C80;
	[sflag:s23] =	ssyncadd.s32 $0xFFFFC180  }
0x4b: {  	[spmem:s3] =	stream.indirect.scatter.add.f32 [tilespmem:s21], [sflag:$0x3], $0x80, s31, s19, $0xb8;
	[tilespmem:$0x1DC00] =	vst v63  }
0x4c: {  	_ =	swait.ge [sflag:s15], $0x3E80  }
0x4d: {  	s25 =	simm.s32 $0x400;
	s26 =	simm.s32 $0x800;
	[sflag:s15] =	ssyncset.done $0x0  }
.LBB2_4:
0x4e: {  	s28 =	sshra.s32 s25, $0x2  }
0x4f: {  	[sflag:s15] =	ssyncadd.s32 $0xFFFFC180;
	s25 =	smov.u32 s26;
	s29 =	sadd.s32 $0x400, s26  }
0x50: {  	[tilespmem:s20], [sflag:$0x1] =	stream.indirect.gather [hbm4b:s1+s19], $0x80, s28, s19, $0xb8;
	[tilespmem:$0x1DC00] =	vst v63  }
0x51: {  	p0 =	sne.s32 s26, $0x9C00;
	s26 =	sadd.s32 $0x80, s28  }
0x52: {  	[tilespmem:s21], [sflag:$0x2] =	stream.indirect.gather [hbm4b:s1+s19], $0x80, s26, s19, $0xb8;
	[tilespmem:$0x1DC00] =	vst v63  }
0x53: {  	_ =	swait.ge [sflag:s22], $0x3E80  }
0x54: {  	[sflag:s22] =	ssyncset.done $0x0  }
0x55: {  	s26 =	sadd.s32 $0x2C00, s28;
	[sflag:s22] =	ssyncadd.s32 $0xFFFFC180  }
0x56: {  	[spmem:s3] =	stream.indirect.scatter.add.f32 [tilespmem:s20], [sflag:$0x3], $0x80, s26, s19, $0xb8;
	[tilespmem:$0x1DC00] =	vst v63  }
0x57: {  	_ =	swait.ge [sflag:s15], $0x3E80  }
0x58: {  	[sflag:s15] =	ssyncset.done $0x0  }
0x59: {  	[sflag:s15] =	ssyncadd.s32 $0xFFFFC180  }
0x5a: {  	_ =	swait.ge [sflag:s23], $0x3E80  }
.Ltmp1:
0x5b: {  	[sflag:s23] =	ssyncset.done $0x0;
	(pc) =	sbr.rel @p0 .LBB2_4-.Ltmp1, $4  }
0x5c: {  	s26 =	sadd.s32 $0x2C80, s28;
	[sflag:s23] =	ssyncadd.s32 $0xFFFFC180  }
0x5d: {  	[spmem:s3] =	stream.indirect.scatter.add.f32 [tilespmem:s21], [sflag:$0x3], $0x80, s26, s19, $0xb8;
	[tilespmem:$0x1DC00] =	vst v63  }
0x5e: {  	_ =	swait.ge [sflag:s15], $0x3E80  }
0x5f: {  	s26 =	smov.u32 s29;
	[sflag:s15] =	ssyncset.done $0x0  }
0x60: {  	s25 =	sshra.s32 s25, $0x2;
	[sflag:s15] =	ssyncadd.s32 $0xFFFFC180  }
0x61: {  	[tilespmem:s20], [sflag:$0x1] =	stream.indirect.gather [hbm4b:s1+s19], $0x80, s25, s19, $0xb8;
	[tilespmem:$0x1DC00] =	vst v63  }
0x62: {  	s26 =	sadd.s32 $0x80, s25  }
0x63: {  	[tilespmem:s21], [sflag:$0x2] =	stream.indirect.gather [hbm4b:s1+s19], $0x80, s26, s19, $0xb8;
	[tilespmem:$0x1DC00] =	vst v63  }
0x64: {  	_ =	swait.ge [sflag:s22], $0x3E80  }
0x65: {  	[sflag:s22] =	ssyncset.done $0x0  }
0x66: {  	s30 =	sadd.s32 $0x2C00, s25;
	[sflag:s22] =	ssyncadd.s32 $0xFFFFC180  }
0x67: {  	[spmem:s3] =	stream.indirect.scatter.add.f32 [tilespmem:s20], [sflag:$0x3], $0x80, s30, s19, $0xb8;
	[tilespmem:$0x1DC00] =	vst v63  }
0x68: {  	_ =	swait.ge [sflag:s15], $0x3E80  }
0x69: {  	[sflag:s15] =	ssyncset.done $0x0  }
0x6a: {  	[sflag:s15] =	ssyncadd.s32 $0xFFFFC180  }
0x6b: {  	_ =	swait.ge [sflag:s23], $0x3E80  }
0x6c: {  	[sflag:s23] =	ssyncset.done $0x0  }
0x6d: {  	s25 =	sadd.s32 $0x2C80, s25;
	[sflag:s23] =	ssyncadd.s32 $0xFFFFC180  }
0x6e: {  	[spmem:s3] =	stream.indirect.scatter.add.f32 [tilespmem:s21], [sflag:$0x3], $0x80, s25, s19, $0xb8;
	[tilespmem:$0x1DC00] =	vst v63  }
0x6f: {  	_ =	swait.ge [sflag:s15], $0x3E80  }
0x70: {  	[sflag:s15] =	ssyncset.done $0x0  }
0x71: {  	s31 =	sshll.u32 s0, $0x6;
	[sflag:s15] =	ssyncadd.s32 $0xFFFFC180  }
0x72: {  	s26 =	sshrl.u32 s12, $0x3;
	s25 =	sor.u32 $0x1C03, s31;
	[bflag:$0x0] =	sbarrier.arrive $0xFFFF  }
0x73: {  	[hbm:s11], [sflag:s25] =	dma.local [spmem:s26], $0x1400  }
0x74: {  	_ =	swait.ge [sflag:s15], $0x1400  }
0x75: {  	[sflag:s15] =	ssyncset.done $0x0  }
0x76: {  	[sflag:s15] =	ssyncadd.s32 $0xFFFFEC00  }
0x77: {  	[bflag:$0x0] =	sbarrier.arrive $0xFFFF  }
0x78: {  	[spmem:s8] =	stream.linear.scatter [tilespmem:s18], [sflag:$0x3], $0x3800, $0x38;
	[tilespmem:$0x1DC00] =	vst v63  }
0x79: {  	_ =	swait.ge [sflag:s15], $0x3800  }
0x7a: {  	[sflag:s15] =	ssyncset.done $0x0  }
0x7b: {  	[sflag:s15] =	ssyncadd.s32 $0xFFFFC800  }
0x7c: {  	[spmem:s9] =	stream.linear.scatter [tilespmem:s18], [sflag:$0x3], $0x3800, $0x38;
	[tilespmem:$0x1DC00] =	vst v63  }
0x7d: {  	_ =	swait.ge [sflag:s15], $0x3800  }
0x7e: {  	[sflag:s15] =	ssyncset.done $0x0  }
0x7f: {  	[sflag:s15] =	ssyncadd.s32 $0xFFFFC800  }
0x80: {  	[spmem:s10] =	stream.linear.scatter [tilespmem:s18], [sflag:$0x3], $0x3800, $0x38;
	[tilespmem:$0x1DC00] =	vst v63  }
0x81: {  	_ =	swait.ge [sflag:s15], $0x3800  }
0x82: {  	[sflag:s15] =	ssyncset.done $0x0  }
0x83: {  	[sflag:s15] =	ssyncadd.s32 $0xFFFFC800  }
0x84: {  	s28 =	simm.s32 $0x0;
	[bflag:$0x0] =	sbarrier.arrive $0xFFFF  }
0x85: {  	[tilespmem:s20], [sflag:$0x1] =	stream.indirect.gather [hbm4b:s1+s19], $0x80, s28, s19, $0xb8;
	[tilespmem:$0x1DC00] =	vst v63  }
0x86: {  	s28 =	simm.s32 $0x80  }
0x87: {  	[tilespmem:s21], [sflag:$0x2] =	stream.indirect.gather [hbm4b:s1+s19], $0x80, s28, s19, $0xb8;
	[tilespmem:$0x1DC00] =	vst v63  }
0x88: {  	_ =	swait.ge [sflag:s22], $0x3E80  }
0x89: {  	[sflag:s22] =	ssyncset.done $0x0  }
0x8a: {  	s28 =	simm.s32 $0x5400;
	[sflag:s22] =	ssyncadd.s32 $0xFFFFC180  }
0x8b: {  	[spmem:s3] =	stream.indirect.scatter.add.f32 [tilespmem:s20], [sflag:$0x3], $0x80, s28, s19, $0xb8;
	[tilespmem:$0x1DC00] =	vst v63  }
0x8c: {  	_ =	swait.ge [sflag:s15], $0x3E80  }
0x8d: {  	[sflag:s15] =	ssyncset.done $0x0  }
0x8e: {  	[sflag:s15] =	ssyncadd.s32 $0xFFFFC180  }
0x8f: {  	_ =	swait.ge [sflag:s23], $0x3E80  }
0x90: {  	[sflag:s23] =	ssyncset.done $0x0  }
0x91: {  	s28 =	simm.s32 $0x5480;
	[sflag:s23] =	ssyncadd.s32 $0xFFFFC180  }
0x92: {  	[spmem:s3] =	stream.indirect.scatter.add.f32 [tilespmem:s21], [sflag:$0x3], $0x80, s28, s19, $0xb8;
	[tilespmem:$0x1DC00] =	vst v63  }
0x93: {  	_ =	swait.ge [sflag:s15], $0x3E80  }
0x94: {  	s29 =	simm.s32 $0x800;
	s28 =	simm.s32 $0x400;
	[sflag:s15] =	ssyncset.done $0x0  }
.LBB2_6:
0x95: {  	s30 =	sshra.s32 s28, $0x2  }
0x96: {  	[sflag:s15] =	ssyncadd.s32 $0xFFFFC180;
	s28 =	smov.u32 s29;
	s31 =	sadd.s32 $0x400, s29  }
0x97: {  	[tilespmem:s20], [sflag:$0x1] =	stream.indirect.gather [hbm4b:s1+s19], $0x80, s30, s19, $0xb8;
	[tilespmem:$0x1DC00] =	vst v63  }
0x98: {  	p0 =	sne.s32 s29, $0x9C00;
	s29 =	sadd.s32 $0x80, s30  }
0x99: {  	[tilespmem:s21], [sflag:$0x2] =	stream.indirect.gather [hbm4b:s1+s19], $0x80, s29, s19, $0xb8;
	[tilespmem:$0x1DC00] =	vst v63  }
0x9a: {  	_ =	swait.ge [sflag:s22], $0x3E80  }
0x9b: {  	[sflag:s22] =	ssyncset.done $0x0  }
0x9c: {  	s29 =	sadd.s32 $0x5400, s30;
	[sflag:s22] =	ssyncadd.s32 $0xFFFFC180  }
0x9d: {  	[spmem:s3] =	stream.indirect.scatter.add.f32 [tilespmem:s20], [sflag:$0x3], $0x80, s29, s19, $0xb8;
	[tilespmem:$0x1DC00] =	vst v63  }
0x9e: {  	_ =	swait.ge [sflag:s15], $0x3E80  }
0x9f: {  	[sflag:s15] =	ssyncset.done $0x0  }
0xa0: {  	[sflag:s15] =	ssyncadd.s32 $0xFFFFC180  }
0xa1: {  	_ =	swait.ge [sflag:s23], $0x3E80  }
.Ltmp2:
0xa2: {  	[sflag:s23] =	ssyncset.done $0x0;
	(pc) =	sbr.rel @p0 .LBB2_6-.Ltmp2, $4  }
0xa3: {  	s29 =	sadd.s32 $0x5480, s30;
	[sflag:s23] =	ssyncadd.s32 $0xFFFFC180  }
0xa4: {  	[spmem:s3] =	stream.indirect.scatter.add.f32 [tilespmem:s21], [sflag:$0x3], $0x80, s29, s19, $0xb8;
	[tilespmem:$0x1DC00] =	vst v63  }
0xa5: {  	_ =	swait.ge [sflag:s15], $0x3E80  }
0xa6: {  	s29 =	smov.u32 s31;
	[sflag:s15] =	ssyncset.done $0x0  }
0xa7: {  	s28 =	sshra.s32 s28, $0x2;
	[sflag:s15] =	ssyncadd.s32 $0xFFFFC180  }
0xa8: {  	[tilespmem:s20], [sflag:$0x1] =	stream.indirect.gather [hbm4b:s1+s19], $0x80, s28, s19, $0xb8;
	[tilespmem:$0x1DC00] =	vst v63  }
0xa9: {  	s29 =	sadd.s32 $0x80, s28  }
0xaa: {  	[tilespmem:s21], [sflag:$0x2] =	stream.indirect.gather [hbm4b:s1+s19], $0x80, s29, s19, $0xb8;
	[tilespmem:$0x1DC00] =	vst v63  }
0xab: {  	_ =	swait.ge [sflag:s22], $0x3E80  }
0xac: {  	[sflag:s22] =	ssyncset.done $0x0  }
0xad: {  	s31 =	sadd.s32 $0x5400, s28;
	[sflag:s22] =	ssyncadd.s32 $0xFFFFC180  }
0xae: {  	[spmem:s3] =	stream.indirect.scatter.add.f32 [tilespmem:s20], [sflag:$0x3], $0x80, s31, s19, $0xb8;
	[tilespmem:$0x1DC00] =	vst v63  }
0xaf: {  	_ =	swait.ge [sflag:s15], $0x3E80  }
0xb0: {  	[sflag:s15] =	ssyncset.done $0x0  }
0xb1: {  	[sflag:s15] =	ssyncadd.s32 $0xFFFFC180  }
0xb2: {  	_ =	swait.ge [sflag:s23], $0x3E80  }
0xb3: {  	[sflag:s23] =	ssyncset.done $0x0  }
0xb4: {  	s28 =	sadd.s32 $0x5480, s28;
	[sflag:s23] =	ssyncadd.s32 $0xFFFFC180  }
0xb5: {  	[spmem:s3] =	stream.indirect.scatter.add.f32 [tilespmem:s21], [sflag:$0x3], $0x80, s28, s19, $0xb8;
	[tilespmem:$0x1DC00] =	vst v63  }
0xb6: {  	_ =	swait.ge [sflag:s15], $0x3E80  }
0xb7: {  	[sflag:s15] =	ssyncset.done $0x0  }
0xb8: {  	s24 =	sadd.s32 $0x1, s24;
	[sflag:s15] =	ssyncadd.s32 $0xFFFFC180  }
0xb9: {  	p0 =	sne.s32 s24, s14;
	[bflag:$0x0] =	sbarrier.arrive $0xFFFF  }
0xba: {  	[hbm:s13], [sflag:s25] =	dma.local [spmem:s26], $0x1400  }
.Ltmp3:
0xbb: {  	_ =	swait.ge [sflag:s15], $0x1400;
	(pc) =	sbr.rel @p0 .LBB2_1-.Ltmp3, $3  }
0xbc: {  	[sflag:s15] =	ssyncset.done $0x0  }
0xbd: {  	[sflag:s15] =	ssyncadd.s32 $0xFFFFEC00  }
0xbe: {  	[bflag:$0x0] =	sbarrier.arrive $0xFFFF;
	_ =	sdelay $0x1  }
0xbf: {  	_ =	sfence.sel $0x180000  }
0xc0: {  	[bflag:$0x0] =	sbarrier.arrive $0xFFFF  }
0xc1: {  	p0 =	sne.s32 s0, $0x0;
	_ =	strace $0x9000004D  }
0xc2: {  	s0 =	sadd.s32 @!p0 $0x100000, s2;
	[bflag:$0x2] =	sbarrier.arrive $0xFFFF  }
0xc3: {  	[sflag:s0] =	ssyncadd.tile.s32 @!p0 $0x1;
	_ =	shalt  }
.Lfunc_end2:
_tile_overlayer_lowered:
.L_overlay_start_2:
0xc4: {  	(tag) =	ssettag $0x2  }
0xc5: {  	s0 =	rddreg [dreg:$0x0];
	s2 =	stileid.u32  }
0xc6: {  	s1 =	rddreg [dreg:$0x1];
	p0 =	sne.s32 s2, $0x0  }
0xc7: {  	s3 =	rddreg [dreg:$0x2];
	[bflag:$0x3] =	sbarrier.arrive $0xFFFF;
	s2 =	simm.s32 @!p0 $0x1C03  }
0xc8: {  	[timem:s3], [sflag:s2] =	dma.local @!p0 [hbm:s0], s1  }
0xc9: {  	s0 =	simm.s32 @!p0 $0x3  }
0xca: {  	_ =	swait.ge @!p0 [sflag:s0], s1  }
0xcb: {  	s1 =	ssub.s32 @!p0 $0x0, s1;
	[sflag:s0] =	ssyncset.done @!p0 $0x0  }
0xcc: {  	[sflag:s0] =	ssyncadd.s32 @!p0 s1  }
0xcd: {  	[bflag:$0x3] =	sbarrier.arrive $0xFFFF  }
0xce: {  	_ =	shalt  }

// kernel: kernel.9.cloned.1.call-start
scs
__scs_entry_jumppad:
0x0: {  	(pc) =	sbr.rel $0x88, $3  }
0x1: {  	(tag) =	ssettag $0x0;
	lr =	simm.s32 $0x1  }
0x2: {  	[smem:$0x3F9B] =	sst lr;
	_ =	strace $0xD0000000  }
0x3: {  	_ = 	snop  }
0x4: {  	_ = 	snop  }
0x5: {  	_ = 	snop  }
0x6: {  	_ = 	snop  }
0x7: {  	_ = 	snop  }
__scs_overlays_trampoline_lowered:
0x8: {  	[smem:$0x3FAA] =	sst s0  }
0x9: {  	[smem:$0x3FAB] =	sst s1  }
0xa: {  	[smem:$0x3FAC] =	sst s2  }
0xb: {  	[smem:$0x3FAD] =	sst s3  }
0xc: {  	[smem:$0x3FAE] =	sst s4  }
0xd: {  	[smem:$0x3FAF] =	sst s5  }
0xe: {  	[smem:$0x3FB0] =	sst s6  }
0xf: {  	[smem:$0x3FB1] =	sst s7  }
0x10: {  	[smem:$0x3FB2] =	sst s8  }
0x11: {  	[smem:$0x3FB3] =	sst s9;
	s0 =	simm.s32 @!p0 $0x0  }
0x12: {  	s1 =	sld [smem:$0x3F99];
	s0 =	simm.s32 @p0 $0x1  }
0x13: {  	[smem:$0x3FB4] =	sst s0;
	s0 =	simm.s32 @!p1 $0x0  }
0x14: {  	s2 =	sld [smem:$0x3F98];
	s0 =	simm.s32 @p1 $0x1  }
0x15: {  	[smem:$0x3FB5] =	sst s0;
	s0 =	simm.s32 @!p2 $0x0  }
0x16: {  	s3 =	sld [smem:$0x3FDB];
	s0 =	simm.s32 @p2 $0x1  }
0x17: {  	s4 =	simm.s32 $0x1BF5;
	[smem:$0x3FB7] =	sst s0  }
0x18: {  	s0 =	sld [smem:$0x3F9A];
	_ =	swait.ge [sflag:s4], $0x0  }
0x19: {  	s7 =	sld [smem:$0x3F9B]  }
0x1a: {  	s8 =	sadd.s32 $0xFFFFE003, lr  }
0x1b: {  	s9 =	sadd.s32 $0xFFFFFEF7, lr;
	s5 =	simm.s32 $0xFFFFFFFF;
	p2 =	slt.u32 s8, $0xFFFFF086  }
0x1c: {  	p1 =	slt.u32 s9, $0xF7A;
	s5 =	simm.s32 @!p2 $0x0  }
0x1d: {  	s5 =	simm.s32 @p1 $0x1;
	p0 =	seq.s32 s7, s2  }
0x1e: {  	s7 =	smul.u32 @!p0 $0xF7A, s2;
	p2 =	seq.s32 @!p0 s5, $0x0  }
0x1f: {  	s9 =	smul.u32 $0xF7A, s1;
	s8 =	simm.s32 @!p0 $0x1BF5;
	p2 =	por !p2, p0  }
0x20: {  	[sflag:s8] =	ssyncset.s32 @!p0 $0xFFFFF086;
	s6 =	sadd.s32 @!p0 s3, s7;
	s7 =	simm.s32 @!p0 $0x108  }
0x21: {  	s3 =	sadd.s32 s3, s9;
	s6 =	sadd.s32 @!p0 $0x88, s6;
	s7 =	simm.s32 @p2 $0x1082  }
0x22: {  	[simem:s7], [sflag:s8] =	dma.local @!p0 [hbm:s6], $0xF7A  }
0x23: {  	s9 =	sor.u32 $0xD0000000, s2;
	s6 =	simm.s32 $0x108;
	_ =	swait.ge @!p0 [sflag:s8], $0x0  }
0x24: {  	s3 =	sadd.s32 $0x88, s3;
	s6 =	simm.s32 @!p1 $0x1082;
	[sflag:s4] =	ssyncset.s32 $0xFFFFF086  }
0x25: {  	[simem:s6], [sflag:s4] =	dma.local [hbm:s3], $0xF7A  }
0x26: {  	[smem:$0x3F9B] =	sst s1;
	(tag) =	ssettag s2;
	_ =	strace s9  }
0x27: {  	s1 =	sld [smem:$0x3FAB]  }
0x28: {  	s2 =	sld [smem:$0x3FAC]  }
0x29: {  	s4 =	sld [smem:$0x3FAE]  }
0x2a: {  	p0 =	seq.s32 s5, $0x0;
	s5 =	sld [smem:$0x3FAF]  }
0x2b: {  	s6 =	sld [smem:$0x3FB0]  }
0x2c: {  	s7 =	sld [smem:$0x3FB1]  }
0x2d: {  	s3 =	simm.s32 $0x108;
	s8 =	sld [smem:$0x3FB2]  }
0x2e: {  	s3 =	simm.s32 @!p0 $0x1082;
	s9 =	sld [smem:$0x3FB3]  }
0x2f: {  	lr =	sadd.s32 s0, s3;
	s0 =	sld [smem:$0x3FAA]  }
0x30: {  	s3 =	sld [smem:$0x3FAD]  }
0x31: {  	[smem:$0x3FB6] =	sst s10  }
0x32: {  	s10 =	sld [smem:$0x3FB4];
	_ =	sdelay $0x3  }
0x33: {  	p0 =	seq.s32 s10, $0x1;
	s10 =	sld [smem:$0x3FB6];
	_ =	sdelay $0x3  }
0x34: {  	[smem:$0x3FB6] =	sst s10  }
0x35: {  	s10 =	sld [smem:$0x3FB5];
	_ =	sdelay $0x3  }
0x36: {  	p1 =	seq.s32 s10, $0x1;
	s10 =	sld [smem:$0x3FB6];
	_ =	sdelay $0x3  }
0x37: {  	[smem:$0x3FB6] =	sst s10  }
0x38: {  	s10 =	sld [smem:$0x3FB7]  }
0x39: {  	_ = 	snop;
	(pc) =	sbr.ind lr, $3  }
0x3a: {  	_ = 	snop  }
0x3b: {  	_ = 	snop  }
0x3c: {  	p2 =	seq.s32 s10, $0x1;
	s10 =	sld [smem:$0x3FB6]  }
0x3d: {  	_ =	shalt  }
0x3e: {  	_ =	shalt  }
0x3f: {  	_ =	shalt  }
0x40: {  	_ =	shalt  }
0x41: {  	_ =	shalt  }
0x42: {  	_ =	shalt  }
0x43: {  	_ =	shalt  }
0x44: {  	_ =	shalt  }
0x45: {  	_ =	shalt  }
0x46: {  	_ =	shalt  }
0x47: {  	_ =	shalt  }
0x48: {  	_ =	shalt  }
0x49: {  	_ =	shalt  }
0x4a: {  	_ =	shalt  }
0x4b: {  	_ =	shalt  }
0x4c: {  	_ =	shalt  }
0x4d: {  	_ =	shalt  }
0x4e: {  	_ =	shalt  }
0x4f: {  	_ =	shalt  }
0x50: {  	_ =	shalt  }
0x51: {  	_ =	shalt  }
0x52: {  	_ =	shalt  }
0x53: {  	_ =	shalt  }
0x54: {  	_ =	shalt  }
0x55: {  	_ =	shalt  }
0x56: {  	_ =	shalt  }
0x57: {  	_ =	shalt  }
0x58: {  	_ =	shalt  }
0x59: {  	_ =	shalt  }
0x5a: {  	_ =	shalt  }
0x5b: {  	_ =	shalt  }
0x5c: {  	_ =	shalt  }
0x5d: {  	_ =	shalt  }
0x5e: {  	_ =	shalt  }
0x5f: {  	_ =	shalt  }
0x60: {  	_ =	shalt  }
0x61: {  	_ =	shalt  }
0x62: {  	_ =	shalt  }
0x63: {  	_ =	shalt  }
0x64: {  	_ =	shalt  }
0x65: {  	_ =	shalt  }
0x66: {  	_ =	shalt  }
0x67: {  	_ =	shalt  }
0x68: {  	_ =	shalt  }
0x69: {  	_ =	shalt  }
0x6a: {  	_ =	shalt  }
0x6b: {  	_ =	shalt  }
0x6c: {  	_ =	shalt  }
0x6d: {  	_ =	shalt  }
0x6e: {  	_ =	shalt  }
0x6f: {  	_ =	shalt  }
0x70: {  	_ =	shalt  }
0x71: {  	_ =	shalt  }
0x72: {  	_ =	shalt  }
0x73: {  	_ =	shalt  }
0x74: {  	_ =	shalt  }
0x75: {  	_ =	shalt  }
0x76: {  	_ =	shalt  }
0x77: {  	_ =	shalt  }
0x78: {  	_ =	shalt  }
0x79: {  	_ =	shalt  }
0x7a: {  	_ =	shalt  }
0x7b: {  	_ =	shalt  }
0x7c: {  	_ =	shalt  }
0x7d: {  	_ =	shalt  }
0x7e: {  	_ =	shalt  }
0x7f: {  	_ =	shalt  }
0x80: {  	_ =	shalt  }
0x81: {  	_ =	shalt  }
0x82: {  	_ =	shalt  }
0x83: {  	_ =	shalt  }
0x84: {  	_ =	shalt  }
0x85: {  	_ =	shalt  }
0x86: {  	_ =	shalt  }
0x87: {  	_ =	shalt  }
.Lfunc_end0:
.L_simem_size_0:
called_computation_lowered:
.L_overlay_start_0:
0x88: {  	s2 =	sld [smem:$0x3FD9]  }
0x89: {  	s3 =	sld [smem:$0x3FFE];
	_ =	sdelay $0x1  }
0x8a: {  	s1 =	srdreg.scid  }
0x8b: {  	s0 =	sand.u32 $0x1, s1  }
0x8c: {  	s17 =	sshll.u32 s0, $0xA;
	s2 =	sadd.s32 s3, s2  }
0x8d: {  	s2 =	sadd.s32 s2, s17  }
0x8e: {  	[smem:$0x3FC2] =	sst s2  }
0x8f: {  	_ = 	snop  }
0x90: {  	s2 =	sld [smem:$0x3FD0];
	(tm) =	ssettm $0x1  }
0x91: {  	s18 =	sld [smem:$0x3FFB];
	_ =	sdelay $0x3  }
0x92: {  	_ =	strace s18  }
0x93: {  	s3 =	sld [smem:$0x3FFC];
	_ =	sdelay $0x3  }
0x94: {  	_ =	strace s3  }
0x95: {  	s3 =	sld [smem:$0x3FFD];
	_ =	sdelay $0x3  }
0x96: {  	_ =	strace s3  }
0x97: {  	_ =	strace $0x8FFFFFFF  }
0x98: {  	s19 =	sld [smem:$0x3FDB];
	_ =	sdelay $0x1  }
0x99: {  	s4 =	simm.s32 $_scs_section_size  }
0x9a: {  	s5 =	simm.s32 $_size__tile_overlayer_lowered;
	s6 =	simm.s32 $_tile_overlayer_lowered  }
0x9b: {  	s22 =	simm.s32 $0x1BFF;
	s21 =	sshll.u32 s6, $0x1;
	s3 =	sadd.s32 s4, s19  }
0x9c: {  	s7 =	simm.s32 $0x0;
	s20 =	sshll.u32 s5, $0x1;
	s5 =	sadd.s32 s21, s3  }
0x9d: {  	[timem:s7], [sflag:s22] =	dma.local [hbm:s5], s20  }
0x9e: {  	_ =	swait.ge [sflag:s22], s20  }
0x9f: {  	s4 =	ssub.s32 $0x0, s20;
	[sflag:s22] =	ssyncset.done $0x0  }
0xa0: {  	[sflag:s22] =	ssyncadd.s32 s4;
	_ =	sdelay $0x1  }
0xa1: {  	s23 =	simm.s32 $0x1B8B  }
0xa2: {  	_ =	swait.ge [sflag:s23], $0x1  }
0xa3: {  	[sflag:s23] =	ssyncset.done $0x0  }
0xa4: {  	s25 =	simm.s32 $0x1B8E;
	s24 =	sld [smem:$0x3FFE];
	[sflag:s23] =	ssyncadd.s32 $0xFFFFFFFF  }
0xa5: {  	s26 =	simm.s32 $execute0_lowered;
	[smem:$0x3FD2] =	sst s25  }
0xa6: {  	s5 =	sshll.u32 s26, $0x1;
	_ =	strace $0x80000046;
	[dreg:$0x1] =	wrdreg $0xFFFFFFFF  }
0xa7: {  	s28 =	simm.s32 $_size_execute0_lowered;
	s3 =	sadd.s32 s3, s5;
	[dreg:$0x0] =	wrdreg $0x0  }
0xa8: {  	s5 =	sshll.u32 s28, $0x1;
	[dreg:$0x2] =	wrdreg s3  }
0xa9: {  	[dreg:$0x3] =	wrdreg s5  }
0xaa: {  	[dreg:$0x4] =	wrdreg $0xC0  }
0xab: {  	_ =	task [dreg:s7], $0x5FFFF  }
0xac: {  	[dreg:$0x1] =	wrdreg $0xFFFFFFFF  }
0xad: {  	[dreg:$0x0] =	wrdreg $0x60  }
0xae: {  	[dreg:$0x2] =	wrdreg s2  }
0xaf: {  	[dreg:$0x3] =	wrdreg s24  }
0xb0: {  	[dreg:$0x4] =	wrdreg $0x68000  }
0xb1: {  	[dreg:$0x5] =	wrdreg $0x9  }
0xb2: {  	_ =	task.clear_ibuf [dreg:s7], $0x6FFFF;
	_ =	strace $0x90000046  }
0xb3: {  	s29 =	simm.s32 $0x9;
	_ =	strace $0x80000048  }
0xb4: {  	_ =	swait.ge [sflag:s29], $0x1  }
0xb5: {  	[sflag:s29] =	ssyncadd.s32 $0xFFFFFFFF  }
0xb6: {  	_ =	strace $0x90000048  }
0xb7: {  	_ =	sfence  }
0xb8: {  	s30 =	sld [smem:$0x0];
	_ =	sdelay $0x2  }
0xb9: {  	s31 =	sshll.u32 s1, $0xD;
	s1 =	sshrl.u32 s1, $0x2  }
0xba: {  	s3 =	sand.u32 $0x4000, s31;
	s1 =	sadd.s32 s1, s30  }
0xbb: {  	s0 =	sor.u32 s3, s0;
	s1 =	sshll.u32 s1, $0x11  }
0xbc: {  	s0 =	sor.u32 s1, s0  }
0xbd: {  	s0 =	sadd.s32 $0x8F2B, s0  }
0xbe: {  	[sflag:s0] =	ssyncadd.remote.s32 $0x1  }
0xbf: {  	_ =	sfence.sel $0xFFFF  }
0xc0: {  	[dreg:$0x0] =	wrdreg $0xFFFFFFFF;
	(pc) =	sbr.abs _section_cstart, $3  }
0xc1: {  	[dreg:$0x1] =	wrdreg $0xFFFFFFFF  }
0xc2: {  	_ =	task.clear_ibuf [dreg:s7], $0x2FFFF;
	_ =	strace $0x9FFFFFFF  }
0xc3: {  	(tm) =	ssettm $0x7FFFFFFF  }
tec
execute0_lowered:
.L_overlay_start_1:
0x0: {  	(tag) =	ssettag $0x1  }
0x1: {  	s4 =	rddreg [dreg:$0x0];
	s1 =	srdreg.scid  }
0x2: {  	s0 =	stileid.u32;
	s5 =	rddreg [dreg:$0x1]  }
0x3: {  	s2 =	rddreg [dreg:$0x2];
	s3 =	simm.s32 $0x0;
	s7 =	smul.u32 $0x278000, s0  }
0x4: {  	s6 =	sand.u32 $0x1, s1;
	s1 =	rddreg [dreg:$0x3];
	s25 =	smul.u32 $0x1800, s0  }
0x5: {  	s14 =	simm.s32 $0x0;
	[smem:$0x7FF] =	sst s3;
	s30 =	smul.u32 $0x6000, s0  }
0x6: {  	s28 =	sshll.u32 s0, $0x1;
	s12 =	sshll.u32 s0, $0x6;
	s8 =	smul.u32 $0x13C000, s6  }
0x7: {  	s9 =	smul.u32 $0x18000, s6;
	_ =	strace $0x80000047;
	s29 =	ssub.s32 $0x2, s6  }
0x8: {  	s6 =	sor.u32 s6, s28;
	s12 =	sor.u32 $0x1C01, s12;
	s11 =	sshrl.u32 s29, $0x1  }
0x9: {  	s6 =	smul.u32 $0x500, s6;
	s31 =	sshrl.u32 s30, $0x2;
	s7 =	sadd.s32 s8, s7  }
0xa: {  	s26 =	sadd.s32 s25, s9;
	s9 =	ssub.s32 s29, s11;
	s7 =	sshrl.u32 s7, $0x3  }
0xb: {  	s11 =	simm.s32 $0x80;
	s10 =	sadd.s32 s7, s5;
	s7 =	sshrl.u32 s26, $0x3  }
0xc: {  	s4 =	sadd.s32 s4, s6;
	s7 =	sadd.s32 s7, s5;
	s5 =	sadd.s32 s31, s2  }
0xd: {  	s8 =	sadd.s32 $0x20E00, s10;
	s10 =	simm.s32 $0x2800;
	s6 =	sadd.s32 $0x510E00, s7  }
0xe: {  	v0 =	vimm.f32 $0.0e+00;
	s7 =	smax.u32 s9, $0x1;
	s9 =	simm.s32 $0x1;
	s13 =	sshrl.u32 s5, $0x3  }
.LBB2_1:
0xf: {  	[tilespmem:s3], [sflag:$0x1] =	stream.linear.gather [hbm4b:s4+s3], $0x2780, $0x38;
	[tilespmem:$0x6B00] =	vst v63  }
0x10: {  	_ =	swait.ge [sflag:s9], $0x2780  }
0x11: {  	[sflag:s9] =	ssyncset.done $0x0  }
0x12: {  	s15 =	simm.s32 $0x200;
	s16 =	simm.s32 $0x0;
	[sflag:s9] =	ssyncadd.s32 $0xFFFFD880  }
.LBB2_2:
0x13: {  	p0 =	sne.s32 s15, $0xFE00;
	[tilespmem:s16+$0x2800] =	vst v0;
	s16 =	smov.u32 s15;
	s15 =	sadd.s32 $0x200, s15  }
.Ltmp0:
0x14: {  	(pc) =	sbr.rel @p0 .LBB2_2-.Ltmp0, $2  }
0x15: {  	_ =	sdelay $0x2  }
0x16: {  	s16 =	sshra.s32 s16, $0x2  }
0x17: {  	[tilespmem:s16+$0x2800] =	vst v0  }
0x18: {  	[spmem:s5] =	stream.linear.scatter [tilespmem:s10], [sflag:$0x1], $0x1800, $0x38;
	[tilespmem:$0x6B00] =	vst v63  }
0x19: {  	_ =	swait.ge [sflag:s9], $0x1800  }
0x1a: {  	[sflag:s9] =	ssyncset.done $0x0  }
0x1b: {  	[sflag:s9] =	ssyncadd.s32 $0xFFFFE800  }
0x1c: {  	[bflag:$0x0] =	sbarrier.arrive $0xFFFF  }
0x1d: {  	[tilespmem:s10], [sflag:$0x1] =	stream.linear.gather [hbm4b:s8+s3], $0x4000, $0x38;
	[tilespmem:$0x6B00] =	vst v63  }
0x1e: {  	_ =	swait.ge [sflag:s9], $0x4000  }
0x1f: {  	[sflag:s9] =	ssyncset.done $0x0  }
0x20: {  	s15 =	simm.s32 $0x0;
	[sflag:s9] =	ssyncadd.s32 $0xFFFFC000  }
0x21: {  	[spmem:s2] =	stream.indirect.scatter.add.f32 [tilespmem:s10], [sflag:$0x1], $0x10, s15, s11, $0xb8;
	[tilespmem:$0x6B00] =	vst v63  }
0x22: {  	_ =	swait.ge [sflag:s9], $0x800  }
0x23: {  	s16 =	smov.u32 s8;
	s15 =	simm.s32 $0x200;
	[sflag:s9] =	ssyncset.done $0x0  }
.LBB2_4:
0x24: {  	p0 =	sne.s32 s15, $0x9C00;
	[sflag:s9] =	ssyncadd.s32 $0xFFFFF800;
	s16 =	sadd.s32 $0x800, s16  }
0x25: {  	[tilespmem:s10], [sflag:$0x1] =	stream.linear.gather [hbm4b:s16+s3], $0x4000, $0x38;
	[tilespmem:$0x6B00] =	vst v63  }
0x26: {  	s17 =	smov.u32 s15;
	s15 =	sadd.s32 $0x200, s15;
	_ =	swait.ge [sflag:s9], $0x4000  }
.Ltmp1:
0x27: {  	[sflag:s9] =	ssyncset.done $0x0;
	(pc) =	sbr.rel @p0 .LBB2_4-.Ltmp1, $4  }
0x28: {  	s17 =	sshra.s32 s17, $0x2;
	[sflag:s9] =	ssyncadd.s32 $0xFFFFC000  }
0x29: {  	[spmem:s2] =	stream.indirect.scatter.add.f32 [tilespmem:s10], [sflag:$0x1], $0x10, s17, s11, $0xb8;
	[tilespmem:$0x6B00] =	vst v63  }
0x2a: {  	_ =	swait.ge [sflag:s9], $0x800  }
0x2b: {  	[sflag:s9] =	ssyncset.done $0x0  }
0x2c: {  	s14 =	sadd.s32 $0x1, s14  }
0x2d: {  	[sflag:s9] =	ssyncadd.s32 $0xFFFFF800;
	p0 =	sne.s32 s14, s7  }
.Ltmp2:
0x2e: {  	[bflag:$0x0] =	sbarrier.arrive $0xFFFF;
	(pc) =	sbr.rel @p0 .LBB2_1-.Ltmp2, $4  }
0x2f: {  	[hbm:s6], [sflag:s12] =	dma.local [spmem:s13], $0x300  }
0x30: {  	_ =	swait.ge [sflag:s9], $0x300  }
0x31: {  	[sflag:s9] =	ssyncset.done $0x0  }
0x32: {  	[sflag:s9] =	ssyncadd.s32 $0xFFFFFD00  }
0x33: {  	_ =	sfence.sel $0x180000  }
0x34: {  	[bflag:$0x0] =	sbarrier.arrive $0xFFFF  }
0x35: {  	p0 =	sne.s32 s0, $0x0;
	_ =	strace $0x90000047  }
0x36: {  	s0 =	sadd.s32 @!p0 $0x100000, s1;
	[bflag:$0x2] =	sbarrier.arrive $0xFFFF  }
0x37: {  	[sflag:s0] =	ssyncadd.tile.s32 @!p0 $0x1;
	_ =	shalt  }
.Lfunc_end2:
_tile_overlayer_lowered:
.L_overlay_start_2:
0x38: {  	(tag) =	ssettag $0x2  }
0x39: {  	s0 =	rddreg [dreg:$0x0];
	s2 =	stileid.u32  }
0x3a: {  	s1 =	rddreg [dreg:$0x1];
	p0 =	sne.s32 s2, $0x0  }
0x3b: {  	s3 =	rddreg [dreg:$0x2];
	[bflag:$0x3] =	sbarrier.arrive $0xFFFF;
	s2 =	simm.s32 @!p0 $0x1C01  }
0x3c: {  	[timem:s3], [sflag:s2] =	dma.local @!p0 [hbm:s0], s1  }
0x3d: {  	s0 =	simm.s32 @!p0 $0x1  }
0x3e: {  	_ =	swait.ge @!p0 [sflag:s0], s1  }
0x3f: {  	s1 =	ssub.s32 @!p0 $0x0, s1;
	[sflag:s0] =	ssyncset.done @!p0 $0x0  }
0x40: {  	[sflag:s0] =	ssyncadd.s32 @!p0 s1  }
0x41: {  	[bflag:$0x3] =	sbarrier.arrive $0xFFFF  }
0x42: {  	_ =	shalt  }

</sc_bundles>
